<compile_context>
chip_gen: v7x
topology: tpu7x:2x2x1
jax: 0.10.2.dev20260603
libtpu: 0.0.44.dev20260713+nightly
codegen_flags: <defaults>
</compile_context>

<pallas_src>
import functools

import jax
import jax.numpy as jnp
from jax import lax
from jax.experimental import pallas as pl
from jax.experimental.pallas import tpu as pltpu
from jax.experimental.pallas import tpu_sc as plsc

N = 10000
NP = 10240
E = 320000
G = 64
NC = 2
NS = 16
ROWS_PER_TILE = NP // NS
CHUNK = 128
RB = NP // 128


def _sc_mesh():
    return plsc.VectorSubcoreMesh(
        core_axis_name="c", subcore_axis_name="s",
        num_cores=NC, num_subcores=NS)


_EPT32 = E // (NC * NS)
_DEG_CHUNKS = _EPT32 // CHUNK
_DEG_TAIL = _EPT32 - _DEG_CHUNKS * CHUNK


def _degree_fn():
    @functools.partial(
        pl.kernel,
        out_type=jax.ShapeDtypeStruct((NC, NP, 16), jnp.float32),
        mesh=_sc_mesh(),
        compiler_params=pltpu.CompilerParams(use_tc_tiling_on_sc=False),
        scratch_types=[
            pltpu.VMEM_SHARED((NP, 16), jnp.float32),
            pltpu.VMEM((CHUNK, 16), jnp.float32),
            pltpu.VMEM((CHUNK,), jnp.int32),
            pltpu.VMEM((_DEG_TAIL, 16), jnp.float32),
            pltpu.VMEM((_DEG_TAIL,), jnp.int32),
        ],
    )
    def deg_kernel(dst_hbm, zeros_hbm, ones_hbm, out_hbm,
                   deg_sp, ones_v, idx_v, ones_t, idx_t):
        c = lax.axis_index("c")
        s = lax.axis_index("s")
        r0 = s * ROWS_PER_TILE
        pltpu.sync_copy(zeros_hbm.at[pl.ds(r0, ROWS_PER_TILE)],
                        deg_sp.at[pl.ds(r0, ROWS_PER_TILE)])
        pltpu.sync_copy(ones_hbm, ones_v)
        pltpu.sync_copy(ones_hbm.at[pl.ds(0, _DEG_TAIL)], ones_t)
        plsc.subcore_barrier()
        base = (c * NS + s) * _EPT32

        def chunk(j, carry):
            off = pl.multiple_of(base + j * CHUNK, 8)
            pltpu.sync_copy(dst_hbm.at[pl.ds(off, CHUNK)], idx_v)
            pltpu.sync_copy(ones_v, deg_sp.at[idx_v], add=True)
            return carry

        lax.fori_loop(0, _DEG_CHUNKS, chunk, 0)
        toff = pl.multiple_of(base + _DEG_CHUNKS * CHUNK, 8)
        pltpu.sync_copy(dst_hbm.at[pl.ds(toff, _DEG_TAIL)], idx_t)
        pltpu.sync_copy(ones_t, deg_sp.at[idx_t], add=True)
        plsc.subcore_barrier()
        pltpu.sync_copy(deg_sp.at[pl.ds(r0, ROWS_PER_TILE)],
                        out_hbm.at[c, pl.ds(r0, ROWS_PER_TILE)])

    return deg_kernel


EPT = 20480
EPAD = NS * EPT
DH = 64
SCHUNK = 128
IBLK = 5120
DEPTH = 4


def _make_spmm(passes):
    nchunk = EPT // SCHUNK

    @functools.partial(
        pl.kernel,
        out_type=jax.ShapeDtypeStruct((NC * passes * NP, DH), jnp.float32),
        mesh=_sc_mesh(),
        compiler_params=pltpu.CompilerParams(use_tc_tiling_on_sc=False),
        scratch_types=[
            pltpu.VMEM_SHARED((NP, DH), jnp.float32),
            pltpu.VMEM_SHARED((NP, DH), jnp.float32),
            pltpu.VMEM((IBLK,), jnp.int32),
            pltpu.VMEM((IBLK,), jnp.int32),
        ] + [pltpu.VMEM((SCHUNK, DH), jnp.float32)] * DEPTH
          + [pltpu.SemaphoreType.DMA] * (2 * DEPTH),
    )
    def spmm(g_hbm, src_hbm, dst_hbm, out_hbm,
             tab_sp, acc_sp, src_v, dst_v, *bufs):
        rows = bufs[0:DEPTH]
        gsem = bufs[DEPTH:2 * DEPTH]
        ssem = bufs[2 * DEPTH:3 * DEPTH]
        c = lax.axis_index("c")
        s = lax.axis_index("s")
        r0 = s * ROWS_PER_TILE
        AH = DEPTH // 2

        def start_gather(j, b):
            pltpu.async_copy(tab_sp.at[src_v.at[pl.ds(j * SCHUNK, SCHUNK)]],
                             rows[b], gsem[b])

        def wait_gather(b):
            pltpu.make_async_copy(
                tab_sp.at[pl.ds(0, SCHUNK)], rows[b], gsem[b]).wait()

        def start_scatter(j, b):
            pltpu.async_copy(rows[b],
                             acc_sp.at[dst_v.at[pl.ds(j * SCHUNK, SCHUNK)]],
                             ssem[b], add=True)

        def wait_scatter(b):
            pltpu.make_async_copy(
                rows[b], acc_sp.at[pl.ds(0, SCHUNK)], ssem[b]).wait()

        nblk = EPT // IBLK
        ng = IBLK // SCHUNK // DEPTH
        for p in range(passes):
            t0 = (c * passes + p) * NP
            pltpu.sync_copy(g_hbm.at[pl.ds(t0 + r0, ROWS_PER_TILE)],
                            tab_sp.at[pl.ds(r0, ROWS_PER_TILE)])
            pltpu.sync_copy(tab_sp.at[pl.ds(r0, ROWS_PER_TILE)],
                            acc_sp.at[pl.ds(r0, ROWS_PER_TILE)])
            plsc.subcore_barrier()

            def blk_body(blk, carry):
                e0 = pl.multiple_of(s * EPT + blk * IBLK, 8)
                pltpu.sync_copy(src_hbm.at[pl.ds(e0, IBLK)], src_v)
                pltpu.sync_copy(dst_hbm.at[pl.ds(e0, IBLK)], dst_v)
                for j in range(AH):
                    start_gather(j, j)

                def group(g, carry2):
                    for b in range(DEPTH):
                        j = g * DEPTH + b
                        wait_gather(b)
                        start_scatter(j, b)
                        bp = (b + AH) % DEPTH
                        if b < AH:
                            @pl.when(g >= 1)
                            def _():
                                wait_scatter(bp)
                            start_gather(j + AH, bp)
                        else:
                            @pl.when(g < ng - 1)
                            def _():
                                wait_scatter(bp)
                                start_gather(j + AH, bp)
                    return carry2

                lax.fori_loop(0, ng, group, 0)
                for b in range(DEPTH):
                    wait_scatter(b)
                return carry

            lax.fori_loop(0, nblk, blk_body, 0)
            plsc.subcore_barrier()
            pltpu.sync_copy(acc_sp.at[pl.ds(r0, ROWS_PER_TILE)],
                            out_hbm.at[pl.ds(t0 + r0, ROWS_PER_TILE)])
            plsc.subcore_barrier()

    return spmm


def _prep_body(deg_ref, x_ref, dinv_ref, g_ref):
    deg = deg_ref[0, :, 0:1] + deg_ref[1, :, 0:1] + 1.0
    dinv = lax.rsqrt(deg)
    dinv_ref[...] = dinv
    g = x_ref[...] * dinv
    g_ref[0] = g[:, 0:64]
    g_ref[1] = g[:, 64:128]


def _prep(deg, x):
    return pl.pallas_call(
        _prep_body,
        grid=(RB,),
        in_specs=[
            pl.BlockSpec((2, 128, 16), lambda r: (0, r, 0)),
            pl.BlockSpec((128, 128), lambda r: (r, 0)),
        ],
        out_specs=[
            pl.BlockSpec((128, 1), lambda r: (r, 0)),
            pl.BlockSpec((2, 128, 64), lambda r: (0, r, 0)),
        ],
        out_shape=[
            jax.ShapeDtypeStruct((NP, 1), jnp.float32),
            jax.ShapeDtypeStruct((2, NP, 64), jnp.float32),
        ],
        compiler_params=pltpu.CompilerParams(
            dimension_semantics=("arbitrary",)),
    )(deg, x)


def _make_layer(d_in, d_out):
    pi = d_in // DH
    po = d_out // DH

    def body(s_ref, dinv_ref, w_ref, b_ref, out_ref):
        t = jnp.dot(s_ref[0], w_ref[0:DH, :],
                    preferred_element_type=jnp.float32)
        for q in range(1, pi):
            t = t + jnp.dot(s_ref[q], w_ref[q * DH:(q + 1) * DH, :],
                            preferred_element_type=jnp.float32)
        act = jnp.maximum(dinv_ref[...] * t + b_ref[...], 0.0)
        g = act * dinv_ref[...]
        rid = lax.broadcasted_iota(jnp.int32, (128, 1), 0) + pl.program_id(0) * 128
        g = jnp.where(rid < N, g, 0.0)
        for q in range(po):
            out_ref[q] = g[:, q * DH:(q + 1) * DH]

    def layer(s, dinv, w, b):
        return pl.pallas_call(
            body,
            grid=(RB,),
            in_specs=[
                pl.BlockSpec((pi, 128, DH), lambda r: (0, r, 0)),
                pl.BlockSpec((128, 1), lambda r: (r, 0)),
                pl.BlockSpec((d_in, d_out), lambda r: (0, 0)),
                pl.BlockSpec((1, d_out), lambda r: (0, 0)),
            ],
            out_specs=pl.BlockSpec((po, 128, DH), lambda r: (0, r, 0)),
            out_shape=jax.ShapeDtypeStruct((po, NP, DH), jnp.float32),
            compiler_params=pltpu.CompilerParams(
                dimension_semantics=("arbitrary",)),
        )(s, dinv, w, b)

    return layer


def _pool_body(s_ref, dinv_ref, batch_ref, w_ref, b_ref, wfc_ref, bfc_ref,
               out_ref, acc_ref):
    r = pl.program_id(0)

    @pl.when(r == 0)
    def _init():
        acc_ref[...] = jnp.full((G, 512), -jnp.inf, jnp.float32)

    t = jnp.dot(s_ref[0], w_ref[0:64, :], preferred_element_type=jnp.float32)
    for q in range(1, 4):
        t = t + jnp.dot(s_ref[q], w_ref[q * 64:(q + 1) * 64, :],
                        preferred_element_type=jnp.float32)
    h = jnp.maximum(dinv_ref[...] * t + b_ref[...], 0.0)
    rid = lax.broadcasted_iota(jnp.int32, (128, 1), 0) + r * 128
    hm = jnp.where(rid < N, h, -jnp.inf)
    g_lo = jnp.clip(batch_ref[0, 0], 0, G - 1)
    g_hi = jnp.clip(batch_ref[127, 0], g_lo, G - 1)
    gids = lax.broadcasted_iota(jnp.int32, (G, 1), 0)

    def body(g, carry):
        sel = jnp.where(batch_ref[...] == g, hm, -jnp.inf)
        colmax = jnp.max(sel, axis=0, keepdims=True)
        acc_ref[...] = jnp.where(gids == g,
                                 jnp.maximum(acc_ref[...], colmax),
                                 acc_ref[...])
        return carry

    lax.fori_loop(g_lo, g_hi + 1, body, 0)

    @pl.when(r == RB - 1)
    def _fin():
        out_ref[...] = jnp.dot(acc_ref[...], wfc_ref[...],
                               preferred_element_type=jnp.float32) + bfc_ref[...]


def _pool(s3, dinv, batch2, w3, b3, wfc, bfc):
    return pl.pallas_call(
        _pool_body,
        grid=(RB,),
        in_specs=[
            pl.BlockSpec((4, 128, 64), lambda r: (0, r, 0)),
            pl.BlockSpec((128, 1), lambda r: (r, 0)),
            pl.BlockSpec((128, 1), lambda r: (r, 0)),
            pl.BlockSpec((256, 512), lambda r: (0, 0)),
            pl.BlockSpec((1, 512), lambda r: (0, 0)),
            pl.BlockSpec((512, 128), lambda r: (0, 0)),
            pl.BlockSpec((1, 128), lambda r: (0, 0)),
        ],
        out_specs=pl.BlockSpec((G, 128), lambda r: (0, 0)),
        out_shape=jax.ShapeDtypeStruct((G, 128), jnp.float32),
        scratch_shapes=[pltpu.VMEM((G, 512), jnp.float32)],
        compiler_params=pltpu.CompilerParams(
            dimension_semantics=("arbitrary",)),
    )(s3, dinv, batch2, w3, b3, wfc, bfc)


_degree = _degree_fn()
_spmm_p1 = _make_spmm(1)
_spmm_p2 = _make_spmm(2)
_layer1 = _make_layer(128, 128)
_layer2 = _make_layer(128, 256)


def kernel(x, edge_index, batch, W1, b1, W2, b2, W3, b3, Wfc, bfc):
    src = edge_index[0].astype(jnp.int32)
    dst = edge_index[1].astype(jnp.int32)
    srcp = jnp.concatenate([src, jnp.full((EPAD - E,), N, jnp.int32)])
    dstp = jnp.concatenate([dst, jnp.zeros((EPAD - E,), jnp.int32)])
    zeros16 = jnp.zeros((NP, 16), jnp.float32)
    ones16 = jnp.ones((CHUNK, 16), jnp.float32)
    x_pad = jnp.concatenate(
        [x, jnp.zeros((NP - N, x.shape[1]), jnp.float32)])
    batch2 = jnp.concatenate(
        [batch.astype(jnp.int32),
         jnp.full((NP - N,), G - 1, jnp.int32)]).reshape(NP, 1)

    deg = _degree(dst, zeros16, ones16)
    dinv, g1 = _prep(deg, x_pad)
    s1 = _spmm_p1(g1.reshape(2 * NP, DH), srcp, dstp).reshape(2, NP, DH)
    g2 = _layer1(s1, dinv, W1, b1.reshape(1, -1))
    s2 = _spmm_p1(g2.reshape(2 * NP, DH), srcp, dstp).reshape(2, NP, DH)
    g3 = _layer2(s2, dinv, W2, b2.reshape(1, -1))
    s3 = _spmm_p2(g3.reshape(4 * NP, DH), srcp, dstp).reshape(4, NP, DH)
    out = _pool(s3, dinv, batch2, W3, b3.reshape(1, -1),
                Wfc, bfc.reshape(1, -1))
    return out

# --- scband reference (transcript-rebuilt; emitter-appended) ---
"""Pipeline reference for scband-gcnencoder-4277787427210 (READ-ONLY COPY).

The authoritative reference and input builder live on the scoring server;
editing this copy changes nothing except your own understanding.
"""

import jax, jax.numpy as jnp
import numpy as np

N = 10000
E = 320000
NUM_GRAPHS = 64


def setup_inputs(seed: int = 0):
    key = jax.random.key(seed)
    ks = jax.random.split(key, 8)
    x = jax.random.normal(ks[0], (N, 128), dtype=jnp.float32)
    edge_index = jax.random.randint(ks[1], (2, E), 0, N)
    batch = jnp.sort(jax.random.randint(ks[2], (N,), 0, NUM_GRAPHS))

    def glorot(k, fan_in, fan_out):
        lim = float(np.sqrt(6.0 / (fan_in + fan_out)))
        return jax.random.uniform(k, (fan_in, fan_out), minval=-lim, maxval=lim, dtype=jnp.float32)

    W1 = glorot(ks[3], 128, 128)
    b1 = jnp.zeros((128,), jnp.float32)
    W2 = glorot(ks[4], 128, 256)
    b2 = jnp.zeros((256,), jnp.float32)
    W3 = glorot(ks[5], 256, 512)
    b3 = jnp.zeros((512,), jnp.float32)
    Wfc = glorot(ks[6], 512, 128)
    bfc = jnp.zeros((128,), jnp.float32)
    return {"x": x, "edge_index": edge_index, "batch": batch,
            "W1": W1, "b1": b1, "W2": W2, "b2": b2,
            "W3": W3, "b3": b3, "Wfc": Wfc, "bfc": bfc}


def reference(x, edge_index, batch, W1, b1, W2, b2, W3, b3, Wfc, bfc):
    n = x.shape[0]
    # GCNConv: add self-loops, symmetric normalization D^-1/2 (A+I) D^-1/2
    loop = jnp.arange(n, dtype=edge_index.dtype)
    src = jnp.concatenate([edge_index[0], loop])
    dst = jnp.concatenate([edge_index[1], loop])
    deg = jnp.zeros((n,), x.dtype).at[dst].add(1.0)
    dinv = jnp.where(deg > 0, 1.0 / jnp.sqrt(deg), 0.0)
    norm = dinv[src] * dinv[dst]

    def conv(h, W, b):
        h = h @ W
        msg = h[src] * norm[:, None]
        agg = jnp.zeros((n, h.shape[1]), h.dtype).at[dst].add(msg)
        return agg + b

    h = jax.nn.relu(conv(x, W1, b1))
    h = jax.nn.relu(conv(h, W2, b2))
    h = jax.nn.relu(conv(h, W3, b3))
    pooled = jax.ops.segment_max(h, batch, num_segments=NUM_GRAPHS)
    out = pooled @ Wfc + bfc
    # dropout is identity in eval mode
    return out

if __name__ == "__main__":
    import jax
    _d = setup_inputs()
    print(jax.jit(kernel)(*tuple(_d.values())))

</pallas_src>

<mosaic_0001>
#map = affine_map<(d0, d1) -> (0)>
#map1 = affine_map<(d0, d1) -> (0, 0)>
#map2 = affine_map<(d0, d1) -> (0, 0, 0)>
module attributes {stable_mosaic.version = 14 : i64} {
  func.func @deg_kernel(%arg0: i32, %arg1: i32, %arg2: memref<320000xi32, #tpu.memory_space<hbm>>, %arg3: memref<10240x16xf32, #tpu.memory_space<hbm>>, %arg4: memref<128x16xf32, #tpu.memory_space<hbm>>, %arg5: memref<2x10240x16xf32, #tpu.memory_space<hbm>>, %arg6: memref<10240x16xf32, #tpu.memory_space<vmem_shared>>, %arg7: memref<128x16xf32, #tpu.memory_space<vmem>>, %arg8: memref<128xi32, #tpu.memory_space<vmem>>, %arg9: memref<16x16xf32, #tpu.memory_space<vmem>>, %arg10: memref<16xi32, #tpu.memory_space<vmem>>) attributes {dimension_semantics = [#tpu.dimension_semantics<core_parallel>, #tpu.dimension_semantics<subcore_parallel>], iteration_bounds = array<i64: 2, 16>, scalar_prefetch = 0 : i64, scratch_operands = 5 : i64, tpu.core_type = #tpu.core_type<sc_vector_subcore>, window_params = [{transform_indices = #map}, {transform_indices = #map1}, {transform_indices = #map1}, {transform_indices = #map2}]} {
    %mul3A = arith.constant 640 : i32
    %mul3A_0 = arith.muli %arg1, %mul3A : i32
    "tpu.region"() ({
      %run_scoped3A = tpu.sem_alloc : memref<!tpu.dma_semaphore, #tpu.memory_space<semaphore_mem>>
      %dma_start3A = arith.constant 0 : i32
      %dma_start3A_13 = tpu.memref_slice %arg6[%mul3A_0, %dma_start3A] : memref<10240x16xf32, #tpu.memory_space<vmem_shared>> -> memref<640x16xf32, #tpu.memory_space<vmem_shared>>
      %dma_start3A_14 = arith.constant 0 : i32
      %dma_start3A_15 = tpu.memref_slice %arg3[%mul3A_0, %dma_start3A_14] : memref<10240x16xf32, #tpu.memory_space<hbm>> -> memref<640x16xf32, #tpu.memory_space<hbm>>
      tpu.enqueue_dma source(%dma_start3A_15 : memref<640x16xf32, #tpu.memory_space<hbm>>) target(%dma_start3A_13 : memref<640x16xf32, #tpu.memory_space<vmem_shared>>) target_semaphore(%run_scoped3A : memref<!tpu.dma_semaphore, #tpu.memory_space<semaphore_mem>>)
      %dma_wait3A = arith.constant 0 : i32
      %dma_wait3A_16 = tpu.memref_slice %arg6[%mul3A_0, %dma_wait3A] : memref<10240x16xf32, #tpu.memory_space<vmem_shared>> -> memref<640x16xf32, #tpu.memory_space<vmem_shared>>
      %dma_wait3A_17 = arith.constant 0 : i32
      %dma_wait3A_18 = tpu.memref_slice %arg3[%mul3A_0, %dma_wait3A_17] : memref<10240x16xf32, #tpu.memory_space<hbm>> -> memref<640x16xf32, #tpu.memory_space<hbm>>
      tpu.wait_dma2 semaphore(%run_scoped3A : memref<!tpu.dma_semaphore, #tpu.memory_space<semaphore_mem>>) src(%dma_wait3A_18 : memref<640x16xf32, #tpu.memory_space<hbm>>) dst(%dma_wait3A_16 : memref<640x16xf32, #tpu.memory_space<vmem_shared>>)
      tpu.yield
    }) : () -> ()
    "tpu.region"() ({
      %run_scoped3A = tpu.sem_alloc : memref<!tpu.dma_semaphore, #tpu.memory_space<semaphore_mem>>
      tpu.enqueue_dma source(%arg4 : memref<128x16xf32, #tpu.memory_space<hbm>>) target(%arg7 : memref<128x16xf32, #tpu.memory_space<vmem>>) target_semaphore(%run_scoped3A : memref<!tpu.dma_semaphore, #tpu.memory_space<semaphore_mem>>)
      tpu.wait_dma2 semaphore(%run_scoped3A : memref<!tpu.dma_semaphore, #tpu.memory_space<semaphore_mem>>) src(%arg4 : memref<128x16xf32, #tpu.memory_space<hbm>>) dst(%arg7 : memref<128x16xf32, #tpu.memory_space<vmem>>)
      tpu.yield
    }) : () -> ()
    "tpu.region"() ({
      %run_scoped3A = tpu.sem_alloc : memref<!tpu.dma_semaphore, #tpu.memory_space<semaphore_mem>>
      %dma_start3A = arith.constant 0 : i32
      %dma_start3A_13 = arith.constant 0 : i32
      %dma_start3A_14 = tpu.memref_slice %arg4[%dma_start3A, %dma_start3A_13] : memref<128x16xf32, #tpu.memory_space<hbm>> -> memref<16x16xf32, #tpu.memory_space<hbm>>
      %dma_start3A_15 = arith.constant 0 : i32
      %dma_start3A_16 = arith.constant 0 : i32
      %dma_start3A_17 = tpu.memref_slice %arg4[%dma_start3A_15, %dma_start3A_16] : memref<128x16xf32, #tpu.memory_space<hbm>> -> memref<16x16xf32, #tpu.memory_space<hbm>>
      tpu.enqueue_dma source(%dma_start3A_17 : memref<16x16xf32, #tpu.memory_space<hbm>>) target(%arg9 : memref<16x16xf32, #tpu.memory_space<vmem>>) target_semaphore(%run_scoped3A : memref<!tpu.dma_semaphore, #tpu.memory_space<semaphore_mem>>)
      %dma_wait3A = arith.constant 0 : i32
      %dma_wait3A_18 = arith.constant 0 : i32
      %dma_wait3A_19 = tpu.memref_slice %arg4[%dma_wait3A, %dma_wait3A_18] : memref<128x16xf32, #tpu.memory_space<hbm>> -> memref<16x16xf32, #tpu.memory_space<hbm>>
      %dma_wait3A_20 = arith.constant 0 : i32
      %dma_wait3A_21 = arith.constant 0 : i32
      %dma_wait3A_22 = tpu.memref_slice %arg4[%dma_wait3A_20, %dma_wait3A_21] : memref<128x16xf32, #tpu.memory_space<hbm>> -> memref<16x16xf32, #tpu.memory_space<hbm>>
      tpu.wait_dma2 semaphore(%run_scoped3A : memref<!tpu.dma_semaphore, #tpu.memory_space<semaphore_mem>>) src(%dma_wait3A_22 : memref<16x16xf32, #tpu.memory_space<hbm>>) dst(%arg9 : memref<16x16xf32, #tpu.memory_space<vmem>>)
      tpu.yield
    }) : () -> ()
    %barrier3A = arith.constant 0 : index
    tpu.barrier barrier_id(%barrier3A)
    %mul3A_1 = arith.constant 16 : i32
    %mul3A_2 = arith.muli %arg0, %mul3A_1 : i32
    %add3A = arith.addi %mul3A_2, %arg1 : i32
    %mul3A_3 = arith.constant 10000 : i32
    %mul3A_4 = arith.muli %add3A, %mul3A_3 : i32
    %scan3A = arith.constant 0 : i32
    %scan3A_5 = arith.constant 0 : i32
    %scan3A_6 = arith.constant 78 : i32
    %scan3A_7 = arith.addi %scan3A_5, %scan3A_6 : i32
    %scan3A_8 = arith.constant 1 : i32
    scf.for %scan3A_13 = %scan3A_5 to %scan3A_7 step %scan3A_8  : i32 {
      %mul3A_14 = arith.constant 128 : i32
      %mul3A_15 = arith.muli %scan3A_13, %mul3A_14 : i32
      %add3A_16 = arith.addi %mul3A_4, %mul3A_15 : i32
      %multiple_of3A_17 = tpu.assume_multiple %add3A_16, 8 : i32
      "tpu.region"() ({
        %run_scoped3A = tpu.sem_alloc : memref<!tpu.dma_semaphore, #tpu.memory_space<semaphore_mem>>
        %dma_start3A = tpu.memref_slice %arg2[%multiple_of3A_17] : memref<320000xi32, #tpu.memory_space<hbm>> -> memref<128xi32, #tpu.memory_space<hbm>>
        %dma_start3A_18 = tpu.memref_slice %arg2[%multiple_of3A_17] : memref<320000xi32, #tpu.memory_space<hbm>> -> memref<128xi32, #tpu.memory_space<hbm>>
        tpu.enqueue_dma source(%dma_start3A_18 : memref<128xi32, #tpu.memory_space<hbm>>) target(%arg8 : memref<128xi32, #tpu.memory_space<vmem>>) target_semaphore(%run_scoped3A : memref<!tpu.dma_semaphore, #tpu.memory_space<semaphore_mem>>)
        %dma_wait3A = tpu.memref_slice %arg2[%multiple_of3A_17] : memref<320000xi32, #tpu.memory_space<hbm>> -> memref<128xi32, #tpu.memory_space<hbm>>
        %dma_wait3A_19 = tpu.memref_slice %arg2[%multiple_of3A_17] : memref<320000xi32, #tpu.memory_space<hbm>> -> memref<128xi32, #tpu.memory_space<hbm>>
        tpu.wait_dma2 semaphore(%run_scoped3A : memref<!tpu.dma_semaphore, #tpu.memory_space<semaphore_mem>>) src(%dma_wait3A_19 : memref<128xi32, #tpu.memory_space<hbm>>) dst(%arg8 : memref<128xi32, #tpu.memory_space<vmem>>)
        tpu.yield
      }) : () -> ()
      "tpu.region"() ({
        %run_scoped3A = tpu.sem_alloc : memref<!tpu.dma_semaphore, #tpu.memory_space<semaphore_mem>>
        %dma_start3A = arith.constant 0 : i32
        %dma_start3A_18 = arith.constant 0 : i32
        %dma_start3A_19 = tpu.memref_slice %arg6[%dma_start3A, %dma_start3A_18] : memref<10240x16xf32, #tpu.memory_space<vmem_shared>> -> memref<10240x16xf32, #tpu.memory_space<vmem_shared>>
        tpu.enqueue_indirect_dma source(%arg7 : memref<128x16xf32, #tpu.memory_space<vmem>>) target(%dma_start3A_19 : memref<10240x16xf32, #tpu.memory_space<vmem_shared>>) offsets(%arg8 : memref<128xi32, #tpu.memory_space<vmem>>) semaphore(%run_scoped3A : memref<!tpu.dma_semaphore, #tpu.memory_space<semaphore_mem>>) {add = true}
        %dma_wait3A = arith.constant 0 : i32
        %dma_wait3A_20 = arith.constant 0 : i32
        %dma_wait3A_21 = tpu.memref_slice %arg6[%dma_wait3A, %dma_wait3A_20] : memref<10240x16xf32, #tpu.memory_space<vmem_shared>> -> memref<10240x16xf32, #tpu.memory_space<vmem_shared>>
        tpu.wait_indirect_dma semaphore(%run_scoped3A : memref<!tpu.dma_semaphore, #tpu.memory_space<semaphore_mem>>) src(%arg7 : memref<128x16xf32, #tpu.memory_space<vmem>>) dst(%dma_wait3A_21 : memref<10240x16xf32, #tpu.memory_space<vmem_shared>>)
        tpu.yield
      }) : () -> ()
    }
    %scan3A_9 = arith.constant 78 : i32
    %add3A_10 = arith.constant 9984 : i32
    %add3A_11 = arith.addi %mul3A_4, %add3A_10 : i32
    %multiple_of3A = tpu.assume_multiple %add3A_11, 8 : i32
    "tpu.region"() ({
      %run_scoped3A = tpu.sem_alloc : memref<!tpu.dma_semaphore, #tpu.memory_space<semaphore_mem>>
      %dma_start3A = tpu.memref_slice %arg2[%multiple_of3A] : memref<320000xi32, #tpu.memory_space<hbm>> -> memref<16xi32, #tpu.memory_space<hbm>>
      %dma_start3A_13 = tpu.memref_slice %arg2[%multiple_of3A] : memref<320000xi32, #tpu.memory_space<hbm>> -> memref<16xi32, #tpu.memory_space<hbm>>
      tpu.enqueue_dma source(%dma_start3A_13 : memref<16xi32, #tpu.memory_space<hbm>>) target(%arg10 : memref<16xi32, #tpu.memory_space<vmem>>) target_semaphore(%run_scoped3A : memref<!tpu.dma_semaphore, #tpu.memory_space<semaphore_mem>>)
      %dma_wait3A = tpu.memref_slice %arg2[%multiple_of3A] : memref<320000xi32, #tpu.memory_space<hbm>> -> memref<16xi32, #tpu.memory_space<hbm>>
      %dma_wait3A_14 = tpu.memref_slice %arg2[%multiple_of3A] : memref<320000xi32, #tpu.memory_space<hbm>> -> memref<16xi32, #tpu.memory_space<hbm>>
      tpu.wait_dma2 semaphore(%run_scoped3A : memref<!tpu.dma_semaphore, #tpu.memory_space<semaphore_mem>>) src(%dma_wait3A_14 : memref<16xi32, #tpu.memory_space<hbm>>) dst(%arg10 : memref<16xi32, #tpu.memory_space<vmem>>)
      tpu.yield
    }) : () -> ()
    "tpu.region"() ({
      %run_scoped3A = tpu.sem_alloc : memref<!tpu.dma_semaphore, #tpu.memory_space<semaphore_mem>>
      %dma_start3A = arith.constant 0 : i32
      %dma_start3A_13 = arith.constant 0 : i32
      %dma_start3A_14 = tpu.memref_slice %arg6[%dma_start3A, %dma_start3A_13] : memref<10240x16xf32, #tpu.memory_space<vmem_shared>> -> memref<10240x16xf32, #tpu.memory_space<vmem_shared>>
      tpu.enqueue_indirect_dma source(%arg9 : memref<16x16xf32, #tpu.memory_space<vmem>>) target(%dma_start3A_14 : memref<10240x16xf32, #tpu.memory_space<vmem_shared>>) offsets(%arg10 : memref<16xi32, #tpu.memory_space<vmem>>) semaphore(%run_scoped3A : memref<!tpu.dma_semaphore, #tpu.memory_space<semaphore_mem>>) {add = true}
      %dma_wait3A = arith.constant 0 : i32
      %dma_wait3A_15 = arith.constant 0 : i32
      %dma_wait3A_16 = tpu.memref_slice %arg6[%dma_wait3A, %dma_wait3A_15] : memref<10240x16xf32, #tpu.memory_space<vmem_shared>> -> memref<10240x16xf32, #tpu.memory_space<vmem_shared>>
      tpu.wait_indirect_dma semaphore(%run_scoped3A : memref<!tpu.dma_semaphore, #tpu.memory_space<semaphore_mem>>) src(%arg9 : memref<16x16xf32, #tpu.memory_space<vmem>>) dst(%dma_wait3A_16 : memref<10240x16xf32, #tpu.memory_space<vmem_shared>>)
      tpu.yield
    }) : () -> ()
    %barrier3A_12 = arith.constant 0 : index
    tpu.barrier barrier_id(%barrier3A_12)
    "tpu.region"() ({
      %run_scoped3A = tpu.sem_alloc : memref<!tpu.dma_semaphore, #tpu.memory_space<semaphore_mem>>
      %dma_start3A = arith.constant 0 : i32
      %dma_start3A_13 = tpu.memref_slice %arg5[%arg0, %mul3A_0, %dma_start3A] : memref<2x10240x16xf32, #tpu.memory_space<hbm>> -> memref<1x640x16xf32, #tpu.memory_space<hbm>>
      %dma_start3A_14 = tpu.memref_squeeze %dma_start3A_13 : memref<1x640x16xf32, #tpu.memory_space<hbm>> -> memref<640x16xf32, #tpu.memory_space<hbm>>
      %dma_start3A_15 = arith.constant 0 : i32
      %dma_start3A_16 = tpu.memref_slice %arg6[%mul3A_0, %dma_start3A_15] : memref<10240x16xf32, #tpu.memory_space<vmem_shared>> -> memref<640x16xf32, #tpu.memory_space<vmem_shared>>
      tpu.enqueue_dma source(%dma_start3A_16 : memref<640x16xf32, #tpu.memory_space<vmem_shared>>) target(%dma_start3A_14 : memref<640x16xf32, #tpu.memory_space<hbm>>) target_semaphore(%run_scoped3A : memref<!tpu.dma_semaphore, #tpu.memory_space<semaphore_mem>>)
      %dma_wait3A = arith.constant 0 : i32
      %dma_wait3A_17 = tpu.memref_slice %arg5[%arg0, %mul3A_0, %dma_wait3A] : memref<2x10240x16xf32, #tpu.memory_space<hbm>> -> memref<1x640x16xf32, #tpu.memory_space<hbm>>
      %dma_wait3A_18 = tpu.memref_squeeze %dma_wait3A_17 : memref<1x640x16xf32, #tpu.memory_space<hbm>> -> memref<640x16xf32, #tpu.memory_space<hbm>>
      %dma_wait3A_19 = arith.constant 0 : i32
      %dma_wait3A_20 = tpu.memref_slice %arg6[%mul3A_0, %dma_wait3A_19] : memref<10240x16xf32, #tpu.memory_space<vmem_shared>> -> memref<640x16xf32, #tpu.memory_space<vmem_shared>>
      tpu.wait_dma2 semaphore(%run_scoped3A : memref<!tpu.dma_semaphore, #tpu.memory_space<semaphore_mem>>) src(%dma_wait3A_20 : memref<640x16xf32, #tpu.memory_space<vmem_shared>>) dst(%dma_wait3A_18 : memref<640x16xf32, #tpu.memory_space<hbm>>)
      tpu.yield
    }) : () -> ()
    return
  }
}

#map = affine_map<(d0, d1) -> (0, 0)>
#map1 = affine_map<(d0, d1) -> (0)>
module attributes {stable_mosaic.version = 14 : i64} {
  func.func @spmm(%arg0: i32, %arg1: i32, %arg2: memref<20480x64xf32, #tpu.memory_space<hbm>>, %arg3: memref<327680xi32, #tpu.memory_space<hbm>>, %arg4: memref<327680xi32, #tpu.memory_space<hbm>>, %arg5: memref<20480x64xf32, #tpu.memory_space<hbm>>, %arg6: memref<10240x64xf32, #tpu.memory_space<vmem_shared>>, %arg7: memref<10240x64xf32, #tpu.memory_space<vmem_shared>>, %arg8: memref<5120xi32, #tpu.memory_space<vmem>>, %arg9: memref<5120xi32, #tpu.memory_space<vmem>>, %arg10: memref<128x64xf32, #tpu.memory_space<vmem>>, %arg11: memref<128x64xf32, #tpu.memory_space<vmem>>, %arg12: memref<128x64xf32, #tpu.memory_space<vmem>>, %arg13: memref<128x64xf32, #tpu.memory_space<vmem>>, %arg14: memref<!tpu.dma_semaphore, #tpu.memory_space<semaphore_mem>>, %arg15: memref<!tpu.dma_semaphore, #tpu.memory_space<semaphore_mem>>, %arg16: memref<!tpu.dma_semaphore, #tpu.memory_space<semaphore_mem>>, %arg17: memref<!tpu.dma_semaphore, #tpu.memory_space<semaphore_mem>>, %arg18: memref<!tpu.dma_semaphore, #tpu.memory_space<semaphore_mem>>, %arg19: memref<!tpu.dma_semaphore, #tpu.memory_space<semaphore_mem>>, %arg20: memref<!tpu.dma_semaphore, #tpu.memory_space<semaphore_mem>>, %arg21: memref<!tpu.dma_semaphore, #tpu.memory_space<semaphore_mem>>) attributes {dimension_semantics = [#tpu.dimension_semantics<core_parallel>, #tpu.dimension_semantics<subcore_parallel>], iteration_bounds = array<i64: 2, 16>, scalar_prefetch = 0 : i64, scratch_operands = 16 : i64, tpu.core_type = #tpu.core_type<sc_vector_subcore>, window_params = [{transform_indices = #map}, {transform_indices = #map1}, {transform_indices = #map1}, {transform_indices = #map}]} {
    %mul3A = arith.constant 640 : i32
    %mul3A_0 = arith.muli %arg1, %mul3A : i32
    %mul3A_1 = arith.constant 1 : i32
    %mul3A_2 = arith.muli %arg0, %mul3A_1 : i32
    %add3A = arith.constant 0 : i32
    %add3A_3 = arith.addi %mul3A_2, %add3A : i32
    %mul3A_4 = arith.constant 10240 : i32
    %mul3A_5 = arith.muli %add3A_3, %mul3A_4 : i32
    %add3A_6 = arith.addi %mul3A_5, %mul3A_0 : i32
    "tpu.region"() ({
      %run_scoped3A = tpu.sem_alloc : memref<!tpu.dma_semaphore, #tpu.memory_space<semaphore_mem>>
      %dma_start3A = arith.constant 0 : i32
      %dma_start3A_15 = tpu.memref_slice %arg6[%mul3A_0, %dma_start3A] : memref<10240x64xf32, #tpu.memory_space<vmem_shared>> -> memref<640x64xf32, #tpu.memory_space<vmem_shared>>
      %dma_start3A_16 = arith.constant 0 : i32
      %dma_start3A_17 = tpu.memref_slice %arg2[%add3A_6, %dma_start3A_16] : memref<20480x64xf32, #tpu.memory_space<hbm>> -> memref<640x64xf32, #tpu.memory_space<hbm>>
      tpu.enqueue_dma source(%dma_start3A_17 : memref<640x64xf32, #tpu.memory_space<hbm>>) target(%dma_start3A_15 : memref<640x64xf32, #tpu.memory_space<vmem_shared>>) target_semaphore(%run_scoped3A : memref<!tpu.dma_semaphore, #tpu.memory_space<semaphore_mem>>)
      %dma_wait3A = arith.constant 0 : i32
      %dma_wait3A_18 = tpu.memref_slice %arg6[%mul3A_0, %dma_wait3A] : memref<10240x64xf32, #tpu.memory_space<vmem_shared>> -> memref<640x64xf32, #tpu.memory_space<vmem_shared>>
      %dma_wait3A_19 = arith.constant 0 : i32
      %dma_wait3A_20 = tpu.memref_slice %arg2[%add3A_6, %dma_wait3A_19] : memref<20480x64xf32, #tpu.memory_space<hbm>> -> memref<640x64xf32, #tpu.memory_space<hbm>>
      tpu.wait_dma2 semaphore(%run_scoped3A : memref<!tpu.dma_semaphore, #tpu.memory_space<semaphore_mem>>) src(%dma_wait3A_20 : memref<640x64xf32, #tpu.memory_space<hbm>>) dst(%dma_wait3A_18 : memref<640x64xf32, #tpu.memory_space<vmem_shared>>)
      tpu.yield
    }) : () -> ()
    "tpu.region"() ({
      %run_scoped3A = tpu.sem_alloc : memref<!tpu.dma_semaphore, #tpu.memory_space<semaphore_mem>>
      %dma_start3A = arith.constant 0 : i32
      %dma_start3A_15 = tpu.memref_slice %arg7[%mul3A_0, %dma_start3A] : memref<10240x64xf32, #tpu.memory_space<vmem_shared>> -> memref<640x64xf32, #tpu.memory_space<vmem_shared>>
      %dma_start3A_16 = arith.constant 0 : i32
      %dma_start3A_17 = tpu.memref_slice %arg6[%mul3A_0, %dma_start3A_16] : memref<10240x64xf32, #tpu.memory_space<vmem_shared>> -> memref<640x64xf32, #tpu.memory_space<vmem_shared>>
      tpu.enqueue_dma source(%dma_start3A_17 : memref<640x64xf32, #tpu.memory_space<vmem_shared>>) target(%dma_start3A_15 : memref<640x64xf32, #tpu.memory_space<vmem_shared>>) target_semaphore(%run_scoped3A : memref<!tpu.dma_semaphore, #tpu.memory_space<semaphore_mem>>)
      %dma_wait3A = arith.constant 0 : i32
      %dma_wait3A_18 = tpu.memref_slice %arg7[%mul3A_0, %dma_wait3A] : memref<10240x64xf32, #tpu.memory_space<vmem_shared>> -> memref<640x64xf32, #tpu.memory_space<vmem_shared>>
      %dma_wait3A_19 = arith.constant 0 : i32
      %dma_wait3A_20 = tpu.memref_slice %arg6[%mul3A_0, %dma_wait3A_19] : memref<10240x64xf32, #tpu.memory_space<vmem_shared>> -> memref<640x64xf32, #tpu.memory_space<vmem_shared>>
      tpu.wait_dma2 semaphore(%run_scoped3A : memref<!tpu.dma_semaphore, #tpu.memory_space<semaphore_mem>>) src(%dma_wait3A_20 : memref<640x64xf32, #tpu.memory_space<vmem_shared>>) dst(%dma_wait3A_18 : memref<640x64xf32, #tpu.memory_space<vmem_shared>>)
      tpu.yield
    }) : () -> ()
    %barrier3A = arith.constant 0 : index
    tpu.barrier barrier_id(%barrier3A)
    %scan3A = arith.constant 0 : i32
    %scan3A_7 = arith.constant 0 : i32
    %scan3A_8 = arith.constant 4 : i32
    %scan3A_9 = arith.addi %scan3A_7, %scan3A_8 : i32
    %scan3A_10 = arith.constant 1 : i32
    scf.for %scan3A_15 = %scan3A_7 to %scan3A_9 step %scan3A_10  : i32 {
      %mul3A_16 = arith.constant 20480 : i32
      %mul3A_17 = arith.muli %arg1, %mul3A_16 : i32
      %mul3A_18 = arith.constant 5120 : i32
      %mul3A_19 = arith.muli %scan3A_15, %mul3A_18 : i32
      %add3A_20 = arith.addi %mul3A_17, %mul3A_19 : i32
      %multiple_of3A = tpu.assume_multiple %add3A_20, 8 : i32
      "tpu.region"() ({
        %run_scoped3A = tpu.sem_alloc : memref<!tpu.dma_semaphore, #tpu.memory_space<semaphore_mem>>
        %dma_start3A_59 = tpu.memref_slice %arg3[%multiple_of3A] : memref<327680xi32, #tpu.memory_space<hbm>> -> memref<5120xi32, #tpu.memory_space<hbm>>
        %dma_start3A_60 = tpu.memref_slice %arg3[%multiple_of3A] : memref<327680xi32, #tpu.memory_space<hbm>> -> memref<5120xi32, #tpu.memory_space<hbm>>
        tpu.enqueue_dma source(%dma_start3A_60 : memref<5120xi32, #tpu.memory_space<hbm>>) target(%arg8 : memref<5120xi32, #tpu.memory_space<vmem>>) target_semaphore(%run_scoped3A : memref<!tpu.dma_semaphore, #tpu.memory_space<semaphore_mem>>)
        %dma_wait3A_61 = tpu.memref_slice %arg3[%multiple_of3A] : memref<327680xi32, #tpu.memory_space<hbm>> -> memref<5120xi32, #tpu.memory_space<hbm>>
        %dma_wait3A_62 = tpu.memref_slice %arg3[%multiple_of3A] : memref<327680xi32, #tpu.memory_space<hbm>> -> memref<5120xi32, #tpu.memory_space<hbm>>
        tpu.wait_dma2 semaphore(%run_scoped3A : memref<!tpu.dma_semaphore, #tpu.memory_space<semaphore_mem>>) src(%dma_wait3A_62 : memref<5120xi32, #tpu.memory_space<hbm>>) dst(%arg8 : memref<5120xi32, #tpu.memory_space<vmem>>)
        tpu.yield
      }) : () -> ()
      "tpu.region"() ({
        %run_scoped3A = tpu.sem_alloc : memref<!tpu.dma_semaphore, #tpu.memory_space<semaphore_mem>>
        %dma_start3A_59 = tpu.memref_slice %arg4[%multiple_of3A] : memref<327680xi32, #tpu.memory_space<hbm>> -> memref<5120xi32, #tpu.memory_space<hbm>>
        %dma_start3A_60 = tpu.memref_slice %arg4[%multiple_of3A] : memref<327680xi32, #tpu.memory_space<hbm>> -> memref<5120xi32, #tpu.memory_space<hbm>>
        tpu.enqueue_dma source(%dma_start3A_60 : memref<5120xi32, #tpu.memory_space<hbm>>) target(%arg9 : memref<5120xi32, #tpu.memory_space<vmem>>) target_semaphore(%run_scoped3A : memref<!tpu.dma_semaphore, #tpu.memory_space<semaphore_mem>>)
        %dma_wait3A_61 = tpu.memref_slice %arg4[%multiple_of3A] : memref<327680xi32, #tpu.memory_space<hbm>> -> memref<5120xi32, #tpu.memory_space<hbm>>
        %dma_wait3A_62 = tpu.memref_slice %arg4[%multiple_of3A] : memref<327680xi32, #tpu.memory_space<hbm>> -> memref<5120xi32, #tpu.memory_space<hbm>>
        tpu.wait_dma2 semaphore(%run_scoped3A : memref<!tpu.dma_semaphore, #tpu.memory_space<semaphore_mem>>) src(%dma_wait3A_62 : memref<5120xi32, #tpu.memory_space<hbm>>) dst(%arg9 : memref<5120xi32, #tpu.memory_space<vmem>>)
        tpu.yield
      }) : () -> ()
      %dma_start3A = arith.constant 0 : i32
      %dma_start3A_21 = tpu.memref_slice %arg8[%dma_start3A] : memref<5120xi32, #tpu.memory_space<vmem>> -> memref<128xi32, #tpu.memory_space<vmem>>
      %dma_start3A_22 = arith.constant 0 : i32
      %dma_start3A_23 = arith.constant 0 : i32
      %dma_start3A_24 = tpu.memref_slice %arg6[%dma_start3A_22, %dma_start3A_23] : memref<10240x64xf32, #tpu.memory_space<vmem_shared>> -> memref<10240x64xf32, #tpu.memory_space<vmem_shared>>
      tpu.enqueue_indirect_dma source(%dma_start3A_24 : memref<10240x64xf32, #tpu.memory_space<vmem_shared>>) target(%arg10 : memref<128x64xf32, #tpu.memory_space<vmem>>) offsets(%dma_start3A_21 : memref<128xi32, #tpu.memory_space<vmem>>) semaphore(%arg14 : memref<!tpu.dma_semaphore, #tpu.memory_space<semaphore_mem>>)
      %dma_start3A_25 = arith.constant 128 : i32
      %dma_start3A_26 = tpu.memref_slice %arg8[%dma_start3A_25] : memref<5120xi32, #tpu.memory_space<vmem>> -> memref<128xi32, #tpu.memory_space<vmem>>
      %dma_start3A_27 = arith.constant 0 : i32
      %dma_start3A_28 = arith.constant 0 : i32
      %dma_start3A_29 = tpu.memref_slice %arg6[%dma_start3A_27, %dma_start3A_28] : memref<10240x64xf32, #tpu.memory_space<vmem_shared>> -> memref<10240x64xf32, #tpu.memory_space<vmem_shared>>
      tpu.enqueue_indirect_dma source(%dma_start3A_29 : memref<10240x64xf32, #tpu.memory_space<vmem_shared>>) target(%arg11 : memref<128x64xf32, #tpu.memory_space<vmem>>) offsets(%dma_start3A_26 : memref<128xi32, #tpu.memory_space<vmem>>) semaphore(%arg15 : memref<!tpu.dma_semaphore, #tpu.memory_space<semaphore_mem>>)
      %scan3A_30 = arith.constant 0 : i32
      %scan3A_31 = arith.constant 0 : i32
      %scan3A_32 = arith.constant 10 : i32
      %scan3A_33 = arith.addi %scan3A_31, %scan3A_32 : i32
      %scan3A_34 = arith.constant 1 : i32
      scf.for %scan3A_59 = %scan3A_31 to %scan3A_33 step %scan3A_34  : i32 {
        %mul3A_60 = arith.constant 4 : i32
        %mul3A_61 = arith.muli %scan3A_59, %mul3A_60 : i32
        %add3A_62 = arith.constant 0 : i32
        %add3A_63 = arith.addi %mul3A_61, %add3A_62 : i32
        %dma_wait3A_64 = arith.constant 0 : i32
        %dma_wait3A_65 = arith.constant 0 : i32
        %dma_wait3A_66 = tpu.memref_slice %arg6[%dma_wait3A_64, %dma_wait3A_65] : memref<10240x64xf32, #tpu.memory_space<vmem_shared>> -> memref<128x64xf32, #tpu.memory_space<vmem_shared>>
        %dma_wait3A_67 = arith.constant 0 : i32
        %dma_wait3A_68 = arith.constant 0 : i32
        %dma_wait3A_69 = tpu.memref_slice %arg6[%dma_wait3A_67, %dma_wait3A_68] : memref<10240x64xf32, #tpu.memory_space<vmem_shared>> -> memref<128x64xf32, #tpu.memory_space<vmem_shared>>
        tpu.wait_dma2 semaphore(%arg14 : memref<!tpu.dma_semaphore, #tpu.memory_space<semaphore_mem>>) src(%dma_wait3A_69 : memref<128x64xf32, #tpu.memory_space<vmem_shared>>) dst(%arg10 : memref<128x64xf32, #tpu.memory_space<vmem>>)
        %mul3A_70 = arith.constant 128 : i32
        %mul3A_71 = arith.muli %add3A_63, %mul3A_70 : i32
        %dma_start3A_72 = tpu.memref_slice %arg9[%mul3A_71] : memref<5120xi32, #tpu.memory_space<vmem>> -> memref<128xi32, #tpu.memory_space<vmem>>
        %dma_start3A_73 = arith.constant 0 : i32
        %dma_start3A_74 = arith.constant 0 : i32
        %dma_start3A_75 = tpu.memref_slice %arg7[%dma_start3A_73, %dma_start3A_74] : memref<10240x64xf32, #tpu.memory_space<vmem_shared>> -> memref<10240x64xf32, #tpu.memory_space<vmem_shared>>
        tpu.enqueue_indirect_dma source(%arg10 : memref<128x64xf32, #tpu.memory_space<vmem>>) target(%dma_start3A_75 : memref<10240x64xf32, #tpu.memory_space<vmem_shared>>) offsets(%dma_start3A_72 : memref<128xi32, #tpu.memory_space<vmem>>) semaphore(%arg18 : memref<!tpu.dma_semaphore, #tpu.memory_space<semaphore_mem>>) {add = true}
        %ge3A = arith.constant 1 : i32
        %ge3A_76 = arith.cmpi sge, %scan3A_59, %ge3A : i32
        %convert_element_type3A = arith.extui %ge3A_76 : i1 to i32
        %cond3A = arith.constant 0 : i32
        %cond3A_77 = arith.cmpi ne, %convert_element_type3A, %cond3A : i32
        scf.if %cond3A_77 {
          %dma_wait3A_156 = arith.constant 0 : i32
          %dma_wait3A_157 = arith.constant 0 : i32
          %dma_wait3A_158 = tpu.memref_slice %arg7[%dma_wait3A_156, %dma_wait3A_157] : memref<10240x64xf32, #tpu.memory_space<vmem_shared>> -> memref<128x64xf32, #tpu.memory_space<vmem_shared>>
          %dma_wait3A_159 = arith.constant 0 : i32
          %dma_wait3A_160 = arith.constant 0 : i32
          %dma_wait3A_161 = tpu.memref_slice %arg7[%dma_wait3A_159, %dma_wait3A_160] : memref<10240x64xf32, #tpu.memory_space<vmem_shared>> -> memref<128x64xf32, #tpu.memory_space<vmem_shared>>
          tpu.wait_dma2 semaphore(%arg20 : memref<!tpu.dma_semaphore, #tpu.memory_space<semaphore_mem>>) src(%arg12 : memref<128x64xf32, #tpu.memory_space<vmem>>) dst(%dma_wait3A_161 : memref<128x64xf32, #tpu.memory_space<vmem_shared>>)
        } else {
        }
        %add3A_78 = arith.constant 2 : i32
        %add3A_79 = arith.addi %add3A_63, %add3A_78 : i32
        %mul3A_80 = arith.constant 128 : i32
        %mul3A_81 = arith.muli %add3A_79, %mul3A_80 : i32
        %dma_start3A_82 = tpu.memref_slice %arg8[%mul3A_81] : memref<5120xi32, #tpu.memory_space<vmem>> -> memref<128xi32, #tpu.memory_space<vmem>>
        %dma_start3A_83 = arith.constant 0 : i32
        %dma_start3A_84 = arith.constant 0 : i32
        %dma_start3A_85 = tpu.memref_slice %arg6[%dma_start3A_83, %dma_start3A_84] : memref<10240x64xf32, #tpu.memory_space<vmem_shared>> -> memref<10240x64xf32, #tpu.memory_space<vmem_shared>>
        tpu.enqueue_indirect_dma source(%dma_start3A_85 : memref<10240x64xf32, #tpu.memory_space<vmem_shared>>) target(%arg12 : memref<128x64xf32, #tpu.memory_space<vmem>>) offsets(%dma_start3A_82 : memref<128xi32, #tpu.memory_space<vmem>>) semaphore(%arg16 : memref<!tpu.dma_semaphore, #tpu.memory_space<semaphore_mem>>)
        %mul3A_86 = arith.constant 4 : i32
        %mul3A_87 = arith.muli %scan3A_59, %mul3A_86 : i32
        %add3A_88 = arith.constant 1 : i32
        %add3A_89 = arith.addi %mul3A_87, %add3A_88 : i32
        %dma_wait3A_90 = arith.constant 0 : i32
        %dma_wait3A_91 = arith.constant 0 : i32
        %dma_wait3A_92 = tpu.memref_slice %arg6[%dma_wait3A_90, %dma_wait3A_91] : memref<10240x64xf32, #tpu.memory_space<vmem_shared>> -> memref<128x64xf32, #tpu.memory_space<vmem_shared>>
        %dma_wait3A_93 = arith.constant 0 : i32
        %dma_wait3A_94 = arith.constant 0 : i32
        %dma_wait3A_95 = tpu.memref_slice %arg6[%dma_wait3A_93, %dma_wait3A_94] : memref<10240x64xf32, #tpu.memory_space<vmem_shared>> -> memref<128x64xf32, #tpu.memory_space<vmem_shared>>
        tpu.wait_dma2 semaphore(%arg15 : memref<!tpu.dma_semaphore, #tpu.memory_space<semaphore_mem>>) src(%dma_wait3A_95 : memref<128x64xf32, #tpu.memory_space<vmem_shared>>) dst(%arg11 : memref<128x64xf32, #tpu.memory_space<vmem>>)
        %mul3A_96 = arith.constant 128 : i32
        %mul3A_97 = arith.muli %add3A_89, %mul3A_96 : i32
        %dma_start3A_98 = tpu.memref_slice %arg9[%mul3A_97] : memref<5120xi32, #tpu.memory_space<vmem>> -> memref<128xi32, #tpu.memory_space<vmem>>
        %dma_start3A_99 = arith.constant 0 : i32
        %dma_start3A_100 = arith.constant 0 : i32
        %dma_start3A_101 = tpu.memref_slice %arg7[%dma_start3A_99, %dma_start3A_100] : memref<10240x64xf32, #tpu.memory_space<vmem_shared>> -> memref<10240x64xf32, #tpu.memory_space<vmem_shared>>
        tpu.enqueue_indirect_dma source(%arg11 : memref<128x64xf32, #tpu.memory_space<vmem>>) target(%dma_start3A_101 : memref<10240x64xf32, #tpu.memory_space<vmem_shared>>) offsets(%dma_start3A_98 : memref<128xi32, #tpu.memory_space<vmem>>) semaphore(%arg19 : memref<!tpu.dma_semaphore, #tpu.memory_space<semaphore_mem>>) {add = true}
        %ge3A_102 = arith.constant 1 : i32
        %ge3A_103 = arith.cmpi sge, %scan3A_59, %ge3A_102 : i32
        %convert_element_type3A_104 = arith.extui %ge3A_103 : i1 to i32
        %cond3A_105 = arith.constant 0 : i32
        %cond3A_106 = arith.cmpi ne, %convert_element_type3A_104, %cond3A_105 : i32
        scf.if %cond3A_106 {
          %dma_wait3A_156 = arith.constant 0 : i32
          %dma_wait3A_157 = arith.constant 0 : i32
          %dma_wait3A_158 = tpu.memref_slice %arg7[%dma_wait3A_156, %dma_wait3A_157] : memref<10240x64xf32, #tpu.memory_space<vmem_shared>> -> memref<128x64xf32, #tpu.memory_space<vmem_shared>>
          %dma_wait3A_159 = arith.constant 0 : i32
          %dma_wait3A_160 = arith.constant 0 : i32
          %dma_wait3A_161 = tpu.memref_slice %arg7[%dma_wait3A_159, %dma_wait3A_160] : memref<10240x64xf32, #tpu.memory_space<vmem_shared>> -> memref<128x64xf32, #tpu.memory_space<vmem_shared>>
          tpu.wait_dma2 semaphore(%arg21 : memref<!tpu.dma_semaphore, #tpu.memory_space<semaphore_mem>>) src(%arg13 : memref<128x64xf32, #tpu.memory_space<vmem>>) dst(%dma_wait3A_161 : memref<128x64xf32, #tpu.memory_space<vmem_shared>>)
        } else {
        }
        %add3A_107 = arith.constant 2 : i32
        %add3A_108 = arith.addi %add3A_89, %add3A_107 : i32
        %mul3A_109 = arith.constant 128 : i32
        %mul3A_110 = arith.muli %add3A_108, %mul3A_109 : i32
        %dma_start3A_111 = tpu.memref_slice %arg8[%mul3A_110] : memref<5120xi32, #tpu.memory_space<vmem>> -> memref<128xi32, #tpu.memory_space<vmem>>
        %dma_start3A_112 = arith.constant 0 : i32
        %dma_start3A_113 = arith.constant 0 : i32
        %dma_start3A_114 = tpu.memref_slice %arg6[%dma_start3A_112, %dma_start3A_113] : memref<10240x64xf32, #tpu.memory_space<vmem_shared>> -> memref<10240x64xf32, #tpu.memory_space<vmem_shared>>
        tpu.enqueue_indirect_dma source(%dma_start3A_114 : memref<10240x64xf32, #tpu.memory_space<vmem_shared>>) target(%arg13 : memref<128x64xf32, #tpu.memory_space<vmem>>) offsets(%dma_start3A_111 : memref<128xi32, #tpu.memory_space<vmem>>) semaphore(%arg17 : memref<!tpu.dma_semaphore, #tpu.memory_space<semaphore_mem>>)
        %mul3A_115 = arith.constant 4 : i32
        %mul3A_116 = arith.muli %scan3A_59, %mul3A_115 : i32
        %add3A_117 = arith.constant 2 : i32
        %add3A_118 = arith.addi %mul3A_116, %add3A_117 : i32
        %dma_wait3A_119 = arith.constant 0 : i32
        %dma_wait3A_120 = arith.constant 0 : i32
        %dma_wait3A_121 = tpu.memref_slice %arg6[%dma_wait3A_119, %dma_wait3A_120] : memref<10240x64xf32, #tpu.memory_space<vmem_shared>> -> memref<128x64xf32, #tpu.memory_space<vmem_shared>>
        %dma_wait3A_122 = arith.constant 0 : i32
        %dma_wait3A_123 = arith.constant 0 : i32
        %dma_wait3A_124 = tpu.memref_slice %arg6[%dma_wait3A_122, %dma_wait3A_123] : memref<10240x64xf32, #tpu.memory_space<vmem_shared>> -> memref<128x64xf32, #tpu.memory_space<vmem_shared>>
        tpu.wait_dma2 semaphore(%arg16 : memref<!tpu.dma_semaphore, #tpu.memory_space<semaphore_mem>>) src(%dma_wait3A_124 : memref<128x64xf32, #tpu.memory_space<vmem_shared>>) dst(%arg12 : memref<128x64xf32, #tpu.memory_space<vmem>>)
        %mul3A_125 = arith.constant 128 : i32
        %mul3A_126 = arith.muli %add3A_118, %mul3A_125 : i32
        %dma_start3A_127 = tpu.memref_slice %arg9[%mul3A_126] : memref<5120xi32, #tpu.memory_space<vmem>> -> memref<128xi32, #tpu.memory_space<vmem>>
        %dma_start3A_128 = arith.constant 0 : i32
        %dma_start3A_129 = arith.constant 0 : i32
        %dma_start3A_130 = tpu.memref_slice %arg7[%dma_start3A_128, %dma_start3A_129] : memref<10240x64xf32, #tpu.memory_space<vmem_shared>> -> memref<10240x64xf32, #tpu.memory_space<vmem_shared>>
        tpu.enqueue_indirect_dma source(%arg12 : memref<128x64xf32, #tpu.memory_space<vmem>>) target(%dma_start3A_130 : memref<10240x64xf32, #tpu.memory_space<vmem_shared>>) offsets(%dma_start3A_127 : memref<128xi32, #tpu.memory_space<vmem>>) semaphore(%arg20 : memref<!tpu.dma_semaphore, #tpu.memory_space<semaphore_mem>>) {add = true}
        %lt3A = arith.constant 9 : i32
        %lt3A_131 = arith.cmpi slt, %scan3A_59, %lt3A : i32
        %convert_element_type3A_132 = arith.extui %lt3A_131 : i1 to i32
        %cond3A_133 = arith.constant 0 : i32
        %cond3A_134 = arith.cmpi ne, %convert_element_type3A_132, %cond3A_133 : i32
        scf.if %cond3A_134 {
          %dma_wait3A_156 = arith.constant 0 : i32
          %dma_wait3A_157 = arith.constant 0 : i32
          %dma_wait3A_158 = tpu.memref_slice %arg7[%dma_wait3A_156, %dma_wait3A_157] : memref<10240x64xf32, #tpu.memory_space<vmem_shared>> -> memref<128x64xf32, #tpu.memory_space<vmem_shared>>
          %dma_wait3A_159 = arith.constant 0 : i32
          %dma_wait3A_160 = arith.constant 0 : i32
          %dma_wait3A_161 = tpu.memref_slice %arg7[%dma_wait3A_159, %dma_wait3A_160] : memref<10240x64xf32, #tpu.memory_space<vmem_shared>> -> memref<128x64xf32, #tpu.memory_space<vmem_shared>>
          tpu.wait_dma2 semaphore(%arg18 : memref<!tpu.dma_semaphore, #tpu.memory_space<semaphore_mem>>) src(%arg10 : memref<128x64xf32, #tpu.memory_space<vmem>>) dst(%dma_wait3A_161 : memref<128x64xf32, #tpu.memory_space<vmem_shared>>)
          %add3A_162 = arith.constant 2 : i32
          %add3A_163 = arith.addi %add3A_118, %add3A_162 : i32
          %mul3A_164 = arith.constant 128 : i32
          %mul3A_165 = arith.muli %add3A_163, %mul3A_164 : i32
          %dma_start3A_166 = tpu.memref_slice %arg8[%mul3A_165] : memref<5120xi32, #tpu.memory_space<vmem>> -> memref<128xi32, #tpu.memory_space<vmem>>
          %dma_start3A_167 = arith.constant 0 : i32
          %dma_start3A_168 = arith.constant 0 : i32
          %dma_start3A_169 = tpu.memref_slice %arg6[%dma_start3A_167, %dma_start3A_168] : memref<10240x64xf32, #tpu.memory_space<vmem_shared>> -> memref<10240x64xf32, #tpu.memory_space<vmem_shared>>
          tpu.enqueue_indirect_dma source(%dma_start3A_169 : memref<10240x64xf32, #tpu.memory_space<vmem_shared>>) target(%arg10 : memref<128x64xf32, #tpu.memory_space<vmem>>) offsets(%dma_start3A_166 : memref<128xi32, #tpu.memory_space<vmem>>) semaphore(%arg14 : memref<!tpu.dma_semaphore, #tpu.memory_space<semaphore_mem>>)
        } else {
        }
        %mul3A_135 = arith.constant 4 : i32
        %mul3A_136 = arith.muli %scan3A_59, %mul3A_135 : i32
        %add3A_137 = arith.constant 3 : i32
        %add3A_138 = arith.addi %mul3A_136, %add3A_137 : i32
        %dma_wait3A_139 = arith.constant 0 : i32
        %dma_wait3A_140 = arith.constant 0 : i32
        %dma_wait3A_141 = tpu.memref_slice %arg6[%dma_wait3A_139, %dma_wait3A_140] : memref<10240x64xf32, #tpu.memory_space<vmem_shared>> -> memref<128x64xf32, #tpu.memory_space<vmem_shared>>
        %dma_wait3A_142 = arith.constant 0 : i32
        %dma_wait3A_143 = arith.constant 0 : i32
        %dma_wait3A_144 = tpu.memref_slice %arg6[%dma_wait3A_142, %dma_wait3A_143] : memref<10240x64xf32, #tpu.memory_space<vmem_shared>> -> memref<128x64xf32, #tpu.memory_space<vmem_shared>>
        tpu.wait_dma2 semaphore(%arg17 : memref<!tpu.dma_semaphore, #tpu.memory_space<semaphore_mem>>) src(%dma_wait3A_144 : memref<128x64xf32, #tpu.memory_space<vmem_shared>>) dst(%arg13 : memref<128x64xf32, #tpu.memory_space<vmem>>)
        %mul3A_145 = arith.constant 128 : i32
        %mul3A_146 = arith.muli %add3A_138, %mul3A_145 : i32
        %dma_start3A_147 = tpu.memref_slice %arg9[%mul3A_146] : memref<5120xi32, #tpu.memory_space<vmem>> -> memref<128xi32, #tpu.memory_space<vmem>>
        %dma_start3A_148 = arith.constant 0 : i32
        %dma_start3A_149 = arith.constant 0 : i32
        %dma_start3A_150 = tpu.memref_slice %arg7[%dma_start3A_148, %dma_start3A_149] : memref<10240x64xf32, #tpu.memory_space<vmem_shared>> -> memref<10240x64xf32, #tpu.memory_space<vmem_shared>>
        tpu.enqueue_indirect_dma source(%arg13 : memref<128x64xf32, #tpu.memory_space<vmem>>) target(%dma_start3A_150 : memref<10240x64xf32, #tpu.memory_space<vmem_shared>>) offsets(%dma_start3A_147 : memref<128xi32, #tpu.memory_space<vmem>>) semaphore(%arg21 : memref<!tpu.dma_semaphore, #tpu.memory_space<semaphore_mem>>) {add = true}
        %lt3A_151 = arith.constant 9 : i32
        %lt3A_152 = arith.cmpi slt, %scan3A_59, %lt3A_151 : i32
        %convert_element_type3A_153 = arith.extui %lt3A_152 : i1 to i32
        %cond3A_154 = arith.constant 0 : i32
        %cond3A_155 = arith.cmpi ne, %convert_element_type3A_153, %cond3A_154 : i32
        scf.if %cond3A_155 {
          %dma_wait3A_156 = arith.constant 0 : i32
          %dma_wait3A_157 = arith.constant 0 : i32
          %dma_wait3A_158 = tpu.memref_slice %arg7[%dma_wait3A_156, %dma_wait3A_157] : memref<10240x64xf32, #tpu.memory_space<vmem_shared>> -> memref<128x64xf32, #tpu.memory_space<vmem_shared>>
          %dma_wait3A_159 = arith.constant 0 : i32
          %dma_wait3A_160 = arith.constant 0 : i32
          %dma_wait3A_161 = tpu.memref_slice %arg7[%dma_wait3A_159, %dma_wait3A_160] : memref<10240x64xf32, #tpu.memory_space<vmem_shared>> -> memref<128x64xf32, #tpu.memory_space<vmem_shared>>
          tpu.wait_dma2 semaphore(%arg19 : memref<!tpu.dma_semaphore, #tpu.memory_space<semaphore_mem>>) src(%arg11 : memref<128x64xf32, #tpu.memory_space<vmem>>) dst(%dma_wait3A_161 : memref<128x64xf32, #tpu.memory_space<vmem_shared>>)
          %add3A_162 = arith.constant 2 : i32
          %add3A_163 = arith.addi %add3A_138, %add3A_162 : i32
          %mul3A_164 = arith.constant 128 : i32
          %mul3A_165 = arith.muli %add3A_163, %mul3A_164 : i32
          %dma_start3A_166 = tpu.memref_slice %arg8[%mul3A_165] : memref<5120xi32, #tpu.memory_space<vmem>> -> memref<128xi32, #tpu.memory_space<vmem>>
          %dma_start3A_167 = arith.constant 0 : i32
          %dma_start3A_168 = arith.constant 0 : i32
          %dma_start3A_169 = tpu.memref_slice %arg6[%dma_start3A_167, %dma_start3A_168] : memref<10240x64xf32, #tpu.memory_space<vmem_shared>> -> memref<10240x64xf32, #tpu.memory_space<vmem_shared>>
          tpu.enqueue_indirect_dma source(%dma_start3A_169 : memref<10240x64xf32, #tpu.memory_space<vmem_shared>>) target(%arg11 : memref<128x64xf32, #tpu.memory_space<vmem>>) offsets(%dma_start3A_166 : memref<128xi32, #tpu.memory_space<vmem>>) semaphore(%arg15 : memref<!tpu.dma_semaphore, #tpu.memory_space<semaphore_mem>>)
        } else {
        }
      }
      %scan3A_35 = arith.constant 10 : i32
      %dma_wait3A = arith.constant 0 : i32
      %dma_wait3A_36 = arith.constant 0 : i32
      %dma_wait3A_37 = tpu.memref_slice %arg7[%dma_wait3A, %dma_wait3A_36] : memref<10240x64xf32, #tpu.memory_space<vmem_shared>> -> memref<128x64xf32, #tpu.memory_space<vmem_shared>>
      %dma_wait3A_38 = arith.constant 0 : i32
      %dma_wait3A_39 = arith.constant 0 : i32
      %dma_wait3A_40 = tpu.memref_slice %arg7[%dma_wait3A_38, %dma_wait3A_39] : memref<10240x64xf32, #tpu.memory_space<vmem_shared>> -> memref<128x64xf32, #tpu.memory_space<vmem_shared>>
      tpu.wait_dma2 semaphore(%arg18 : memref<!tpu.dma_semaphore, #tpu.memory_space<semaphore_mem>>) src(%arg10 : memref<128x64xf32, #tpu.memory_space<vmem>>) dst(%dma_wait3A_40 : memref<128x64xf32, #tpu.memory_space<vmem_shared>>)
      %dma_wait3A_41 = arith.constant 0 : i32
      %dma_wait3A_42 = arith.constant 0 : i32
      %dma_wait3A_43 = tpu.memref_slice %arg7[%dma_wait3A_41, %dma_wait3A_42] : memref<10240x64xf32, #tpu.memory_space<vmem_shared>> -> memref<128x64xf32, #tpu.memory_space<vmem_shared>>
      %dma_wait3A_44 = arith.constant 0 : i32
      %dma_wait3A_45 = arith.constant 0 : i32
      %dma_wait3A_46 = tpu.memref_slice %arg7[%dma_wait3A_44, %dma_wait3A_45] : memref<10240x64xf32, #tpu.memory_space<vmem_shared>> -> memref<128x64xf32, #tpu.memory_space<vmem_shared>>
      tpu.wait_dma2 semaphore(%arg19 : memref<!tpu.dma_semaphore, #tpu.memory_space<semaphore_mem>>) src(%arg11 : memref<128x64xf32, #tpu.memory_space<vmem>>) dst(%dma_wait3A_46 : memref<128x64xf32, #tpu.memory_space<vmem_shared>>)
      %dma_wait3A_47 = arith.constant 0 : i32
      %dma_wait3A_48 = arith.constant 0 : i32
      %dma_wait3A_49 = tpu.memref_slice %arg7[%dma_wait3A_47, %dma_wait3A_48] : memref<10240x64xf32, #tpu.memory_space<vmem_shared>> -> memref<128x64xf32, #tpu.memory_space<vmem_shared>>
      %dma_wait3A_50 = arith.constant 0 : i32
      %dma_wait3A_51 = arith.constant 0 : i32
      %dma_wait3A_52 = tpu.memref_slice %arg7[%dma_wait3A_50, %dma_wait3A_51] : memref<10240x64xf32, #tpu.memory_space<vmem_shared>> -> memref<128x64xf32, #tpu.memory_space<vmem_shared>>
      tpu.wait_dma2 semaphore(%arg20 : memref<!tpu.dma_semaphore, #tpu.memory_space<semaphore_mem>>) src(%arg12 : memref<128x64xf32, #tpu.memory_space<vmem>>) dst(%dma_wait3A_52 : memref<128x64xf32, #tpu.memory_space<vmem_shared>>)
      %dma_wait3A_53 = arith.constant 0 : i32
      %dma_wait3A_54 = arith.constant 0 : i32
      %dma_wait3A_55 = tpu.memref_slice %arg7[%dma_wait3A_53, %dma_wait3A_54] : memref<10240x64xf32, #tpu.memory_space<vmem_shared>> -> memref<128x64xf32, #tpu.memory_space<vmem_shared>>
      %dma_wait3A_56 = arith.constant 0 : i32
      %dma_wait3A_57 = arith.constant 0 : i32
      %dma_wait3A_58 = tpu.memref_slice %arg7[%dma_wait3A_56, %dma_wait3A_57] : memref<10240x64xf32, #tpu.memory_space<vmem_shared>> -> memref<128x64xf32, #tpu.memory_space<vmem_shared>>
      tpu.wait_dma2 semaphore(%arg21 : memref<!tpu.dma_semaphore, #tpu.memory_space<semaphore_mem>>) src(%arg13 : memref<128x64xf32, #tpu.memory_space<vmem>>) dst(%dma_wait3A_58 : memref<128x64xf32, #tpu.memory_space<vmem_shared>>)
    }
    %scan3A_11 = arith.constant 4 : i32
    %barrier3A_12 = arith.constant 0 : index
    tpu.barrier barrier_id(%barrier3A_12)
    %add3A_13 = arith.addi %mul3A_5, %mul3A_0 : i32
    "tpu.region"() ({
      %run_scoped3A = tpu.sem_alloc : memref<!tpu.dma_semaphore, #tpu.memory_space<semaphore_mem>>
      %dma_start3A = arith.constant 0 : i32
      %dma_start3A_15 = tpu.memref_slice %arg5[%add3A_13, %dma_start3A] : memref<20480x64xf32, #tpu.memory_space<hbm>> -> memref<640x64xf32, #tpu.memory_space<hbm>>
      %dma_start3A_16 = arith.constant 0 : i32
      %dma_start3A_17 = tpu.memref_slice %arg7[%mul3A_0, %dma_start3A_16] : memref<10240x64xf32, #tpu.memory_space<vmem_shared>> -> memref<640x64xf32, #tpu.memory_space<vmem_shared>>
      tpu.enqueue_dma source(%dma_start3A_17 : memref<640x64xf32, #tpu.memory_space<vmem_shared>>) target(%dma_start3A_15 : memref<640x64xf32, #tpu.memory_space<hbm>>) target_semaphore(%run_scoped3A : memref<!tpu.dma_semaphore, #tpu.memory_space<semaphore_mem>>)
      %dma_wait3A = arith.constant 0 : i32
      %dma_wait3A_18 = tpu.memref_slice %arg5[%add3A_13, %dma_wait3A] : memref<20480x64xf32, #tpu.memory_space<hbm>> -> memref<640x64xf32, #tpu.memory_space<hbm>>
      %dma_wait3A_19 = arith.constant 0 : i32
      %dma_wait3A_20 = tpu.memref_slice %arg7[%mul3A_0, %dma_wait3A_19] : memref<10240x64xf32, #tpu.memory_space<vmem_shared>> -> memref<640x64xf32, #tpu.memory_space<vmem_shared>>
      tpu.wait_dma2 semaphore(%run_scoped3A : memref<!tpu.dma_semaphore, #tpu.memory_space<semaphore_mem>>) src(%dma_wait3A_20 : memref<640x64xf32, #tpu.memory_space<vmem_shared>>) dst(%dma_wait3A_18 : memref<640x64xf32, #tpu.memory_space<hbm>>)
      tpu.yield
    }) : () -> ()
    %barrier3A_14 = arith.constant 0 : index
    tpu.barrier barrier_id(%barrier3A_14)
    return
  }
}

#map = affine_map<(d0, d1) -> (0, 0)>
#map1 = affine_map<(d0, d1) -> (0)>
module attributes {stable_mosaic.version = 14 : i64} {
  func.func @spmm(%arg0: i32, %arg1: i32, %arg2: memref<20480x64xf32, #tpu.memory_space<hbm>>, %arg3: memref<327680xi32, #tpu.memory_space<hbm>>, %arg4: memref<327680xi32, #tpu.memory_space<hbm>>, %arg5: memref<20480x64xf32, #tpu.memory_space<hbm>>, %arg6: memref<10240x64xf32, #tpu.memory_space<vmem_shared>>, %arg7: memref<10240x64xf32, #tpu.memory_space<vmem_shared>>, %arg8: memref<5120xi32, #tpu.memory_space<vmem>>, %arg9: memref<5120xi32, #tpu.memory_space<vmem>>, %arg10: memref<128x64xf32, #tpu.memory_space<vmem>>, %arg11: memref<128x64xf32, #tpu.memory_space<vmem>>, %arg12: memref<128x64xf32, #tpu.memory_space<vmem>>, %arg13: memref<128x64xf32, #tpu.memory_space<vmem>>, %arg14: memref<!tpu.dma_semaphore, #tpu.memory_space<semaphore_mem>>, %arg15: memref<!tpu.dma_semaphore, #tpu.memory_space<semaphore_mem>>, %arg16: memref<!tpu.dma_semaphore, #tpu.memory_space<semaphore_mem>>, %arg17: memref<!tpu.dma_semaphore, #tpu.memory_space<semaphore_mem>>, %arg18: memref<!tpu.dma_semaphore, #tpu.memory_space<semaphore_mem>>, %arg19: memref<!tpu.dma_semaphore, #tpu.memory_space<semaphore_mem>>, %arg20: memref<!tpu.dma_semaphore, #tpu.memory_space<semaphore_mem>>, %arg21: memref<!tpu.dma_semaphore, #tpu.memory_space<semaphore_mem>>) attributes {dimension_semantics = [#tpu.dimension_semantics<core_parallel>, #tpu.dimension_semantics<subcore_parallel>], iteration_bounds = array<i64: 2, 16>, scalar_prefetch = 0 : i64, scratch_operands = 16 : i64, tpu.core_type = #tpu.core_type<sc_vector_subcore>, window_params = [{transform_indices = #map}, {transform_indices = #map1}, {transform_indices = #map1}, {transform_indices = #map}]} {
    %mul3A = arith.constant 640 : i32
    %mul3A_0 = arith.muli %arg1, %mul3A : i32
    %mul3A_1 = arith.constant 1 : i32
    %mul3A_2 = arith.muli %arg0, %mul3A_1 : i32
    %add3A = arith.constant 0 : i32
    %add3A_3 = arith.addi %mul3A_2, %add3A : i32
    %mul3A_4 = arith.constant 10240 : i32
    %mul3A_5 = arith.muli %add3A_3, %mul3A_4 : i32
    %add3A_6 = arith.addi %mul3A_5, %mul3A_0 : i32
    "tpu.region"() ({
      %run_scoped3A = tpu.sem_alloc : memref<!tpu.dma_semaphore, #tpu.memory_space<semaphore_mem>>
      %dma_start3A = arith.constant 0 : i32
      %dma_start3A_15 = tpu.memref_slice %arg6[%mul3A_0, %dma_start3A] : memref<10240x64xf32, #tpu.memory_space<vmem_shared>> -> memref<640x64xf32, #tpu.memory_space<vmem_shared>>
      %dma_start3A_16 = arith.constant 0 : i32
      %dma_start3A_17 = tpu.memref_slice %arg2[%add3A_6, %dma_start3A_16] : memref<20480x64xf32, #tpu.memory_space<hbm>> -> memref<640x64xf32, #tpu.memory_space<hbm>>
      tpu.enqueue_dma source(%dma_start3A_17 : memref<640x64xf32, #tpu.memory_space<hbm>>) target(%dma_start3A_15 : memref<640x64xf32, #tpu.memory_space<vmem_shared>>) target_semaphore(%run_scoped3A : memref<!tpu.dma_semaphore, #tpu.memory_space<semaphore_mem>>)
      %dma_wait3A = arith.constant 0 : i32
      %dma_wait3A_18 = tpu.memref_slice %arg6[%mul3A_0, %dma_wait3A] : memref<10240x64xf32, #tpu.memory_space<vmem_shared>> -> memref<640x64xf32, #tpu.memory_space<vmem_shared>>
      %dma_wait3A_19 = arith.constant 0 : i32
      %dma_wait3A_20 = tpu.memref_slice %arg2[%add3A_6, %dma_wait3A_19] : memref<20480x64xf32, #tpu.memory_space<hbm>> -> memref<640x64xf32, #tpu.memory_space<hbm>>
      tpu.wait_dma2 semaphore(%run_scoped3A : memref<!tpu.dma_semaphore, #tpu.memory_space<semaphore_mem>>) src(%dma_wait3A_20 : memref<640x64xf32, #tpu.memory_space<hbm>>) dst(%dma_wait3A_18 : memref<640x64xf32, #tpu.memory_space<vmem_shared>>)
      tpu.yield
    }) : () -> ()
    "tpu.region"() ({
      %run_scoped3A = tpu.sem_alloc : memref<!tpu.dma_semaphore, #tpu.memory_space<semaphore_mem>>
      %dma_start3A = arith.constant 0 : i32
      %dma_start3A_15 = tpu.memref_slice %arg7[%mul3A_0, %dma_start3A] : memref<10240x64xf32, #tpu.memory_space<vmem_shared>> -> memref<640x64xf32, #tpu.memory_space<vmem_shared>>
      %dma_start3A_16 = arith.constant 0 : i32
      %dma_start3A_17 = tpu.memref_slice %arg6[%mul3A_0, %dma_start3A_16] : memref<10240x64xf32, #tpu.memory_space<vmem_shared>> -> memref<640x64xf32, #tpu.memory_space<vmem_shared>>
      tpu.enqueue_dma source(%dma_start3A_17 : memref<640x64xf32, #tpu.memory_space<vmem_shared>>) target(%dma_start3A_15 : memref<640x64xf32, #tpu.memory_space<vmem_shared>>) target_semaphore(%run_scoped3A : memref<!tpu.dma_semaphore, #tpu.memory_space<semaphore_mem>>)
      %dma_wait3A = arith.constant 0 : i32
      %dma_wait3A_18 = tpu.memref_slice %arg7[%mul3A_0, %dma_wait3A] : memref<10240x64xf32, #tpu.memory_space<vmem_shared>> -> memref<640x64xf32, #tpu.memory_space<vmem_shared>>
      %dma_wait3A_19 = arith.constant 0 : i32
      %dma_wait3A_20 = tpu.memref_slice %arg6[%mul3A_0, %dma_wait3A_19] : memref<10240x64xf32, #tpu.memory_space<vmem_shared>> -> memref<640x64xf32, #tpu.memory_space<vmem_shared>>
      tpu.wait_dma2 semaphore(%run_scoped3A : memref<!tpu.dma_semaphore, #tpu.memory_space<semaphore_mem>>) src(%dma_wait3A_20 : memref<640x64xf32, #tpu.memory_space<vmem_shared>>) dst(%dma_wait3A_18 : memref<640x64xf32, #tpu.memory_space<vmem_shared>>)
      tpu.yield
    }) : () -> ()
    %barrier3A = arith.constant 0 : index
    tpu.barrier barrier_id(%barrier3A)
    %scan3A = arith.constant 0 : i32
    %scan3A_7 = arith.constant 0 : i32
    %scan3A_8 = arith.constant 4 : i32
    %scan3A_9 = arith.addi %scan3A_7, %scan3A_8 : i32
    %scan3A_10 = arith.constant 1 : i32
    scf.for %scan3A_15 = %scan3A_7 to %scan3A_9 step %scan3A_10  : i32 {
      %mul3A_16 = arith.constant 20480 : i32
      %mul3A_17 = arith.muli %arg1, %mul3A_16 : i32
      %mul3A_18 = arith.constant 5120 : i32
      %mul3A_19 = arith.muli %scan3A_15, %mul3A_18 : i32
      %add3A_20 = arith.addi %mul3A_17, %mul3A_19 : i32
      %multiple_of3A = tpu.assume_multiple %add3A_20, 8 : i32
      "tpu.region"() ({
        %run_scoped3A = tpu.sem_alloc : memref<!tpu.dma_semaphore, #tpu.memory_space<semaphore_mem>>
        %dma_start3A_59 = tpu.memref_slice %arg3[%multiple_of3A] : memref<327680xi32, #tpu.memory_space<hbm>> -> memref<5120xi32, #tpu.memory_space<hbm>>
        %dma_start3A_60 = tpu.memref_slice %arg3[%multiple_of3A] : memref<327680xi32, #tpu.memory_space<hbm>> -> memref<5120xi32, #tpu.memory_space<hbm>>
        tpu.enqueue_dma source(%dma_start3A_60 : memref<5120xi32, #tpu.memory_space<hbm>>) target(%arg8 : memref<5120xi32, #tpu.memory_space<vmem>>) target_semaphore(%run_scoped3A : memref<!tpu.dma_semaphore, #tpu.memory_space<semaphore_mem>>)
        %dma_wait3A_61 = tpu.memref_slice %arg3[%multiple_of3A] : memref<327680xi32, #tpu.memory_space<hbm>> -> memref<5120xi32, #tpu.memory_space<hbm>>
        %dma_wait3A_62 = tpu.memref_slice %arg3[%multiple_of3A] : memref<327680xi32, #tpu.memory_space<hbm>> -> memref<5120xi32, #tpu.memory_space<hbm>>
        tpu.wait_dma2 semaphore(%run_scoped3A : memref<!tpu.dma_semaphore, #tpu.memory_space<semaphore_mem>>) src(%dma_wait3A_62 : memref<5120xi32, #tpu.memory_space<hbm>>) dst(%arg8 : memref<5120xi32, #tpu.memory_space<vmem>>)
        tpu.yield
      }) : () -> ()
      "tpu.region"() ({
        %run_scoped3A = tpu.sem_alloc : memref<!tpu.dma_semaphore, #tpu.memory_space<semaphore_mem>>
        %dma_start3A_59 = tpu.memref_slice %arg4[%multiple_of3A] : memref<327680xi32, #tpu.memory_space<hbm>> -> memref<5120xi32, #tpu.memory_space<hbm>>
        %dma_start3A_60 = tpu.memref_slice %arg4[%multiple_of3A] : memref<327680xi32, #tpu.memory_space<hbm>> -> memref<5120xi32, #tpu.memory_space<hbm>>
        tpu.enqueue_dma source(%dma_start3A_60 : memref<5120xi32, #tpu.memory_space<hbm>>) target(%arg9 : memref<5120xi32, #tpu.memory_space<vmem>>) target_semaphore(%run_scoped3A : memref<!tpu.dma_semaphore, #tpu.memory_space<semaphore_mem>>)
        %dma_wait3A_61 = tpu.memref_slice %arg4[%multiple_of3A] : memref<327680xi32, #tpu.memory_space<hbm>> -> memref<5120xi32, #tpu.memory_space<hbm>>
        %dma_wait3A_62 = tpu.memref_slice %arg4[%multiple_of3A] : memref<327680xi32, #tpu.memory_space<hbm>> -> memref<5120xi32, #tpu.memory_space<hbm>>
        tpu.wait_dma2 semaphore(%run_scoped3A : memref<!tpu.dma_semaphore, #tpu.memory_space<semaphore_mem>>) src(%dma_wait3A_62 : memref<5120xi32, #tpu.memory_space<hbm>>) dst(%arg9 : memref<5120xi32, #tpu.memory_space<vmem>>)
        tpu.yield
      }) : () -> ()
      %dma_start3A = arith.constant 0 : i32
      %dma_start3A_21 = tpu.memref_slice %arg8[%dma_start3A] : memref<5120xi32, #tpu.memory_space<vmem>> -> memref<128xi32, #tpu.memory_space<vmem>>
      %dma_start3A_22 = arith.constant 0 : i32
      %dma_start3A_23 = arith.constant 0 : i32
      %dma_start3A_24 = tpu.memref_slice %arg6[%dma_start3A_22, %dma_start3A_23] : memref<10240x64xf32, #tpu.memory_space<vmem_shared>> -> memref<10240x64xf32, #tpu.memory_space<vmem_shared>>
      tpu.enqueue_indirect_dma source(%dma_start3A_24 : memref<10240x64xf32, #tpu.memory_space<vmem_shared>>) target(%arg10 : memref<128x64xf32, #tpu.memory_space<vmem>>) offsets(%dma_start3A_21 : memref<128xi32, #tpu.memory_space<vmem>>) semaphore(%arg14 : memref<!tpu.dma_semaphore, #tpu.memory_space<semaphore_mem>>)
      %dma_start3A_25 = arith.constant 128 : i32
      %dma_start3A_26 = tpu.memref_slice %arg8[%dma_start3A_25] : memref<5120xi32, #tpu.memory_space<vmem>> -> memref<128xi32, #tpu.memory_space<vmem>>
      %dma_start3A_27 = arith.constant 0 : i32
      %dma_start3A_28 = arith.constant 0 : i32
      %dma_start3A_29 = tpu.memref_slice %arg6[%dma_start3A_27, %dma_start3A_28] : memref<10240x64xf32, #tpu.memory_space<vmem_shared>> -> memref<10240x64xf32, #tpu.memory_space<vmem_shared>>
      tpu.enqueue_indirect_dma source(%dma_start3A_29 : memref<10240x64xf32, #tpu.memory_space<vmem_shared>>) target(%arg11 : memref<128x64xf32, #tpu.memory_space<vmem>>) offsets(%dma_start3A_26 : memref<128xi32, #tpu.memory_space<vmem>>) semaphore(%arg15 : memref<!tpu.dma_semaphore, #tpu.memory_space<semaphore_mem>>)
      %scan3A_30 = arith.constant 0 : i32
      %scan3A_31 = arith.constant 0 : i32
      %scan3A_32 = arith.constant 10 : i32
      %scan3A_33 = arith.addi %scan3A_31, %scan3A_32 : i32
      %scan3A_34 = arith.constant 1 : i32
      scf.for %scan3A_59 = %scan3A_31 to %scan3A_33 step %scan3A_34  : i32 {
        %mul3A_60 = arith.constant 4 : i32
        %mul3A_61 = arith.muli %scan3A_59, %mul3A_60 : i32
        %add3A_62 = arith.constant 0 : i32
        %add3A_63 = arith.addi %mul3A_61, %add3A_62 : i32
        %dma_wait3A_64 = arith.constant 0 : i32
        %dma_wait3A_65 = arith.constant 0 : i32
        %dma_wait3A_66 = tpu.memref_slice %arg6[%dma_wait3A_64, %dma_wait3A_65] : memref<10240x64xf32, #tpu.memory_space<vmem_shared>> -> memref<128x64xf32, #tpu.memory_space<vmem_shared>>
        %dma_wait3A_67 = arith.constant 0 : i32
        %dma_wait3A_68 = arith.constant 0 : i32
        %dma_wait3A_69 = tpu.memref_slice %arg6[%dma_wait3A_67, %dma_wait3A_68] : memref<10240x64xf32, #tpu.memory_space<vmem_shared>> -> memref<128x64xf32, #tpu.memory_space<vmem_shared>>
        tpu.wait_dma2 semaphore(%arg14 : memref<!tpu.dma_semaphore, #tpu.memory_space<semaphore_mem>>) src(%dma_wait3A_69 : memref<128x64xf32, #tpu.memory_space<vmem_shared>>) dst(%arg10 : memref<128x64xf32, #tpu.memory_space<vmem>>)
        %mul3A_70 = arith.constant 128 : i32
        %mul3A_71 = arith.muli %add3A_63, %mul3A_70 : i32
        %dma_start3A_72 = tpu.memref_slice %arg9[%mul3A_71] : memref<5120xi32, #tpu.memory_space<vmem>> -> memref<128xi32, #tpu.memory_space<vmem>>
        %dma_start3A_73 = arith.constant 0 : i32
        %dma_start3A_74 = arith.constant 0 : i32
        %dma_start3A_75 = tpu.memref_slice %arg7[%dma_start3A_73, %dma_start3A_74] : memref<10240x64xf32, #tpu.memory_space<vmem_shared>> -> memref<10240x64xf32, #tpu.memory_space<vmem_shared>>
        tpu.enqueue_indirect_dma source(%arg10 : memref<128x64xf32, #tpu.memory_space<vmem>>) target(%dma_start3A_75 : memref<10240x64xf32, #tpu.memory_space<vmem_shared>>) offsets(%dma_start3A_72 : memref<128xi32, #tpu.memory_space<vmem>>) semaphore(%arg18 : memref<!tpu.dma_semaphore, #tpu.memory_space<semaphore_mem>>) {add = true}
        %ge3A = arith.constant 1 : i32
        %ge3A_76 = arith.cmpi sge, %scan3A_59, %ge3A : i32
        %convert_element_type3A = arith.extui %ge3A_76 : i1 to i32
        %cond3A = arith.constant 0 : i32
        %cond3A_77 = arith.cmpi ne, %convert_element_type3A, %cond3A : i32
        scf.if %cond3A_77 {
          %dma_wait3A_156 = arith.constant 0 : i32
          %dma_wait3A_157 = arith.constant 0 : i32
          %dma_wait3A_158 = tpu.memref_slice %arg7[%dma_wait3A_156, %dma_wait3A_157] : memref<10240x64xf32, #tpu.memory_space<vmem_shared>> -> memref<128x64xf32, #tpu.memory_space<vmem_shared>>
          %dma_wait3A_159 = arith.constant 0 : i32
          %dma_wait3A_160 = arith.constant 0 : i32
          %dma_wait3A_161 = tpu.memref_slice %arg7[%dma_wait3A_159, %dma_wait3A_160] : memref<10240x64xf32, #tpu.memory_space<vmem_shared>> -> memref<128x64xf32, #tpu.memory_space<vmem_shared>>
          tpu.wait_dma2 semaphore(%arg20 : memref<!tpu.dma_semaphore, #tpu.memory_space<semaphore_mem>>) src(%arg12 : memref<128x64xf32, #tpu.memory_space<vmem>>) dst(%dma_wait3A_161 : memref<128x64xf32, #tpu.memory_space<vmem_shared>>)
        } else {
        }
        %add3A_78 = arith.constant 2 : i32
        %add3A_79 = arith.addi %add3A_63, %add3A_78 : i32
        %mul3A_80 = arith.constant 128 : i32
        %mul3A_81 = arith.muli %add3A_79, %mul3A_80 : i32
        %dma_start3A_82 = tpu.memref_slice %arg8[%mul3A_81] : memref<5120xi32, #tpu.memory_space<vmem>> -> memref<128xi32, #tpu.memory_space<vmem>>
        %dma_start3A_83 = arith.constant 0 : i32
        %dma_start3A_84 = arith.constant 0 : i32
        %dma_start3A_85 = tpu.memref_slice %arg6[%dma_start3A_83, %dma_start3A_84] : memref<10240x64xf32, #tpu.memory_space<vmem_shared>> -> memref<10240x64xf32, #tpu.memory_space<vmem_shared>>
        tpu.enqueue_indirect_dma source(%dma_start3A_85 : memref<10240x64xf32, #tpu.memory_space<vmem_shared>>) target(%arg12 : memref<128x64xf32, #tpu.memory_space<vmem>>) offsets(%dma_start3A_82 : memref<128xi32, #tpu.memory_space<vmem>>) semaphore(%arg16 : memref<!tpu.dma_semaphore, #tpu.memory_space<semaphore_mem>>)
        %mul3A_86 = arith.constant 4 : i32
        %mul3A_87 = arith.muli %scan3A_59, %mul3A_86 : i32
        %add3A_88 = arith.constant 1 : i32
        %add3A_89 = arith.addi %mul3A_87, %add3A_88 : i32
        %dma_wait3A_90 = arith.constant 0 : i32
        %dma_wait3A_91 = arith.constant 0 : i32
        %dma_wait3A_92 = tpu.memref_slice %arg6[%dma_wait3A_90, %dma_wait3A_91] : memref<10240x64xf32, #tpu.memory_space<vmem_shared>> -> memref<128x64xf32, #tpu.memory_space<vmem_shared>>
        %dma_wait3A_93 = arith.constant 0 : i32
        %dma_wait3A_94 = arith.constant 0 : i32
        %dma_wait3A_95 = tpu.memref_slice %arg6[%dma_wait3A_93, %dma_wait3A_94] : memref<10240x64xf32, #tpu.memory_space<vmem_shared>> -> memref<128x64xf32, #tpu.memory_space<vmem_shared>>
        tpu.wait_dma2 semaphore(%arg15 : memref<!tpu.dma_semaphore, #tpu.memory_space<semaphore_mem>>) src(%dma_wait3A_95 : memref<128x64xf32, #tpu.memory_space<vmem_shared>>) dst(%arg11 : memref<128x64xf32, #tpu.memory_space<vmem>>)
        %mul3A_96 = arith.constant 128 : i32
        %mul3A_97 = arith.muli %add3A_89, %mul3A_96 : i32
        %dma_start3A_98 = tpu.memref_slice %arg9[%mul3A_97] : memref<5120xi32, #tpu.memory_space<vmem>> -> memref<128xi32, #tpu.memory_space<vmem>>
        %dma_start3A_99 = arith.constant 0 : i32
        %dma_start3A_100 = arith.constant 0 : i32
        %dma_start3A_101 = tpu.memref_slice %arg7[%dma_start3A_99, %dma_start3A_100] : memref<10240x64xf32, #tpu.memory_space<vmem_shared>> -> memref<10240x64xf32, #tpu.memory_space<vmem_shared>>
        tpu.enqueue_indirect_dma source(%arg11 : memref<128x64xf32, #tpu.memory_space<vmem>>) target(%dma_start3A_101 : memref<10240x64xf32, #tpu.memory_space<vmem_shared>>) offsets(%dma_start3A_98 : memref<128xi32, #tpu.memory_space<vmem>>) semaphore(%arg19 : memref<!tpu.dma_semaphore, #tpu.memory_space<semaphore_mem>>) {add = true}
        %ge3A_102 = arith.constant 1 : i32
        %ge3A_103 = arith.cmpi sge, %scan3A_59, %ge3A_102 : i32
        %convert_element_type3A_104 = arith.extui %ge3A_103 : i1 to i32
        %cond3A_105 = arith.constant 0 : i32
        %cond3A_106 = arith.cmpi ne, %convert_element_type3A_104, %cond3A_105 : i32
        scf.if %cond3A_106 {
          %dma_wait3A_156 = arith.constant 0 : i32
          %dma_wait3A_157 = arith.constant 0 : i32
          %dma_wait3A_158 = tpu.memref_slice %arg7[%dma_wait3A_156, %dma_wait3A_157] : memref<10240x64xf32, #tpu.memory_space<vmem_shared>> -> memref<128x64xf32, #tpu.memory_space<vmem_shared>>
          %dma_wait3A_159 = arith.constant 0 : i32
          %dma_wait3A_160 = arith.constant 0 : i32
          %dma_wait3A_161 = tpu.memref_slice %arg7[%dma_wait3A_159, %dma_wait3A_160] : memref<10240x64xf32, #tpu.memory_space<vmem_shared>> -> memref<128x64xf32, #tpu.memory_space<vmem_shared>>
          tpu.wait_dma2 semaphore(%arg21 : memref<!tpu.dma_semaphore, #tpu.memory_space<semaphore_mem>>) src(%arg13 : memref<128x64xf32, #tpu.memory_space<vmem>>) dst(%dma_wait3A_161 : memref<128x64xf32, #tpu.memory_space<vmem_shared>>)
        } else {
        }
        %add3A_107 = arith.constant 2 : i32
        %add3A_108 = arith.addi %add3A_89, %add3A_107 : i32
        %mul3A_109 = arith.constant 128 : i32
        %mul3A_110 = arith.muli %add3A_108, %mul3A_109 : i32
        %dma_start3A_111 = tpu.memref_slice %arg8[%mul3A_110] : memref<5120xi32, #tpu.memory_space<vmem>> -> memref<128xi32, #tpu.memory_space<vmem>>
        %dma_start3A_112 = arith.constant 0 : i32
        %dma_start3A_113 = arith.constant 0 : i32
        %dma_start3A_114 = tpu.memref_slice %arg6[%dma_start3A_112, %dma_start3A_113] : memref<10240x64xf32, #tpu.memory_space<vmem_shared>> -> memref<10240x64xf32, #tpu.memory_space<vmem_shared>>
        tpu.enqueue_indirect_dma source(%dma_start3A_114 : memref<10240x64xf32, #tpu.memory_space<vmem_shared>>) target(%arg13 : memref<128x64xf32, #tpu.memory_space<vmem>>) offsets(%dma_start3A_111 : memref<128xi32, #tpu.memory_space<vmem>>) semaphore(%arg17 : memref<!tpu.dma_semaphore, #tpu.memory_space<semaphore_mem>>)
        %mul3A_115 = arith.constant 4 : i32
        %mul3A_116 = arith.muli %scan3A_59, %mul3A_115 : i32
        %add3A_117 = arith.constant 2 : i32
        %add3A_118 = arith.addi %mul3A_116, %add3A_117 : i32
        %dma_wait3A_119 = arith.constant 0 : i32
        %dma_wait3A_120 = arith.constant 0 : i32
        %dma_wait3A_121 = tpu.memref_slice %arg6[%dma_wait3A_119, %dma_wait3A_120] : memref<10240x64xf32, #tpu.memory_space<vmem_shared>> -> memref<128x64xf32, #tpu.memory_space<vmem_shared>>
        %dma_wait3A_122 = arith.constant 0 : i32
        %dma_wait3A_123 = arith.constant 0 : i32
        %dma_wait3A_124 = tpu.memref_slice %arg6[%dma_wait3A_122, %dma_wait3A_123] : memref<10240x64xf32, #tpu.memory_space<vmem_shared>> -> memref<128x64xf32, #tpu.memory_space<vmem_shared>>
        tpu.wait_dma2 semaphore(%arg16 : memref<!tpu.dma_semaphore, #tpu.memory_space<semaphore_mem>>) src(%dma_wait3A_124 : memref<128x64xf32, #tpu.memory_space<vmem_shared>>) dst(%arg12 : memref<128x64xf32, #tpu.memory_space<vmem>>)
        %mul3A_125 = arith.constant 128 : i32
        %mul3A_126 = arith.muli %add3A_118, %mul3A_125 : i32
        %dma_start3A_127 = tpu.memref_slice %arg9[%mul3A_126] : memref<5120xi32, #tpu.memory_space<vmem>> -> memref<128xi32, #tpu.memory_space<vmem>>
        %dma_start3A_128 = arith.constant 0 : i32
        %dma_start3A_129 = arith.constant 0 : i32
        %dma_start3A_130 = tpu.memref_slice %arg7[%dma_start3A_128, %dma_start3A_129] : memref<10240x64xf32, #tpu.memory_space<vmem_shared>> -> memref<10240x64xf32, #tpu.memory_space<vmem_shared>>
        tpu.enqueue_indirect_dma source(%arg12 : memref<128x64xf32, #tpu.memory_space<vmem>>) target(%dma_start3A_130 : memref<10240x64xf32, #tpu.memory_space<vmem_shared>>) offsets(%dma_start3A_127 : memref<128xi32, #tpu.memory_space<vmem>>) semaphore(%arg20 : memref<!tpu.dma_semaphore, #tpu.memory_space<semaphore_mem>>) {add = true}
        %lt3A = arith.constant 9 : i32
        %lt3A_131 = arith.cmpi slt, %scan3A_59, %lt3A : i32
        %convert_element_type3A_132 = arith.extui %lt3A_131 : i1 to i32
        %cond3A_133 = arith.constant 0 : i32
        %cond3A_134 = arith.cmpi ne, %convert_element_type3A_132, %cond3A_133 : i32
        scf.if %cond3A_134 {
          %dma_wait3A_156 = arith.constant 0 : i32
          %dma_wait3A_157 = arith.constant 0 : i32
          %dma_wait3A_158 = tpu.memref_slice %arg7[%dma_wait3A_156, %dma_wait3A_157] : memref<10240x64xf32, #tpu.memory_space<vmem_shared>> -> memref<128x64xf32, #tpu.memory_space<vmem_shared>>
          %dma_wait3A_159 = arith.constant 0 : i32
          %dma_wait3A_160 = arith.constant 0 : i32
          %dma_wait3A_161 = tpu.memref_slice %arg7[%dma_wait3A_159, %dma_wait3A_160] : memref<10240x64xf32, #tpu.memory_space<vmem_shared>> -> memref<128x64xf32, #tpu.memory_space<vmem_shared>>
          tpu.wait_dma2 semaphore(%arg18 : memref<!tpu.dma_semaphore, #tpu.memory_space<semaphore_mem>>) src(%arg10 : memref<128x64xf32, #tpu.memory_space<vmem>>) dst(%dma_wait3A_161 : memref<128x64xf32, #tpu.memory_space<vmem_shared>>)
          %add3A_162 = arith.constant 2 : i32
          %add3A_163 = arith.addi %add3A_118, %add3A_162 : i32
          %mul3A_164 = arith.constant 128 : i32
          %mul3A_165 = arith.muli %add3A_163, %mul3A_164 : i32
          %dma_start3A_166 = tpu.memref_slice %arg8[%mul3A_165] : memref<5120xi32, #tpu.memory_space<vmem>> -> memref<128xi32, #tpu.memory_space<vmem>>
          %dma_start3A_167 = arith.constant 0 : i32
          %dma_start3A_168 = arith.constant 0 : i32
          %dma_start3A_169 = tpu.memref_slice %arg6[%dma_start3A_167, %dma_start3A_168] : memref<10240x64xf32, #tpu.memory_space<vmem_shared>> -> memref<10240x64xf32, #tpu.memory_space<vmem_shared>>
          tpu.enqueue_indirect_dma source(%dma_start3A_169 : memref<10240x64xf32, #tpu.memory_space<vmem_shared>>) target(%arg10 : memref<128x64xf32, #tpu.memory_space<vmem>>) offsets(%dma_start3A_166 : memref<128xi32, #tpu.memory_space<vmem>>) semaphore(%arg14 : memref<!tpu.dma_semaphore, #tpu.memory_space<semaphore_mem>>)
        } else {
        }
        %mul3A_135 = arith.constant 4 : i32
        %mul3A_136 = arith.muli %scan3A_59, %mul3A_135 : i32
        %add3A_137 = arith.constant 3 : i32
        %add3A_138 = arith.addi %mul3A_136, %add3A_137 : i32
        %dma_wait3A_139 = arith.constant 0 : i32
        %dma_wait3A_140 = arith.constant 0 : i32
        %dma_wait3A_141 = tpu.memref_slice %arg6[%dma_wait3A_139, %dma_wait3A_140] : memref<10240x64xf32, #tpu.memory_space<vmem_shared>> -> memref<128x64xf32, #tpu.memory_space<vmem_shared>>
        %dma_wait3A_142 = arith.constant 0 : i32
        %dma_wait3A_143 = arith.constant 0 : i32
        %dma_wait3A_144 = tpu.memref_slice %arg6[%dma_wait3A_142, %dma_wait3A_143] : memref<10240x64xf32, #tpu.memory_space<vmem_shared>> -> memref<128x64xf32, #tpu.memory_space<vmem_shared>>
        tpu.wait_dma2 semaphore(%arg17 : memref<!tpu.dma_semaphore, #tpu.memory_space<semaphore_mem>>) src(%dma_wait3A_144 : memref<128x64xf32, #tpu.memory_space<vmem_shared>>) dst(%arg13 : memref<128x64xf32, #tpu.memory_space<vmem>>)
        %mul3A_145 = arith.constant 128 : i32
        %mul3A_146 = arith.muli %add3A_138, %mul3A_145 : i32
        %dma_start3A_147 = tpu.memref_slice %arg9[%mul3A_146] : memref<5120xi32, #tpu.memory_space<vmem>> -> memref<128xi32, #tpu.memory_space<vmem>>
        %dma_start3A_148 = arith.constant 0 : i32
        %dma_start3A_149 = arith.constant 0 : i32
        %dma_start3A_150 = tpu.memref_slice %arg7[%dma_start3A_148, %dma_start3A_149] : memref<10240x64xf32, #tpu.memory_space<vmem_shared>> -> memref<10240x64xf32, #tpu.memory_space<vmem_shared>>
        tpu.enqueue_indirect_dma source(%arg13 : memref<128x64xf32, #tpu.memory_space<vmem>>) target(%dma_start3A_150 : memref<10240x64xf32, #tpu.memory_space<vmem_shared>>) offsets(%dma_start3A_147 : memref<128xi32, #tpu.memory_space<vmem>>) semaphore(%arg21 : memref<!tpu.dma_semaphore, #tpu.memory_space<semaphore_mem>>) {add = true}
        %lt3A_151 = arith.constant 9 : i32
        %lt3A_152 = arith.cmpi slt, %scan3A_59, %lt3A_151 : i32
        %convert_element_type3A_153 = arith.extui %lt3A_152 : i1 to i32
        %cond3A_154 = arith.constant 0 : i32
        %cond3A_155 = arith.cmpi ne, %convert_element_type3A_153, %cond3A_154 : i32
        scf.if %cond3A_155 {
          %dma_wait3A_156 = arith.constant 0 : i32
          %dma_wait3A_157 = arith.constant 0 : i32
          %dma_wait3A_158 = tpu.memref_slice %arg7[%dma_wait3A_156, %dma_wait3A_157] : memref<10240x64xf32, #tpu.memory_space<vmem_shared>> -> memref<128x64xf32, #tpu.memory_space<vmem_shared>>
          %dma_wait3A_159 = arith.constant 0 : i32
          %dma_wait3A_160 = arith.constant 0 : i32
          %dma_wait3A_161 = tpu.memref_slice %arg7[%dma_wait3A_159, %dma_wait3A_160] : memref<10240x64xf32, #tpu.memory_space<vmem_shared>> -> memref<128x64xf32, #tpu.memory_space<vmem_shared>>
          tpu.wait_dma2 semaphore(%arg19 : memref<!tpu.dma_semaphore, #tpu.memory_space<semaphore_mem>>) src(%arg11 : memref<128x64xf32, #tpu.memory_space<vmem>>) dst(%dma_wait3A_161 : memref<128x64xf32, #tpu.memory_space<vmem_shared>>)
          %add3A_162 = arith.constant 2 : i32
          %add3A_163 = arith.addi %add3A_138, %add3A_162 : i32
          %mul3A_164 = arith.constant 128 : i32
          %mul3A_165 = arith.muli %add3A_163, %mul3A_164 : i32
          %dma_start3A_166 = tpu.memref_slice %arg8[%mul3A_165] : memref<5120xi32, #tpu.memory_space<vmem>> -> memref<128xi32, #tpu.memory_space<vmem>>
          %dma_start3A_167 = arith.constant 0 : i32
          %dma_start3A_168 = arith.constant 0 : i32
          %dma_start3A_169 = tpu.memref_slice %arg6[%dma_start3A_167, %dma_start3A_168] : memref<10240x64xf32, #tpu.memory_space<vmem_shared>> -> memref<10240x64xf32, #tpu.memory_space<vmem_shared>>
          tpu.enqueue_indirect_dma source(%dma_start3A_169 : memref<10240x64xf32, #tpu.memory_space<vmem_shared>>) target(%arg11 : memref<128x64xf32, #tpu.memory_space<vmem>>) offsets(%dma_start3A_166 : memref<128xi32, #tpu.memory_space<vmem>>) semaphore(%arg15 : memref<!tpu.dma_semaphore, #tpu.memory_space<semaphore_mem>>)
        } else {
        }
      }
      %scan3A_35 = arith.constant 10 : i32
      %dma_wait3A = arith.constant 0 : i32
      %dma_wait3A_36 = arith.constant 0 : i32
      %dma_wait3A_37 = tpu.memref_slice %arg7[%dma_wait3A, %dma_wait3A_36] : memref<10240x64xf32, #tpu.memory_space<vmem_shared>> -> memref<128x64xf32, #tpu.memory_space<vmem_shared>>
      %dma_wait3A_38 = arith.constant 0 : i32
      %dma_wait3A_39 = arith.constant 0 : i32
      %dma_wait3A_40 = tpu.memref_slice %arg7[%dma_wait3A_38, %dma_wait3A_39] : memref<10240x64xf32, #tpu.memory_space<vmem_shared>> -> memref<128x64xf32, #tpu.memory_space<vmem_shared>>
      tpu.wait_dma2 semaphore(%arg18 : memref<!tpu.dma_semaphore, #tpu.memory_space<semaphore_mem>>) src(%arg10 : memref<128x64xf32, #tpu.memory_space<vmem>>) dst(%dma_wait3A_40 : memref<128x64xf32, #tpu.memory_space<vmem_shared>>)
      %dma_wait3A_41 = arith.constant 0 : i32
      %dma_wait3A_42 = arith.constant 0 : i32
      %dma_wait3A_43 = tpu.memref_slice %arg7[%dma_wait3A_41, %dma_wait3A_42] : memref<10240x64xf32, #tpu.memory_space<vmem_shared>> -> memref<128x64xf32, #tpu.memory_space<vmem_shared>>
      %dma_wait3A_44 = arith.constant 0 : i32
      %dma_wait3A_45 = arith.constant 0 : i32
      %dma_wait3A_46 = tpu.memref_slice %arg7[%dma_wait3A_44, %dma_wait3A_45] : memref<10240x64xf32, #tpu.memory_space<vmem_shared>> -> memref<128x64xf32, #tpu.memory_space<vmem_shared>>
      tpu.wait_dma2 semaphore(%arg19 : memref<!tpu.dma_semaphore, #tpu.memory_space<semaphore_mem>>) src(%arg11 : memref<128x64xf32, #tpu.memory_space<vmem>>) dst(%dma_wait3A_46 : memref<128x64xf32, #tpu.memory_space<vmem_shared>>)
      %dma_wait3A_47 = arith.constant 0 : i32
      %dma_wait3A_48 = arith.constant 0 : i32
      %dma_wait3A_49 = tpu.memref_slice %arg7[%dma_wait3A_47, %dma_wait3A_48] : memref<10240x64xf32, #tpu.memory_space<vmem_shared>> -> memref<128x64xf32, #tpu.memory_space<vmem_shared>>
      %dma_wait3A_50 = arith.constant 0 : i32
      %dma_wait3A_51 = arith.constant 0 : i32
      %dma_wait3A_52 = tpu.memref_slice %arg7[%dma_wait3A_50, %dma_wait3A_51] : memref<10240x64xf32, #tpu.memory_space<vmem_shared>> -> memref<128x64xf32, #tpu.memory_space<vmem_shared>>
      tpu.wait_dma2 semaphore(%arg20 : memref<!tpu.dma_semaphore, #tpu.memory_space<semaphore_mem>>) src(%arg12 : memref<128x64xf32, #tpu.memory_space<vmem>>) dst(%dma_wait3A_52 : memref<128x64xf32, #tpu.memory_space<vmem_shared>>)
      %dma_wait3A_53 = arith.constant 0 : i32
      %dma_wait3A_54 = arith.constant 0 : i32
      %dma_wait3A_55 = tpu.memref_slice %arg7[%dma_wait3A_53, %dma_wait3A_54] : memref<10240x64xf32, #tpu.memory_space<vmem_shared>> -> memref<128x64xf32, #tpu.memory_space<vmem_shared>>
      %dma_wait3A_56 = arith.constant 0 : i32
      %dma_wait3A_57 = arith.constant 0 : i32
      %dma_wait3A_58 = tpu.memref_slice %arg7[%dma_wait3A_56, %dma_wait3A_57] : memref<10240x64xf32, #tpu.memory_space<vmem_shared>> -> memref<128x64xf32, #tpu.memory_space<vmem_shared>>
      tpu.wait_dma2 semaphore(%arg21 : memref<!tpu.dma_semaphore, #tpu.memory_space<semaphore_mem>>) src(%arg13 : memref<128x64xf32, #tpu.memory_space<vmem>>) dst(%dma_wait3A_58 : memref<128x64xf32, #tpu.memory_space<vmem_shared>>)
    }
    %scan3A_11 = arith.constant 4 : i32
    %barrier3A_12 = arith.constant 0 : index
    tpu.barrier barrier_id(%barrier3A_12)
    %add3A_13 = arith.addi %mul3A_5, %mul3A_0 : i32
    "tpu.region"() ({
      %run_scoped3A = tpu.sem_alloc : memref<!tpu.dma_semaphore, #tpu.memory_space<semaphore_mem>>
      %dma_start3A = arith.constant 0 : i32
      %dma_start3A_15 = tpu.memref_slice %arg5[%add3A_13, %dma_start3A] : memref<20480x64xf32, #tpu.memory_space<hbm>> -> memref<640x64xf32, #tpu.memory_space<hbm>>
      %dma_start3A_16 = arith.constant 0 : i32
      %dma_start3A_17 = tpu.memref_slice %arg7[%mul3A_0, %dma_start3A_16] : memref<10240x64xf32, #tpu.memory_space<vmem_shared>> -> memref<640x64xf32, #tpu.memory_space<vmem_shared>>
      tpu.enqueue_dma source(%dma_start3A_17 : memref<640x64xf32, #tpu.memory_space<vmem_shared>>) target(%dma_start3A_15 : memref<640x64xf32, #tpu.memory_space<hbm>>) target_semaphore(%run_scoped3A : memref<!tpu.dma_semaphore, #tpu.memory_space<semaphore_mem>>)
      %dma_wait3A = arith.constant 0 : i32
      %dma_wait3A_18 = tpu.memref_slice %arg5[%add3A_13, %dma_wait3A] : memref<20480x64xf32, #tpu.memory_space<hbm>> -> memref<640x64xf32, #tpu.memory_space<hbm>>
      %dma_wait3A_19 = arith.constant 0 : i32
      %dma_wait3A_20 = tpu.memref_slice %arg7[%mul3A_0, %dma_wait3A_19] : memref<10240x64xf32, #tpu.memory_space<vmem_shared>> -> memref<640x64xf32, #tpu.memory_space<vmem_shared>>
      tpu.wait_dma2 semaphore(%run_scoped3A : memref<!tpu.dma_semaphore, #tpu.memory_space<semaphore_mem>>) src(%dma_wait3A_20 : memref<640x64xf32, #tpu.memory_space<vmem_shared>>) dst(%dma_wait3A_18 : memref<640x64xf32, #tpu.memory_space<hbm>>)
      tpu.yield
    }) : () -> ()
    %barrier3A_14 = arith.constant 0 : index
    tpu.barrier barrier_id(%barrier3A_14)
    return
  }
}

#map = affine_map<(d0, d1) -> (0, 0)>
#map1 = affine_map<(d0, d1) -> (0)>
module attributes {stable_mosaic.version = 14 : i64} {
  func.func @spmm(%arg0: i32, %arg1: i32, %arg2: memref<40960x64xf32, #tpu.memory_space<hbm>>, %arg3: memref<327680xi32, #tpu.memory_space<hbm>>, %arg4: memref<327680xi32, #tpu.memory_space<hbm>>, %arg5: memref<40960x64xf32, #tpu.memory_space<hbm>>, %arg6: memref<10240x64xf32, #tpu.memory_space<vmem_shared>>, %arg7: memref<10240x64xf32, #tpu.memory_space<vmem_shared>>, %arg8: memref<5120xi32, #tpu.memory_space<vmem>>, %arg9: memref<5120xi32, #tpu.memory_space<vmem>>, %arg10: memref<128x64xf32, #tpu.memory_space<vmem>>, %arg11: memref<128x64xf32, #tpu.memory_space<vmem>>, %arg12: memref<128x64xf32, #tpu.memory_space<vmem>>, %arg13: memref<128x64xf32, #tpu.memory_space<vmem>>, %arg14: memref<!tpu.dma_semaphore, #tpu.memory_space<semaphore_mem>>, %arg15: memref<!tpu.dma_semaphore, #tpu.memory_space<semaphore_mem>>, %arg16: memref<!tpu.dma_semaphore, #tpu.memory_space<semaphore_mem>>, %arg17: memref<!tpu.dma_semaphore, #tpu.memory_space<semaphore_mem>>, %arg18: memref<!tpu.dma_semaphore, #tpu.memory_space<semaphore_mem>>, %arg19: memref<!tpu.dma_semaphore, #tpu.memory_space<semaphore_mem>>, %arg20: memref<!tpu.dma_semaphore, #tpu.memory_space<semaphore_mem>>, %arg21: memref<!tpu.dma_semaphore, #tpu.memory_space<semaphore_mem>>) attributes {dimension_semantics = [#tpu.dimension_semantics<core_parallel>, #tpu.dimension_semantics<subcore_parallel>], iteration_bounds = array<i64: 2, 16>, scalar_prefetch = 0 : i64, scratch_operands = 16 : i64, tpu.core_type = #tpu.core_type<sc_vector_subcore>, window_params = [{transform_indices = #map}, {transform_indices = #map1}, {transform_indices = #map1}, {transform_indices = #map}]} {
    %mul3A = arith.constant 640 : i32
    %mul3A_0 = arith.muli %arg1, %mul3A : i32
    %mul3A_1 = arith.constant 2 : i32
    %mul3A_2 = arith.muli %arg0, %mul3A_1 : i32
    %add3A = arith.constant 0 : i32
    %add3A_3 = arith.addi %mul3A_2, %add3A : i32
    %mul3A_4 = arith.constant 10240 : i32
    %mul3A_5 = arith.muli %add3A_3, %mul3A_4 : i32
    %add3A_6 = arith.addi %mul3A_5, %mul3A_0 : i32
    "tpu.region"() ({
      %run_scoped3A = tpu.sem_alloc : memref<!tpu.dma_semaphore, #tpu.memory_space<semaphore_mem>>
      %dma_start3A = arith.constant 0 : i32
      %dma_start3A_32 = tpu.memref_slice %arg6[%mul3A_0, %dma_start3A] : memref<10240x64xf32, #tpu.memory_space<vmem_shared>> -> memref<640x64xf32, #tpu.memory_space<vmem_shared>>
      %dma_start3A_33 = arith.constant 0 : i32
      %dma_start3A_34 = tpu.memref_slice %arg2[%add3A_6, %dma_start3A_33] : memref<40960x64xf32, #tpu.memory_space<hbm>> -> memref<640x64xf32, #tpu.memory_space<hbm>>
      tpu.enqueue_dma source(%dma_start3A_34 : memref<640x64xf32, #tpu.memory_space<hbm>>) target(%dma_start3A_32 : memref<640x64xf32, #tpu.memory_space<vmem_shared>>) target_semaphore(%run_scoped3A : memref<!tpu.dma_semaphore, #tpu.memory_space<semaphore_mem>>)
      %dma_wait3A = arith.constant 0 : i32
      %dma_wait3A_35 = tpu.memref_slice %arg6[%mul3A_0, %dma_wait3A] : memref<10240x64xf32, #tpu.memory_space<vmem_shared>> -> memref<640x64xf32, #tpu.memory_space<vmem_shared>>
      %dma_wait3A_36 = arith.constant 0 : i32
      %dma_wait3A_37 = tpu.memref_slice %arg2[%add3A_6, %dma_wait3A_36] : memref<40960x64xf32, #tpu.memory_space<hbm>> -> memref<640x64xf32, #tpu.memory_space<hbm>>
      tpu.wait_dma2 semaphore(%run_scoped3A : memref<!tpu.dma_semaphore, #tpu.memory_space<semaphore_mem>>) src(%dma_wait3A_37 : memref<640x64xf32, #tpu.memory_space<hbm>>) dst(%dma_wait3A_35 : memref<640x64xf32, #tpu.memory_space<vmem_shared>>)
      tpu.yield
    }) : () -> ()
    "tpu.region"() ({
      %run_scoped3A = tpu.sem_alloc : memref<!tpu.dma_semaphore, #tpu.memory_space<semaphore_mem>>
      %dma_start3A = arith.constant 0 : i32
      %dma_start3A_32 = tpu.memref_slice %arg7[%mul3A_0, %dma_start3A] : memref<10240x64xf32, #tpu.memory_space<vmem_shared>> -> memref<640x64xf32, #tpu.memory_space<vmem_shared>>
      %dma_start3A_33 = arith.constant 0 : i32
      %dma_start3A_34 = tpu.memref_slice %arg6[%mul3A_0, %dma_start3A_33] : memref<10240x64xf32, #tpu.memory_space<vmem_shared>> -> memref<640x64xf32, #tpu.memory_space<vmem_shared>>
      tpu.enqueue_dma source(%dma_start3A_34 : memref<640x64xf32, #tpu.memory_space<vmem_shared>>) target(%dma_start3A_32 : memref<640x64xf32, #tpu.memory_space<vmem_shared>>) target_semaphore(%run_scoped3A : memref<!tpu.dma_semaphore, #tpu.memory_space<semaphore_mem>>)
      %dma_wait3A = arith.constant 0 : i32
      %dma_wait3A_35 = tpu.memref_slice %arg7[%mul3A_0, %dma_wait3A] : memref<10240x64xf32, #tpu.memory_space<vmem_shared>> -> memref<640x64xf32, #tpu.memory_space<vmem_shared>>
      %dma_wait3A_36 = arith.constant 0 : i32
      %dma_wait3A_37 = tpu.memref_slice %arg6[%mul3A_0, %dma_wait3A_36] : memref<10240x64xf32, #tpu.memory_space<vmem_shared>> -> memref<640x64xf32, #tpu.memory_space<vmem_shared>>
      tpu.wait_dma2 semaphore(%run_scoped3A : memref<!tpu.dma_semaphore, #tpu.memory_space<semaphore_mem>>) src(%dma_wait3A_37 : memref<640x64xf32, #tpu.memory_space<vmem_shared>>) dst(%dma_wait3A_35 : memref<640x64xf32, #tpu.memory_space<vmem_shared>>)
      tpu.yield
    }) : () -> ()
    %barrier3A = arith.constant 0 : index
    tpu.barrier barrier_id(%barrier3A)
    %scan3A = arith.constant 0 : i32
    %scan3A_7 = arith.constant 0 : i32
    %scan3A_8 = arith.constant 4 : i32
    %scan3A_9 = arith.addi %scan3A_7, %scan3A_8 : i32
    %scan3A_10 = arith.constant 1 : i32
    scf.for %scan3A_32 = %scan3A_7 to %scan3A_9 step %scan3A_10  : i32 {
      %mul3A_33 = arith.constant 20480 : i32
      %mul3A_34 = arith.muli %arg1, %mul3A_33 : i32
      %mul3A_35 = arith.constant 5120 : i32
      %mul3A_36 = arith.muli %scan3A_32, %mul3A_35 : i32
      %add3A_37 = arith.addi %mul3A_34, %mul3A_36 : i32
      %multiple_of3A = tpu.assume_multiple %add3A_37, 8 : i32
      "tpu.region"() ({
        %run_scoped3A = tpu.sem_alloc : memref<!tpu.dma_semaphore, #tpu.memory_space<semaphore_mem>>
        %dma_start3A_76 = tpu.memref_slice %arg3[%multiple_of3A] : memref<327680xi32, #tpu.memory_space<hbm>> -> memref<5120xi32, #tpu.memory_space<hbm>>
        %dma_start3A_77 = tpu.memref_slice %arg3[%multiple_of3A] : memref<327680xi32, #tpu.memory_space<hbm>> -> memref<5120xi32, #tpu.memory_space<hbm>>
        tpu.enqueue_dma source(%dma_start3A_77 : memref<5120xi32, #tpu.memory_space<hbm>>) target(%arg8 : memref<5120xi32, #tpu.memory_space<vmem>>) target_semaphore(%run_scoped3A : memref<!tpu.dma_semaphore, #tpu.memory_space<semaphore_mem>>)
        %dma_wait3A_78 = tpu.memref_slice %arg3[%multiple_of3A] : memref<327680xi32, #tpu.memory_space<hbm>> -> memref<5120xi32, #tpu.memory_space<hbm>>
        %dma_wait3A_79 = tpu.memref_slice %arg3[%multiple_of3A] : memref<327680xi32, #tpu.memory_space<hbm>> -> memref<5120xi32, #tpu.memory_space<hbm>>
        tpu.wait_dma2 semaphore(%run_scoped3A : memref<!tpu.dma_semaphore, #tpu.memory_space<semaphore_mem>>) src(%dma_wait3A_79 : memref<5120xi32, #tpu.memory_space<hbm>>) dst(%arg8 : memref<5120xi32, #tpu.memory_space<vmem>>)
        tpu.yield
      }) : () -> ()
      "tpu.region"() ({
        %run_scoped3A = tpu.sem_alloc : memref<!tpu.dma_semaphore, #tpu.memory_space<semaphore_mem>>
        %dma_start3A_76 = tpu.memref_slice %arg4[%multiple_of3A] : memref<327680xi32, #tpu.memory_space<hbm>> -> memref<5120xi32, #tpu.memory_space<hbm>>
        %dma_start3A_77 = tpu.memref_slice %arg4[%multiple_of3A] : memref<327680xi32, #tpu.memory_space<hbm>> -> memref<5120xi32, #tpu.memory_space<hbm>>
        tpu.enqueue_dma source(%dma_start3A_77 : memref<5120xi32, #tpu.memory_space<hbm>>) target(%arg9 : memref<5120xi32, #tpu.memory_space<vmem>>) target_semaphore(%run_scoped3A : memref<!tpu.dma_semaphore, #tpu.memory_space<semaphore_mem>>)
        %dma_wait3A_78 = tpu.memref_slice %arg4[%multiple_of3A] : memref<327680xi32, #tpu.memory_space<hbm>> -> memref<5120xi32, #tpu.memory_space<hbm>>
        %dma_wait3A_79 = tpu.memref_slice %arg4[%multiple_of3A] : memref<327680xi32, #tpu.memory_space<hbm>> -> memref<5120xi32, #tpu.memory_space<hbm>>
        tpu.wait_dma2 semaphore(%run_scoped3A : memref<!tpu.dma_semaphore, #tpu.memory_space<semaphore_mem>>) src(%dma_wait3A_79 : memref<5120xi32, #tpu.memory_space<hbm>>) dst(%arg9 : memref<5120xi32, #tpu.memory_space<vmem>>)
        tpu.yield
      }) : () -> ()
      %dma_start3A = arith.constant 0 : i32
      %dma_start3A_38 = tpu.memref_slice %arg8[%dma_start3A] : memref<5120xi32, #tpu.memory_space<vmem>> -> memref<128xi32, #tpu.memory_space<vmem>>
      %dma_start3A_39 = arith.constant 0 : i32
      %dma_start3A_40 = arith.constant 0 : i32
      %dma_start3A_41 = tpu.memref_slice %arg6[%dma_start3A_39, %dma_start3A_40] : memref<10240x64xf32, #tpu.memory_space<vmem_shared>> -> memref<10240x64xf32, #tpu.memory_space<vmem_shared>>
      tpu.enqueue_indirect_dma source(%dma_start3A_41 : memref<10240x64xf32, #tpu.memory_space<vmem_shared>>) target(%arg10 : memref<128x64xf32, #tpu.memory_space<vmem>>) offsets(%dma_start3A_38 : memref<128xi32, #tpu.memory_space<vmem>>) semaphore(%arg14 : memref<!tpu.dma_semaphore, #tpu.memory_space<semaphore_mem>>)
      %dma_start3A_42 = arith.constant 128 : i32
      %dma_start3A_43 = tpu.memref_slice %arg8[%dma_start3A_42] : memref<5120xi32, #tpu.memory_space<vmem>> -> memref<128xi32, #tpu.memory_space<vmem>>
      %dma_start3A_44 = arith.constant 0 : i32
      %dma_start3A_45 = arith.constant 0 : i32
      %dma_start3A_46 = tpu.memref_slice %arg6[%dma_start3A_44, %dma_start3A_45] : memref<10240x64xf32, #tpu.memory_space<vmem_shared>> -> memref<10240x64xf32, #tpu.memory_space<vmem_shared>>
      tpu.enqueue_indirect_dma source(%dma_start3A_46 : memref<10240x64xf32, #tpu.memory_space<vmem_shared>>) target(%arg11 : memref<128x64xf32, #tpu.memory_space<vmem>>) offsets(%dma_start3A_43 : memref<128xi32, #tpu.memory_space<vmem>>) semaphore(%arg15 : memref<!tpu.dma_semaphore, #tpu.memory_space<semaphore_mem>>)
      %scan3A_47 = arith.constant 0 : i32
      %scan3A_48 = arith.constant 0 : i32
      %scan3A_49 = arith.constant 10 : i32
      %scan3A_50 = arith.addi %scan3A_48, %scan3A_49 : i32
      %scan3A_51 = arith.constant 1 : i32
      scf.for %scan3A_76 = %scan3A_48 to %scan3A_50 step %scan3A_51  : i32 {
        %mul3A_77 = arith.constant 4 : i32
        %mul3A_78 = arith.muli %scan3A_76, %mul3A_77 : i32
        %add3A_79 = arith.constant 0 : i32
        %add3A_80 = arith.addi %mul3A_78, %add3A_79 : i32
        %dma_wait3A_81 = arith.constant 0 : i32
        %dma_wait3A_82 = arith.constant 0 : i32
        %dma_wait3A_83 = tpu.memref_slice %arg6[%dma_wait3A_81, %dma_wait3A_82] : memref<10240x64xf32, #tpu.memory_space<vmem_shared>> -> memref<128x64xf32, #tpu.memory_space<vmem_shared>>
        %dma_wait3A_84 = arith.constant 0 : i32
        %dma_wait3A_85 = arith.constant 0 : i32
        %dma_wait3A_86 = tpu.memref_slice %arg6[%dma_wait3A_84, %dma_wait3A_85] : memref<10240x64xf32, #tpu.memory_space<vmem_shared>> -> memref<128x64xf32, #tpu.memory_space<vmem_shared>>
        tpu.wait_dma2 semaphore(%arg14 : memref<!tpu.dma_semaphore, #tpu.memory_space<semaphore_mem>>) src(%dma_wait3A_86 : memref<128x64xf32, #tpu.memory_space<vmem_shared>>) dst(%arg10 : memref<128x64xf32, #tpu.memory_space<vmem>>)
        %mul3A_87 = arith.constant 128 : i32
        %mul3A_88 = arith.muli %add3A_80, %mul3A_87 : i32
        %dma_start3A_89 = tpu.memref_slice %arg9[%mul3A_88] : memref<5120xi32, #tpu.memory_space<vmem>> -> memref<128xi32, #tpu.memory_space<vmem>>
        %dma_start3A_90 = arith.constant 0 : i32
        %dma_start3A_91 = arith.constant 0 : i32
        %dma_start3A_92 = tpu.memref_slice %arg7[%dma_start3A_90, %dma_start3A_91] : memref<10240x64xf32, #tpu.memory_space<vmem_shared>> -> memref<10240x64xf32, #tpu.memory_space<vmem_shared>>
        tpu.enqueue_indirect_dma source(%arg10 : memref<128x64xf32, #tpu.memory_space<vmem>>) target(%dma_start3A_92 : memref<10240x64xf32, #tpu.memory_space<vmem_shared>>) offsets(%dma_start3A_89 : memref<128xi32, #tpu.memory_space<vmem>>) semaphore(%arg18 : memref<!tpu.dma_semaphore, #tpu.memory_space<semaphore_mem>>) {add = true}
        %ge3A = arith.constant 1 : i32
        %ge3A_93 = arith.cmpi sge, %scan3A_76, %ge3A : i32
        %convert_element_type3A = arith.extui %ge3A_93 : i1 to i32
        %cond3A = arith.constant 0 : i32
        %cond3A_94 = arith.cmpi ne, %convert_element_type3A, %cond3A : i32
        scf.if %cond3A_94 {
          %dma_wait3A_173 = arith.constant 0 : i32
          %dma_wait3A_174 = arith.constant 0 : i32
          %dma_wait3A_175 = tpu.memref_slice %arg7[%dma_wait3A_173, %dma_wait3A_174] : memref<10240x64xf32, #tpu.memory_space<vmem_shared>> -> memref<128x64xf32, #tpu.memory_space<vmem_shared>>
          %dma_wait3A_176 = arith.constant 0 : i32
          %dma_wait3A_177 = arith.constant 0 : i32
          %dma_wait3A_178 = tpu.memref_slice %arg7[%dma_wait3A_176, %dma_wait3A_177] : memref<10240x64xf32, #tpu.memory_space<vmem_shared>> -> memref<128x64xf32, #tpu.memory_space<vmem_shared>>
          tpu.wait_dma2 semaphore(%arg20 : memref<!tpu.dma_semaphore, #tpu.memory_space<semaphore_mem>>) src(%arg12 : memref<128x64xf32, #tpu.memory_space<vmem>>) dst(%dma_wait3A_178 : memref<128x64xf32, #tpu.memory_space<vmem_shared>>)
        } else {
        }
        %add3A_95 = arith.constant 2 : i32
        %add3A_96 = arith.addi %add3A_80, %add3A_95 : i32
        %mul3A_97 = arith.constant 128 : i32
        %mul3A_98 = arith.muli %add3A_96, %mul3A_97 : i32
        %dma_start3A_99 = tpu.memref_slice %arg8[%mul3A_98] : memref<5120xi32, #tpu.memory_space<vmem>> -> memref<128xi32, #tpu.memory_space<vmem>>
        %dma_start3A_100 = arith.constant 0 : i32
        %dma_start3A_101 = arith.constant 0 : i32
        %dma_start3A_102 = tpu.memref_slice %arg6[%dma_start3A_100, %dma_start3A_101] : memref<10240x64xf32, #tpu.memory_space<vmem_shared>> -> memref<10240x64xf32, #tpu.memory_space<vmem_shared>>
        tpu.enqueue_indirect_dma source(%dma_start3A_102 : memref<10240x64xf32, #tpu.memory_space<vmem_shared>>) target(%arg12 : memref<128x64xf32, #tpu.memory_space<vmem>>) offsets(%dma_start3A_99 : memref<128xi32, #tpu.memory_space<vmem>>) semaphore(%arg16 : memref<!tpu.dma_semaphore, #tpu.memory_space<semaphore_mem>>)
        %mul3A_103 = arith.constant 4 : i32
        %mul3A_104 = arith.muli %scan3A_76, %mul3A_103 : i32
        %add3A_105 = arith.constant 1 : i32
        %add3A_106 = arith.addi %mul3A_104, %add3A_105 : i32
        %dma_wait3A_107 = arith.constant 0 : i32
        %dma_wait3A_108 = arith.constant 0 : i32
        %dma_wait3A_109 = tpu.memref_slice %arg6[%dma_wait3A_107, %dma_wait3A_108] : memref<10240x64xf32, #tpu.memory_space<vmem_shared>> -> memref<128x64xf32, #tpu.memory_space<vmem_shared>>
        %dma_wait3A_110 = arith.constant 0 : i32
        %dma_wait3A_111 = arith.constant 0 : i32
        %dma_wait3A_112 = tpu.memref_slice %arg6[%dma_wait3A_110, %dma_wait3A_111] : memref<10240x64xf32, #tpu.memory_space<vmem_shared>> -> memref<128x64xf32, #tpu.memory_space<vmem_shared>>
        tpu.wait_dma2 semaphore(%arg15 : memref<!tpu.dma_semaphore, #tpu.memory_space<semaphore_mem>>) src(%dma_wait3A_112 : memref<128x64xf32, #tpu.memory_space<vmem_shared>>) dst(%arg11 : memref<128x64xf32, #tpu.memory_space<vmem>>)
        %mul3A_113 = arith.constant 128 : i32
        %mul3A_114 = arith.muli %add3A_106, %mul3A_113 : i32
        %dma_start3A_115 = tpu.memref_slice %arg9[%mul3A_114] : memref<5120xi32, #tpu.memory_space<vmem>> -> memref<128xi32, #tpu.memory_space<vmem>>
        %dma_start3A_116 = arith.constant 0 : i32
        %dma_start3A_117 = arith.constant 0 : i32
        %dma_start3A_118 = tpu.memref_slice %arg7[%dma_start3A_116, %dma_start3A_117] : memref<10240x64xf32, #tpu.memory_space<vmem_shared>> -> memref<10240x64xf32, #tpu.memory_space<vmem_shared>>
        tpu.enqueue_indirect_dma source(%arg11 : memref<128x64xf32, #tpu.memory_space<vmem>>) target(%dma_start3A_118 : memref<10240x64xf32, #tpu.memory_space<vmem_shared>>) offsets(%dma_start3A_115 : memref<128xi32, #tpu.memory_space<vmem>>) semaphore(%arg19 : memref<!tpu.dma_semaphore, #tpu.memory_space<semaphore_mem>>) {add = true}
        %ge3A_119 = arith.constant 1 : i32
        %ge3A_120 = arith.cmpi sge, %scan3A_76, %ge3A_119 : i32
        %convert_element_type3A_121 = arith.extui %ge3A_120 : i1 to i32
        %cond3A_122 = arith.constant 0 : i32
        %cond3A_123 = arith.cmpi ne, %convert_element_type3A_121, %cond3A_122 : i32
        scf.if %cond3A_123 {
          %dma_wait3A_173 = arith.constant 0 : i32
          %dma_wait3A_174 = arith.constant 0 : i32
          %dma_wait3A_175 = tpu.memref_slice %arg7[%dma_wait3A_173, %dma_wait3A_174] : memref<10240x64xf32, #tpu.memory_space<vmem_shared>> -> memref<128x64xf32, #tpu.memory_space<vmem_shared>>
          %dma_wait3A_176 = arith.constant 0 : i32
          %dma_wait3A_177 = arith.constant 0 : i32
          %dma_wait3A_178 = tpu.memref_slice %arg7[%dma_wait3A_176, %dma_wait3A_177] : memref<10240x64xf32, #tpu.memory_space<vmem_shared>> -> memref<128x64xf32, #tpu.memory_space<vmem_shared>>
          tpu.wait_dma2 semaphore(%arg21 : memref<!tpu.dma_semaphore, #tpu.memory_space<semaphore_mem>>) src(%arg13 : memref<128x64xf32, #tpu.memory_space<vmem>>) dst(%dma_wait3A_178 : memref<128x64xf32, #tpu.memory_space<vmem_shared>>)
        } else {
        }
        %add3A_124 = arith.constant 2 : i32
        %add3A_125 = arith.addi %add3A_106, %add3A_124 : i32
        %mul3A_126 = arith.constant 128 : i32
        %mul3A_127 = arith.muli %add3A_125, %mul3A_126 : i32
        %dma_start3A_128 = tpu.memref_slice %arg8[%mul3A_127] : memref<5120xi32, #tpu.memory_space<vmem>> -> memref<128xi32, #tpu.memory_space<vmem>>
        %dma_start3A_129 = arith.constant 0 : i32
        %dma_start3A_130 = arith.constant 0 : i32
        %dma_start3A_131 = tpu.memref_slice %arg6[%dma_start3A_129, %dma_start3A_130] : memref<10240x64xf32, #tpu.memory_space<vmem_shared>> -> memref<10240x64xf32, #tpu.memory_space<vmem_shared>>
        tpu.enqueue_indirect_dma source(%dma_start3A_131 : memref<10240x64xf32, #tpu.memory_space<vmem_shared>>) target(%arg13 : memref<128x64xf32, #tpu.memory_space<vmem>>) offsets(%dma_start3A_128 : memref<128xi32, #tpu.memory_space<vmem>>) semaphore(%arg17 : memref<!tpu.dma_semaphore, #tpu.memory_space<semaphore_mem>>)
        %mul3A_132 = arith.constant 4 : i32
        %mul3A_133 = arith.muli %scan3A_76, %mul3A_132 : i32
        %add3A_134 = arith.constant 2 : i32
        %add3A_135 = arith.addi %mul3A_133, %add3A_134 : i32
        %dma_wait3A_136 = arith.constant 0 : i32
        %dma_wait3A_137 = arith.constant 0 : i32
        %dma_wait3A_138 = tpu.memref_slice %arg6[%dma_wait3A_136, %dma_wait3A_137] : memref<10240x64xf32, #tpu.memory_space<vmem_shared>> -> memref<128x64xf32, #tpu.memory_space<vmem_shared>>
        %dma_wait3A_139 = arith.constant 0 : i32
        %dma_wait3A_140 = arith.constant 0 : i32
        %dma_wait3A_141 = tpu.memref_slice %arg6[%dma_wait3A_139, %dma_wait3A_140] : memref<10240x64xf32, #tpu.memory_space<vmem_shared>> -> memref<128x64xf32, #tpu.memory_space<vmem_shared>>
        tpu.wait_dma2 semaphore(%arg16 : memref<!tpu.dma_semaphore, #tpu.memory_space<semaphore_mem>>) src(%dma_wait3A_141 : memref<128x64xf32, #tpu.memory_space<vmem_shared>>) dst(%arg12 : memref<128x64xf32, #tpu.memory_space<vmem>>)
        %mul3A_142 = arith.constant 128 : i32
        %mul3A_143 = arith.muli %add3A_135, %mul3A_142 : i32
        %dma_start3A_144 = tpu.memref_slice %arg9[%mul3A_143] : memref<5120xi32, #tpu.memory_space<vmem>> -> memref<128xi32, #tpu.memory_space<vmem>>
        %dma_start3A_145 = arith.constant 0 : i32
        %dma_start3A_146 = arith.constant 0 : i32
        %dma_start3A_147 = tpu.memref_slice %arg7[%dma_start3A_145, %dma_start3A_146] : memref<10240x64xf32, #tpu.memory_space<vmem_shared>> -> memref<10240x64xf32, #tpu.memory_space<vmem_shared>>
        tpu.enqueue_indirect_dma source(%arg12 : memref<128x64xf32, #tpu.memory_space<vmem>>) target(%dma_start3A_147 : memref<10240x64xf32, #tpu.memory_space<vmem_shared>>) offsets(%dma_start3A_144 : memref<128xi32, #tpu.memory_space<vmem>>) semaphore(%arg20 : memref<!tpu.dma_semaphore, #tpu.memory_space<semaphore_mem>>) {add = true}
        %lt3A = arith.constant 9 : i32
        %lt3A_148 = arith.cmpi slt, %scan3A_76, %lt3A : i32
        %convert_element_type3A_149 = arith.extui %lt3A_148 : i1 to i32
        %cond3A_150 = arith.constant 0 : i32
        %cond3A_151 = arith.cmpi ne, %convert_element_type3A_149, %cond3A_150 : i32
        scf.if %cond3A_151 {
          %dma_wait3A_173 = arith.constant 0 : i32
          %dma_wait3A_174 = arith.constant 0 : i32
          %dma_wait3A_175 = tpu.memref_slice %arg7[%dma_wait3A_173, %dma_wait3A_174] : memref<10240x64xf32, #tpu.memory_space<vmem_shared>> -> memref<128x64xf32, #tpu.memory_space<vmem_shared>>
          %dma_wait3A_176 = arith.constant 0 : i32
          %dma_wait3A_177 = arith.constant 0 : i32
          %dma_wait3A_178 = tpu.memref_slice %arg7[%dma_wait3A_176, %dma_wait3A_177] : memref<10240x64xf32, #tpu.memory_space<vmem_shared>> -> memref<128x64xf32, #tpu.memory_space<vmem_shared>>
          tpu.wait_dma2 semaphore(%arg18 : memref<!tpu.dma_semaphore, #tpu.memory_space<semaphore_mem>>) src(%arg10 : memref<128x64xf32, #tpu.memory_space<vmem>>) dst(%dma_wait3A_178 : memref<128x64xf32, #tpu.memory_space<vmem_shared>>)
          %add3A_179 = arith.constant 2 : i32
          %add3A_180 = arith.addi %add3A_135, %add3A_179 : i32
          %mul3A_181 = arith.constant 128 : i32
          %mul3A_182 = arith.muli %add3A_180, %mul3A_181 : i32
          %dma_start3A_183 = tpu.memref_slice %arg8[%mul3A_182] : memref<5120xi32, #tpu.memory_space<vmem>> -> memref<128xi32, #tpu.memory_space<vmem>>
          %dma_start3A_184 = arith.constant 0 : i32
          %dma_start3A_185 = arith.constant 0 : i32
          %dma_start3A_186 = tpu.memref_slice %arg6[%dma_start3A_184, %dma_start3A_185] : memref<10240x64xf32, #tpu.memory_space<vmem_shared>> -> memref<10240x64xf32, #tpu.memory_space<vmem_shared>>
          tpu.enqueue_indirect_dma source(%dma_start3A_186 : memref<10240x64xf32, #tpu.memory_space<vmem_shared>>) target(%arg10 : memref<128x64xf32, #tpu.memory_space<vmem>>) offsets(%dma_start3A_183 : memref<128xi32, #tpu.memory_space<vmem>>) semaphore(%arg14 : memref<!tpu.dma_semaphore, #tpu.memory_space<semaphore_mem>>)
        } else {
        }
        %mul3A_152 = arith.constant 4 : i32
        %mul3A_153 = arith.muli %scan3A_76, %mul3A_152 : i32
        %add3A_154 = arith.constant 3 : i32
        %add3A_155 = arith.addi %mul3A_153, %add3A_154 : i32
        %dma_wait3A_156 = arith.constant 0 : i32
        %dma_wait3A_157 = arith.constant 0 : i32
        %dma_wait3A_158 = tpu.memref_slice %arg6[%dma_wait3A_156, %dma_wait3A_157] : memref<10240x64xf32, #tpu.memory_space<vmem_shared>> -> memref<128x64xf32, #tpu.memory_space<vmem_shared>>
        %dma_wait3A_159 = arith.constant 0 : i32
        %dma_wait3A_160 = arith.constant 0 : i32
        %dma_wait3A_161 = tpu.memref_slice %arg6[%dma_wait3A_159, %dma_wait3A_160] : memref<10240x64xf32, #tpu.memory_space<vmem_shared>> -> memref<128x64xf32, #tpu.memory_space<vmem_shared>>
        tpu.wait_dma2 semaphore(%arg17 : memref<!tpu.dma_semaphore, #tpu.memory_space<semaphore_mem>>) src(%dma_wait3A_161 : memref<128x64xf32, #tpu.memory_space<vmem_shared>>) dst(%arg13 : memref<128x64xf32, #tpu.memory_space<vmem>>)
        %mul3A_162 = arith.constant 128 : i32
        %mul3A_163 = arith.muli %add3A_155, %mul3A_162 : i32
        %dma_start3A_164 = tpu.memref_slice %arg9[%mul3A_163] : memref<5120xi32, #tpu.memory_space<vmem>> -> memref<128xi32, #tpu.memory_space<vmem>>
        %dma_start3A_165 = arith.constant 0 : i32
        %dma_start3A_166 = arith.constant 0 : i32
        %dma_start3A_167 = tpu.memref_slice %arg7[%dma_start3A_165, %dma_start3A_166] : memref<10240x64xf32, #tpu.memory_space<vmem_shared>> -> memref<10240x64xf32, #tpu.memory_space<vmem_shared>>
        tpu.enqueue_indirect_dma source(%arg13 : memref<128x64xf32, #tpu.memory_space<vmem>>) target(%dma_start3A_167 : memref<10240x64xf32, #tpu.memory_space<vmem_shared>>) offsets(%dma_start3A_164 : memref<128xi32, #tpu.memory_space<vmem>>) semaphore(%arg21 : memref<!tpu.dma_semaphore, #tpu.memory_space<semaphore_mem>>) {add = true}
        %lt3A_168 = arith.constant 9 : i32
        %lt3A_169 = arith.cmpi slt, %scan3A_76, %lt3A_168 : i32
        %convert_element_type3A_170 = arith.extui %lt3A_169 : i1 to i32
        %cond3A_171 = arith.constant 0 : i32
        %cond3A_172 = arith.cmpi ne, %convert_element_type3A_170, %cond3A_171 : i32
        scf.if %cond3A_172 {
          %dma_wait3A_173 = arith.constant 0 : i32
          %dma_wait3A_174 = arith.constant 0 : i32
          %dma_wait3A_175 = tpu.memref_slice %arg7[%dma_wait3A_173, %dma_wait3A_174] : memref<10240x64xf32, #tpu.memory_space<vmem_shared>> -> memref<128x64xf32, #tpu.memory_space<vmem_shared>>
          %dma_wait3A_176 = arith.constant 0 : i32
          %dma_wait3A_177 = arith.constant 0 : i32
          %dma_wait3A_178 = tpu.memref_slice %arg7[%dma_wait3A_176, %dma_wait3A_177] : memref<10240x64xf32, #tpu.memory_space<vmem_shared>> -> memref<128x64xf32, #tpu.memory_space<vmem_shared>>
          tpu.wait_dma2 semaphore(%arg19 : memref<!tpu.dma_semaphore, #tpu.memory_space<semaphore_mem>>) src(%arg11 : memref<128x64xf32, #tpu.memory_space<vmem>>) dst(%dma_wait3A_178 : memref<128x64xf32, #tpu.memory_space<vmem_shared>>)
          %add3A_179 = arith.constant 2 : i32
          %add3A_180 = arith.addi %add3A_155, %add3A_179 : i32
          %mul3A_181 = arith.constant 128 : i32
          %mul3A_182 = arith.muli %add3A_180, %mul3A_181 : i32
          %dma_start3A_183 = tpu.memref_slice %arg8[%mul3A_182] : memref<5120xi32, #tpu.memory_space<vmem>> -> memref<128xi32, #tpu.memory_space<vmem>>
          %dma_start3A_184 = arith.constant 0 : i32
          %dma_start3A_185 = arith.constant 0 : i32
          %dma_start3A_186 = tpu.memref_slice %arg6[%dma_start3A_184, %dma_start3A_185] : memref<10240x64xf32, #tpu.memory_space<vmem_shared>> -> memref<10240x64xf32, #tpu.memory_space<vmem_shared>>
          tpu.enqueue_indirect_dma source(%dma_start3A_186 : memref<10240x64xf32, #tpu.memory_space<vmem_shared>>) target(%arg11 : memref<128x64xf32, #tpu.memory_space<vmem>>) offsets(%dma_start3A_183 : memref<128xi32, #tpu.memory_space<vmem>>) semaphore(%arg15 : memref<!tpu.dma_semaphore, #tpu.memory_space<semaphore_mem>>)
        } else {
        }
      }
      %scan3A_52 = arith.constant 10 : i32
      %dma_wait3A = arith.constant 0 : i32
      %dma_wait3A_53 = arith.constant 0 : i32
      %dma_wait3A_54 = tpu.memref_slice %arg7[%dma_wait3A, %dma_wait3A_53] : memref<10240x64xf32, #tpu.memory_space<vmem_shared>> -> memref<128x64xf32, #tpu.memory_space<vmem_shared>>
      %dma_wait3A_55 = arith.constant 0 : i32
      %dma_wait3A_56 = arith.constant 0 : i32
      %dma_wait3A_57 = tpu.memref_slice %arg7[%dma_wait3A_55, %dma_wait3A_56] : memref<10240x64xf32, #tpu.memory_space<vmem_shared>> -> memref<128x64xf32, #tpu.memory_space<vmem_shared>>
      tpu.wait_dma2 semaphore(%arg18 : memref<!tpu.dma_semaphore, #tpu.memory_space<semaphore_mem>>) src(%arg10 : memref<128x64xf32, #tpu.memory_space<vmem>>) dst(%dma_wait3A_57 : memref<128x64xf32, #tpu.memory_space<vmem_shared>>)
      %dma_wait3A_58 = arith.constant 0 : i32
      %dma_wait3A_59 = arith.constant 0 : i32
      %dma_wait3A_60 = tpu.memref_slice %arg7[%dma_wait3A_58, %dma_wait3A_59] : memref<10240x64xf32, #tpu.memory_space<vmem_shared>> -> memref<128x64xf32, #tpu.memory_space<vmem_shared>>
      %dma_wait3A_61 = arith.constant 0 : i32
      %dma_wait3A_62 = arith.constant 0 : i32
      %dma_wait3A_63 = tpu.memref_slice %arg7[%dma_wait3A_61, %dma_wait3A_62] : memref<10240x64xf32, #tpu.memory_space<vmem_shared>> -> memref<128x64xf32, #tpu.memory_space<vmem_shared>>
      tpu.wait_dma2 semaphore(%arg19 : memref<!tpu.dma_semaphore, #tpu.memory_space<semaphore_mem>>) src(%arg11 : memref<128x64xf32, #tpu.memory_space<vmem>>) dst(%dma_wait3A_63 : memref<128x64xf32, #tpu.memory_space<vmem_shared>>)
      %dma_wait3A_64 = arith.constant 0 : i32
      %dma_wait3A_65 = arith.constant 0 : i32
      %dma_wait3A_66 = tpu.memref_slice %arg7[%dma_wait3A_64, %dma_wait3A_65] : memref<10240x64xf32, #tpu.memory_space<vmem_shared>> -> memref<128x64xf32, #tpu.memory_space<vmem_shared>>
      %dma_wait3A_67 = arith.constant 0 : i32
      %dma_wait3A_68 = arith.constant 0 : i32
      %dma_wait3A_69 = tpu.memref_slice %arg7[%dma_wait3A_67, %dma_wait3A_68] : memref<10240x64xf32, #tpu.memory_space<vmem_shared>> -> memref<128x64xf32, #tpu.memory_space<vmem_shared>>
      tpu.wait_dma2 semaphore(%arg20 : memref<!tpu.dma_semaphore, #tpu.memory_space<semaphore_mem>>) src(%arg12 : memref<128x64xf32, #tpu.memory_space<vmem>>) dst(%dma_wait3A_69 : memref<128x64xf32, #tpu.memory_space<vmem_shared>>)
      %dma_wait3A_70 = arith.constant 0 : i32
      %dma_wait3A_71 = arith.constant 0 : i32
      %dma_wait3A_72 = tpu.memref_slice %arg7[%dma_wait3A_70, %dma_wait3A_71] : memref<10240x64xf32, #tpu.memory_space<vmem_shared>> -> memref<128x64xf32, #tpu.memory_space<vmem_shared>>
      %dma_wait3A_73 = arith.constant 0 : i32
      %dma_wait3A_74 = arith.constant 0 : i32
      %dma_wait3A_75 = tpu.memref_slice %arg7[%dma_wait3A_73, %dma_wait3A_74] : memref<10240x64xf32, #tpu.memory_space<vmem_shared>> -> memref<128x64xf32, #tpu.memory_space<vmem_shared>>
      tpu.wait_dma2 semaphore(%arg21 : memref<!tpu.dma_semaphore, #tpu.memory_space<semaphore_mem>>) src(%arg13 : memref<128x64xf32, #tpu.memory_space<vmem>>) dst(%dma_wait3A_75 : memref<128x64xf32, #tpu.memory_space<vmem_shared>>)
    }
    %scan3A_11 = arith.constant 4 : i32
    %barrier3A_12 = arith.constant 0 : index
    tpu.barrier barrier_id(%barrier3A_12)
    %add3A_13 = arith.addi %mul3A_5, %mul3A_0 : i32
    "tpu.region"() ({
      %run_scoped3A = tpu.sem_alloc : memref<!tpu.dma_semaphore, #tpu.memory_space<semaphore_mem>>
      %dma_start3A = arith.constant 0 : i32
      %dma_start3A_32 = tpu.memref_slice %arg5[%add3A_13, %dma_start3A] : memref<40960x64xf32, #tpu.memory_space<hbm>> -> memref<640x64xf32, #tpu.memory_space<hbm>>
      %dma_start3A_33 = arith.constant 0 : i32
      %dma_start3A_34 = tpu.memref_slice %arg7[%mul3A_0, %dma_start3A_33] : memref<10240x64xf32, #tpu.memory_space<vmem_shared>> -> memref<640x64xf32, #tpu.memory_space<vmem_shared>>
      tpu.enqueue_dma source(%dma_start3A_34 : memref<640x64xf32, #tpu.memory_space<vmem_shared>>) target(%dma_start3A_32 : memref<640x64xf32, #tpu.memory_space<hbm>>) target_semaphore(%run_scoped3A : memref<!tpu.dma_semaphore, #tpu.memory_space<semaphore_mem>>)
      %dma_wait3A = arith.constant 0 : i32
      %dma_wait3A_35 = tpu.memref_slice %arg5[%add3A_13, %dma_wait3A] : memref<40960x64xf32, #tpu.memory_space<hbm>> -> memref<640x64xf32, #tpu.memory_space<hbm>>
      %dma_wait3A_36 = arith.constant 0 : i32
      %dma_wait3A_37 = tpu.memref_slice %arg7[%mul3A_0, %dma_wait3A_36] : memref<10240x64xf32, #tpu.memory_space<vmem_shared>> -> memref<640x64xf32, #tpu.memory_space<vmem_shared>>
      tpu.wait_dma2 semaphore(%run_scoped3A : memref<!tpu.dma_semaphore, #tpu.memory_space<semaphore_mem>>) src(%dma_wait3A_37 : memref<640x64xf32, #tpu.memory_space<vmem_shared>>) dst(%dma_wait3A_35 : memref<640x64xf32, #tpu.memory_space<hbm>>)
      tpu.yield
    }) : () -> ()
    %barrier3A_14 = arith.constant 0 : index
    tpu.barrier barrier_id(%barrier3A_14)
    %mul3A_15 = arith.constant 2 : i32
    %mul3A_16 = arith.muli %arg0, %mul3A_15 : i32
    %add3A_17 = arith.constant 1 : i32
    %add3A_18 = arith.addi %mul3A_16, %add3A_17 : i32
    %mul3A_19 = arith.constant 10240 : i32
    %mul3A_20 = arith.muli %add3A_18, %mul3A_19 : i32
    %add3A_21 = arith.addi %mul3A_20, %mul3A_0 : i32
    "tpu.region"() ({
      %run_scoped3A = tpu.sem_alloc : memref<!tpu.dma_semaphore, #tpu.memory_space<semaphore_mem>>
      %dma_start3A = arith.constant 0 : i32
      %dma_start3A_32 = tpu.memref_slice %arg6[%mul3A_0, %dma_start3A] : memref<10240x64xf32, #tpu.memory_space<vmem_shared>> -> memref<640x64xf32, #tpu.memory_space<vmem_shared>>
      %dma_start3A_33 = arith.constant 0 : i32
      %dma_start3A_34 = tpu.memref_slice %arg2[%add3A_21, %dma_start3A_33] : memref<40960x64xf32, #tpu.memory_space<hbm>> -> memref<640x64xf32, #tpu.memory_space<hbm>>
      tpu.enqueue_dma source(%dma_start3A_34 : memref<640x64xf32, #tpu.memory_space<hbm>>) target(%dma_start3A_32 : memref<640x64xf32, #tpu.memory_space<vmem_shared>>) target_semaphore(%run_scoped3A : memref<!tpu.dma_semaphore, #tpu.memory_space<semaphore_mem>>)
      %dma_wait3A = arith.constant 0 : i32
      %dma_wait3A_35 = tpu.memref_slice %arg6[%mul3A_0, %dma_wait3A] : memref<10240x64xf32, #tpu.memory_space<vmem_shared>> -> memref<640x64xf32, #tpu.memory_space<vmem_shared>>
      %dma_wait3A_36 = arith.constant 0 : i32
      %dma_wait3A_37 = tpu.memref_slice %arg2[%add3A_21, %dma_wait3A_36] : memref<40960x64xf32, #tpu.memory_space<hbm>> -> memref<640x64xf32, #tpu.memory_space<hbm>>
      tpu.wait_dma2 semaphore(%run_scoped3A : memref<!tpu.dma_semaphore, #tpu.memory_space<semaphore_mem>>) src(%dma_wait3A_37 : memref<640x64xf32, #tpu.memory_space<hbm>>) dst(%dma_wait3A_35 : memref<640x64xf32, #tpu.memory_space<vmem_shared>>)
      tpu.yield
    }) : () -> ()
    "tpu.region"() ({
      %run_scoped3A = tpu.sem_alloc : memref<!tpu.dma_semaphore, #tpu.memory_space<semaphore_mem>>
      %dma_start3A = arith.constant 0 : i32
      %dma_start3A_32 = tpu.memref_slice %arg7[%mul3A_0, %dma_start3A] : memref<10240x64xf32, #tpu.memory_space<vmem_shared>> -> memref<640x64xf32, #tpu.memory_space<vmem_shared>>
      %dma_start3A_33 = arith.constant 0 : i32
      %dma_start3A_34 = tpu.memref_slice %arg6[%mul3A_0, %dma_start3A_33] : memref<10240x64xf32, #tpu.memory_space<vmem_shared>> -> memref<640x64xf32, #tpu.memory_space<vmem_shared>>
      tpu.enqueue_dma source(%dma_start3A_34 : memref<640x64xf32, #tpu.memory_space<vmem_shared>>) target(%dma_start3A_32 : memref<640x64xf32, #tpu.memory_space<vmem_shared>>) target_semaphore(%run_scoped3A : memref<!tpu.dma_semaphore, #tpu.memory_space<semaphore_mem>>)
      %dma_wait3A = arith.constant 0 : i32
      %dma_wait3A_35 = tpu.memref_slice %arg7[%mul3A_0, %dma_wait3A] : memref<10240x64xf32, #tpu.memory_space<vmem_shared>> -> memref<640x64xf32, #tpu.memory_space<vmem_shared>>
      %dma_wait3A_36 = arith.constant 0 : i32
      %dma_wait3A_37 = tpu.memref_slice %arg6[%mul3A_0, %dma_wait3A_36] : memref<10240x64xf32, #tpu.memory_space<vmem_shared>> -> memref<640x64xf32, #tpu.memory_space<vmem_shared>>
      tpu.wait_dma2 semaphore(%run_scoped3A : memref<!tpu.dma_semaphore, #tpu.memory_space<semaphore_mem>>) src(%dma_wait3A_37 : memref<640x64xf32, #tpu.memory_space<vmem_shared>>) dst(%dma_wait3A_35 : memref<640x64xf32, #tpu.memory_space<vmem_shared>>)
      tpu.yield
    }) : () -> ()
    %barrier3A_22 = arith.constant 0 : index
    tpu.barrier barrier_id(%barrier3A_22)
    %scan3A_23 = arith.constant 0 : i32
    %scan3A_24 = arith.constant 0 : i32
    %scan3A_25 = arith.constant 4 : i32
    %scan3A_26 = arith.addi %scan3A_24, %scan3A_25 : i32
    %scan3A_27 = arith.constant 1 : i32
    scf.for %scan3A_32 = %scan3A_24 to %scan3A_26 step %scan3A_27  : i32 {
      %mul3A_33 = arith.constant 20480 : i32
      %mul3A_34 = arith.muli %arg1, %mul3A_33 : i32
      %mul3A_35 = arith.constant 5120 : i32
      %mul3A_36 = arith.muli %scan3A_32, %mul3A_35 : i32
      %add3A_37 = arith.addi %mul3A_34, %mul3A_36 : i32
      %multiple_of3A = tpu.assume_multiple %add3A_37, 8 : i32
      "tpu.region"() ({
        %run_scoped3A = tpu.sem_alloc : memref<!tpu.dma_semaphore, #tpu.memory_space<semaphore_mem>>
        %dma_start3A_76 = tpu.memref_slice %arg3[%multiple_of3A] : memref<327680xi32, #tpu.memory_space<hbm>> -> memref<5120xi32, #tpu.memory_space<hbm>>
        %dma_start3A_77 = tpu.memref_slice %arg3[%multiple_of3A] : memref<327680xi32, #tpu.memory_space<hbm>> -> memref<5120xi32, #tpu.memory_space<hbm>>
        tpu.enqueue_dma source(%dma_start3A_77 : memref<5120xi32, #tpu.memory_space<hbm>>) target(%arg8 : memref<5120xi32, #tpu.memory_space<vmem>>) target_semaphore(%run_scoped3A : memref<!tpu.dma_semaphore, #tpu.memory_space<semaphore_mem>>)
        %dma_wait3A_78 = tpu.memref_slice %arg3[%multiple_of3A] : memref<327680xi32, #tpu.memory_space<hbm>> -> memref<5120xi32, #tpu.memory_space<hbm>>
        %dma_wait3A_79 = tpu.memref_slice %arg3[%multiple_of3A] : memref<327680xi32, #tpu.memory_space<hbm>> -> memref<5120xi32, #tpu.memory_space<hbm>>
        tpu.wait_dma2 semaphore(%run_scoped3A : memref<!tpu.dma_semaphore, #tpu.memory_space<semaphore_mem>>) src(%dma_wait3A_79 : memref<5120xi32, #tpu.memory_space<hbm>>) dst(%arg8 : memref<5120xi32, #tpu.memory_space<vmem>>)
        tpu.yield
      }) : () -> ()
      "tpu.region"() ({
        %run_scoped3A = tpu.sem_alloc : memref<!tpu.dma_semaphore, #tpu.memory_space<semaphore_mem>>
        %dma_start3A_76 = tpu.memref_slice %arg4[%multiple_of3A] : memref<327680xi32, #tpu.memory_space<hbm>> -> memref<5120xi32, #tpu.memory_space<hbm>>
        %dma_start3A_77 = tpu.memref_slice %arg4[%multiple_of3A] : memref<327680xi32, #tpu.memory_space<hbm>> -> memref<5120xi32, #tpu.memory_space<hbm>>
        tpu.enqueue_dma source(%dma_start3A_77 : memref<5120xi32, #tpu.memory_space<hbm>>) target(%arg9 : memref<5120xi32, #tpu.memory_space<vmem>>) target_semaphore(%run_scoped3A : memref<!tpu.dma_semaphore, #tpu.memory_space<semaphore_mem>>)
        %dma_wait3A_78 = tpu.memref_slice %arg4[%multiple_of3A] : memref<327680xi32, #tpu.memory_space<hbm>> -> memref<5120xi32, #tpu.memory_space<hbm>>
        %dma_wait3A_79 = tpu.memref_slice %arg4[%multiple_of3A] : memref<327680xi32, #tpu.memory_space<hbm>> -> memref<5120xi32, #tpu.memory_space<hbm>>
        tpu.wait_dma2 semaphore(%run_scoped3A : memref<!tpu.dma_semaphore, #tpu.memory_space<semaphore_mem>>) src(%dma_wait3A_79 : memref<5120xi32, #tpu.memory_space<hbm>>) dst(%arg9 : memref<5120xi32, #tpu.memory_space<vmem>>)
        tpu.yield
      }) : () -> ()
      %dma_start3A = arith.constant 0 : i32
      %dma_start3A_38 = tpu.memref_slice %arg8[%dma_start3A] : memref<5120xi32, #tpu.memory_space<vmem>> -> memref<128xi32, #tpu.memory_space<vmem>>
      %dma_start3A_39 = arith.constant 0 : i32
      %dma_start3A_40 = arith.constant 0 : i32
      %dma_start3A_41 = tpu.memref_slice %arg6[%dma_start3A_39, %dma_start3A_40] : memref<10240x64xf32, #tpu.memory_space<vmem_shared>> -> memref<10240x64xf32, #tpu.memory_space<vmem_shared>>
      tpu.enqueue_indirect_dma source(%dma_start3A_41 : memref<10240x64xf32, #tpu.memory_space<vmem_shared>>) target(%arg10 : memref<128x64xf32, #tpu.memory_space<vmem>>) offsets(%dma_start3A_38 : memref<128xi32, #tpu.memory_space<vmem>>) semaphore(%arg14 : memref<!tpu.dma_semaphore, #tpu.memory_space<semaphore_mem>>)
      %dma_start3A_42 = arith.constant 128 : i32
      %dma_start3A_43 = tpu.memref_slice %arg8[%dma_start3A_42] : memref<5120xi32, #tpu.memory_space<vmem>> -> memref<128xi32, #tpu.memory_space<vmem>>
      %dma_start3A_44 = arith.constant 0 : i32
      %dma_start3A_45 = arith.constant 0 : i32
      %dma_start3A_46 = tpu.memref_slice %arg6[%dma_start3A_44, %dma_start3A_45] : memref<10240x64xf32, #tpu.memory_space<vmem_shared>> -> memref<10240x64xf32, #tpu.memory_space<vmem_shared>>
      tpu.enqueue_indirect_dma source(%dma_start3A_46 : memref<10240x64xf32, #tpu.memory_space<vmem_shared>>) target(%arg11 : memref<128x64xf32, #tpu.memory_space<vmem>>) offsets(%dma_start3A_43 : memref<128xi32, #tpu.memory_space<vmem>>) semaphore(%arg15 : memref<!tpu.dma_semaphore, #tpu.memory_space<semaphore_mem>>)
      %scan3A_47 = arith.constant 0 : i32
      %scan3A_48 = arith.constant 0 : i32
      %scan3A_49 = arith.constant 10 : i32
      %scan3A_50 = arith.addi %scan3A_48, %scan3A_49 : i32
      %scan3A_51 = arith.constant 1 : i32
      scf.for %scan3A_76 = %scan3A_48 to %scan3A_50 step %scan3A_51  : i32 {
        %mul3A_77 = arith.constant 4 : i32
        %mul3A_78 = arith.muli %scan3A_76, %mul3A_77 : i32
        %add3A_79 = arith.constant 0 : i32
        %add3A_80 = arith.addi %mul3A_78, %add3A_79 : i32
        %dma_wait3A_81 = arith.constant 0 : i32
        %dma_wait3A_82 = arith.constant 0 : i32
        %dma_wait3A_83 = tpu.memref_slice %arg6[%dma_wait3A_81, %dma_wait3A_82] : memref<10240x64xf32, #tpu.memory_space<vmem_shared>> -> memref<128x64xf32, #tpu.memory_space<vmem_shared>>
        %dma_wait3A_84 = arith.constant 0 : i32
        %dma_wait3A_85 = arith.constant 0 : i32
        %dma_wait3A_86 = tpu.memref_slice %arg6[%dma_wait3A_84, %dma_wait3A_85] : memref<10240x64xf32, #tpu.memory_space<vmem_shared>> -> memref<128x64xf32, #tpu.memory_space<vmem_shared>>
        tpu.wait_dma2 semaphore(%arg14 : memref<!tpu.dma_semaphore, #tpu.memory_space<semaphore_mem>>) src(%dma_wait3A_86 : memref<128x64xf32, #tpu.memory_space<vmem_shared>>) dst(%arg10 : memref<128x64xf32, #tpu.memory_space<vmem>>)
        %mul3A_87 = arith.constant 128 : i32
        %mul3A_88 = arith.muli %add3A_80, %mul3A_87 : i32
        %dma_start3A_89 = tpu.memref_slice %arg9[%mul3A_88] : memref<5120xi32, #tpu.memory_space<vmem>> -> memref<128xi32, #tpu.memory_space<vmem>>
        %dma_start3A_90 = arith.constant 0 : i32
        %dma_start3A_91 = arith.constant 0 : i32
        %dma_start3A_92 = tpu.memref_slice %arg7[%dma_start3A_90, %dma_start3A_91] : memref<10240x64xf32, #tpu.memory_space<vmem_shared>> -> memref<10240x64xf32, #tpu.memory_space<vmem_shared>>
        tpu.enqueue_indirect_dma source(%arg10 : memref<128x64xf32, #tpu.memory_space<vmem>>) target(%dma_start3A_92 : memref<10240x64xf32, #tpu.memory_space<vmem_shared>>) offsets(%dma_start3A_89 : memref<128xi32, #tpu.memory_space<vmem>>) semaphore(%arg18 : memref<!tpu.dma_semaphore, #tpu.memory_space<semaphore_mem>>) {add = true}
        %ge3A = arith.constant 1 : i32
        %ge3A_93 = arith.cmpi sge, %scan3A_76, %ge3A : i32
        %convert_element_type3A = arith.extui %ge3A_93 : i1 to i32
        %cond3A = arith.constant 0 : i32
        %cond3A_94 = arith.cmpi ne, %convert_element_type3A, %cond3A : i32
        scf.if %cond3A_94 {
          %dma_wait3A_173 = arith.constant 0 : i32
          %dma_wait3A_174 = arith.constant 0 : i32
          %dma_wait3A_175 = tpu.memref_slice %arg7[%dma_wait3A_173, %dma_wait3A_174] : memref<10240x64xf32, #tpu.memory_space<vmem_shared>> -> memref<128x64xf32, #tpu.memory_space<vmem_shared>>
          %dma_wait3A_176 = arith.constant 0 : i32
          %dma_wait3A_177 = arith.constant 0 : i32
          %dma_wait3A_178 = tpu.memref_slice %arg7[%dma_wait3A_176, %dma_wait3A_177] : memref<10240x64xf32, #tpu.memory_space<vmem_shared>> -> memref<128x64xf32, #tpu.memory_space<vmem_shared>>
          tpu.wait_dma2 semaphore(%arg20 : memref<!tpu.dma_semaphore, #tpu.memory_space<semaphore_mem>>) src(%arg12 : memref<128x64xf32, #tpu.memory_space<vmem>>) dst(%dma_wait3A_178 : memref<128x64xf32, #tpu.memory_space<vmem_shared>>)
        } else {
        }
        %add3A_95 = arith.constant 2 : i32
        %add3A_96 = arith.addi %add3A_80, %add3A_95 : i32
        %mul3A_97 = arith.constant 128 : i32
        %mul3A_98 = arith.muli %add3A_96, %mul3A_97 : i32
        %dma_start3A_99 = tpu.memref_slice %arg8[%mul3A_98] : memref<5120xi32, #tpu.memory_space<vmem>> -> memref<128xi32, #tpu.memory_space<vmem>>
        %dma_start3A_100 = arith.constant 0 : i32
        %dma_start3A_101 = arith.constant 0 : i32
        %dma_start3A_102 = tpu.memref_slice %arg6[%dma_start3A_100, %dma_start3A_101] : memref<10240x64xf32, #tpu.memory_space<vmem_shared>> -> memref<10240x64xf32, #tpu.memory_space<vmem_shared>>
        tpu.enqueue_indirect_dma source(%dma_start3A_102 : memref<10240x64xf32, #tpu.memory_space<vmem_shared>>) target(%arg12 : memref<128x64xf32, #tpu.memory_space<vmem>>) offsets(%dma_start3A_99 : memref<128xi32, #tpu.memory_space<vmem>>) semaphore(%arg16 : memref<!tpu.dma_semaphore, #tpu.memory_space<semaphore_mem>>)
        %mul3A_103 = arith.constant 4 : i32
        %mul3A_104 = arith.muli %scan3A_76, %mul3A_103 : i32
        %add3A_105 = arith.constant 1 : i32
        %add3A_106 = arith.addi %mul3A_104, %add3A_105 : i32
        %dma_wait3A_107 = arith.constant 0 : i32
        %dma_wait3A_108 = arith.constant 0 : i32
        %dma_wait3A_109 = tpu.memref_slice %arg6[%dma_wait3A_107, %dma_wait3A_108] : memref<10240x64xf32, #tpu.memory_space<vmem_shared>> -> memref<128x64xf32, #tpu.memory_space<vmem_shared>>
        %dma_wait3A_110 = arith.constant 0 : i32
        %dma_wait3A_111 = arith.constant 0 : i32
        %dma_wait3A_112 = tpu.memref_slice %arg6[%dma_wait3A_110, %dma_wait3A_111] : memref<10240x64xf32, #tpu.memory_space<vmem_shared>> -> memref<128x64xf32, #tpu.memory_space<vmem_shared>>
        tpu.wait_dma2 semaphore(%arg15 : memref<!tpu.dma_semaphore, #tpu.memory_space<semaphore_mem>>) src(%dma_wait3A_112 : memref<128x64xf32, #tpu.memory_space<vmem_shared>>) dst(%arg11 : memref<128x64xf32, #tpu.memory_space<vmem>>)
        %mul3A_113 = arith.constant 128 : i32
        %mul3A_114 = arith.muli %add3A_106, %mul3A_113 : i32
        %dma_start3A_115 = tpu.memref_slice %arg9[%mul3A_114] : memref<5120xi32, #tpu.memory_space<vmem>> -> memref<128xi32, #tpu.memory_space<vmem>>
        %dma_start3A_116 = arith.constant 0 : i32
        %dma_start3A_117 = arith.constant 0 : i32
        %dma_start3A_118 = tpu.memref_slice %arg7[%dma_start3A_116, %dma_start3A_117] : memref<10240x64xf32, #tpu.memory_space<vmem_shared>> -> memref<10240x64xf32, #tpu.memory_space<vmem_shared>>
        tpu.enqueue_indirect_dma source(%arg11 : memref<128x64xf32, #tpu.memory_space<vmem>>) target(%dma_start3A_118 : memref<10240x64xf32, #tpu.memory_space<vmem_shared>>) offsets(%dma_start3A_115 : memref<128xi32, #tpu.memory_space<vmem>>) semaphore(%arg19 : memref<!tpu.dma_semaphore, #tpu.memory_space<semaphore_mem>>) {add = true}
        %ge3A_119 = arith.constant 1 : i32
        %ge3A_120 = arith.cmpi sge, %scan3A_76, %ge3A_119 : i32
        %convert_element_type3A_121 = arith.extui %ge3A_120 : i1 to i32
        %cond3A_122 = arith.constant 0 : i32
        %cond3A_123 = arith.cmpi ne, %convert_element_type3A_121, %cond3A_122 : i32
        scf.if %cond3A_123 {
          %dma_wait3A_173 = arith.constant 0 : i32
          %dma_wait3A_174 = arith.constant 0 : i32
          %dma_wait3A_175 = tpu.memref_slice %arg7[%dma_wait3A_173, %dma_wait3A_174] : memref<10240x64xf32, #tpu.memory_space<vmem_shared>> -> memref<128x64xf32, #tpu.memory_space<vmem_shared>>
          %dma_wait3A_176 = arith.constant 0 : i32
          %dma_wait3A_177 = arith.constant 0 : i32
          %dma_wait3A_178 = tpu.memref_slice %arg7[%dma_wait3A_176, %dma_wait3A_177] : memref<10240x64xf32, #tpu.memory_space<vmem_shared>> -> memref<128x64xf32, #tpu.memory_space<vmem_shared>>
          tpu.wait_dma2 semaphore(%arg21 : memref<!tpu.dma_semaphore, #tpu.memory_space<semaphore_mem>>) src(%arg13 : memref<128x64xf32, #tpu.memory_space<vmem>>) dst(%dma_wait3A_178 : memref<128x64xf32, #tpu.memory_space<vmem_shared>>)
        } else {
        }
        %add3A_124 = arith.constant 2 : i32
        %add3A_125 = arith.addi %add3A_106, %add3A_124 : i32
        %mul3A_126 = arith.constant 128 : i32
        %mul3A_127 = arith.muli %add3A_125, %mul3A_126 : i32
        %dma_start3A_128 = tpu.memref_slice %arg8[%mul3A_127] : memref<5120xi32, #tpu.memory_space<vmem>> -> memref<128xi32, #tpu.memory_space<vmem>>
        %dma_start3A_129 = arith.constant 0 : i32
        %dma_start3A_130 = arith.constant 0 : i32
        %dma_start3A_131 = tpu.memref_slice %arg6[%dma_start3A_129, %dma_start3A_130] : memref<10240x64xf32, #tpu.memory_space<vmem_shared>> -> memref<10240x64xf32, #tpu.memory_space<vmem_shared>>
        tpu.enqueue_indirect_dma source(%dma_start3A_131 : memref<10240x64xf32, #tpu.memory_space<vmem_shared>>) target(%arg13 : memref<128x64xf32, #tpu.memory_space<vmem>>) offsets(%dma_start3A_128 : memref<128xi32, #tpu.memory_space<vmem>>) semaphore(%arg17 : memref<!tpu.dma_semaphore, #tpu.memory_space<semaphore_mem>>)
        %mul3A_132 = arith.constant 4 : i32
        %mul3A_133 = arith.muli %scan3A_76, %mul3A_132 : i32
        %add3A_134 = arith.constant 2 : i32
        %add3A_135 = arith.addi %mul3A_133, %add3A_134 : i32
        %dma_wait3A_136 = arith.constant 0 : i32
        %dma_wait3A_137 = arith.constant 0 : i32
        %dma_wait3A_138 = tpu.memref_slice %arg6[%dma_wait3A_136, %dma_wait3A_137] : memref<10240x64xf32, #tpu.memory_space<vmem_shared>> -> memref<128x64xf32, #tpu.memory_space<vmem_shared>>
        %dma_wait3A_139 = arith.constant 0 : i32
        %dma_wait3A_140 = arith.constant 0 : i32
        %dma_wait3A_141 = tpu.memref_slice %arg6[%dma_wait3A_139, %dma_wait3A_140] : memref<10240x64xf32, #tpu.memory_space<vmem_shared>> -> memref<128x64xf32, #tpu.memory_space<vmem_shared>>
        tpu.wait_dma2 semaphore(%arg16 : memref<!tpu.dma_semaphore, #tpu.memory_space<semaphore_mem>>) src(%dma_wait3A_141 : memref<128x64xf32, #tpu.memory_space<vmem_shared>>) dst(%arg12 : memref<128x64xf32, #tpu.memory_space<vmem>>)
        %mul3A_142 = arith.constant 128 : i32
        %mul3A_143 = arith.muli %add3A_135, %mul3A_142 : i32
        %dma_start3A_144 = tpu.memref_slice %arg9[%mul3A_143] : memref<5120xi32, #tpu.memory_space<vmem>> -> memref<128xi32, #tpu.memory_space<vmem>>
        %dma_start3A_145 = arith.constant 0 : i32
        %dma_start3A_146 = arith.constant 0 : i32
        %dma_start3A_147 = tpu.memref_slice %arg7[%dma_start3A_145, %dma_start3A_146] : memref<10240x64xf32, #tpu.memory_space<vmem_shared>> -> memref<10240x64xf32, #tpu.memory_space<vmem_shared>>
        tpu.enqueue_indirect_dma source(%arg12 : memref<128x64xf32, #tpu.memory_space<vmem>>) target(%dma_start3A_147 : memref<10240x64xf32, #tpu.memory_space<vmem_shared>>) offsets(%dma_start3A_144 : memref<128xi32, #tpu.memory_space<vmem>>) semaphore(%arg20 : memref<!tpu.dma_semaphore, #tpu.memory_space<semaphore_mem>>) {add = true}
        %lt3A = arith.constant 9 : i32
        %lt3A_148 = arith.cmpi slt, %scan3A_76, %lt3A : i32
        %convert_element_type3A_149 = arith.extui %lt3A_148 : i1 to i32
        %cond3A_150 = arith.constant 0 : i32
        %cond3A_151 = arith.cmpi ne, %convert_element_type3A_149, %cond3A_150 : i32
        scf.if %cond3A_151 {
          %dma_wait3A_173 = arith.constant 0 : i32
          %dma_wait3A_174 = arith.constant 0 : i32
          %dma_wait3A_175 = tpu.memref_slice %arg7[%dma_wait3A_173, %dma_wait3A_174] : memref<10240x64xf32, #tpu.memory_space<vmem_shared>> -> memref<128x64xf32, #tpu.memory_space<vmem_shared>>
          %dma_wait3A_176 = arith.constant 0 : i32
          %dma_wait3A_177 = arith.constant 0 : i32
          %dma_wait3A_178 = tpu.memref_slice %arg7[%dma_wait3A_176, %dma_wait3A_177] : memref<10240x64xf32, #tpu.memory_space<vmem_shared>> -> memref<128x64xf32, #tpu.memory_space<vmem_shared>>
          tpu.wait_dma2 semaphore(%arg18 : memref<!tpu.dma_semaphore, #tpu.memory_space<semaphore_mem>>) src(%arg10 : memref<128x64xf32, #tpu.memory_space<vmem>>) dst(%dma_wait3A_178 : memref<128x64xf32, #tpu.memory_space<vmem_shared>>)
          %add3A_179 = arith.constant 2 : i32
          %add3A_180 = arith.addi %add3A_135, %add3A_179 : i32
          %mul3A_181 = arith.constant 128 : i32
          %mul3A_182 = arith.muli %add3A_180, %mul3A_181 : i32
          %dma_start3A_183 = tpu.memref_slice %arg8[%mul3A_182] : memref<5120xi32, #tpu.memory_space<vmem>> -> memref<128xi32, #tpu.memory_space<vmem>>
          %dma_start3A_184 = arith.constant 0 : i32
          %dma_start3A_185 = arith.constant 0 : i32
          %dma_start3A_186 = tpu.memref_slice %arg6[%dma_start3A_184, %dma_start3A_185] : memref<10240x64xf32, #tpu.memory_space<vmem_shared>> -> memref<10240x64xf32, #tpu.memory_space<vmem_shared>>
          tpu.enqueue_indirect_dma source(%dma_start3A_186 : memref<10240x64xf32, #tpu.memory_space<vmem_shared>>) target(%arg10 : memref<128x64xf32, #tpu.memory_space<vmem>>) offsets(%dma_start3A_183 : memref<128xi32, #tpu.memory_space<vmem>>) semaphore(%arg14 : memref<!tpu.dma_semaphore, #tpu.memory_space<semaphore_mem>>)
        } else {
        }
        %mul3A_152 = arith.constant 4 : i32
        %mul3A_153 = arith.muli %scan3A_76, %mul3A_152 : i32
        %add3A_154 = arith.constant 3 : i32
        %add3A_155 = arith.addi %mul3A_153, %add3A_154 : i32
        %dma_wait3A_156 = arith.constant 0 : i32
        %dma_wait3A_157 = arith.constant 0 : i32
        %dma_wait3A_158 = tpu.memref_slice %arg6[%dma_wait3A_156, %dma_wait3A_157] : memref<10240x64xf32, #tpu.memory_space<vmem_shared>> -> memref<128x64xf32, #tpu.memory_space<vmem_shared>>
        %dma_wait3A_159 = arith.constant 0 : i32
        %dma_wait3A_160 = arith.constant 0 : i32
        %dma_wait3A_161 = tpu.memref_slice %arg6[%dma_wait3A_159, %dma_wait3A_160] : memref<10240x64xf32, #tpu.memory_space<vmem_shared>> -> memref<128x64xf32, #tpu.memory_space<vmem_shared>>
        tpu.wait_dma2 semaphore(%arg17 : memref<!tpu.dma_semaphore, #tpu.memory_space<semaphore_mem>>) src(%dma_wait3A_161 : memref<128x64xf32, #tpu.memory_space<vmem_shared>>) dst(%arg13 : memref<128x64xf32, #tpu.memory_space<vmem>>)
        %mul3A_162 = arith.constant 128 : i32
        %mul3A_163 = arith.muli %add3A_155, %mul3A_162 : i32
        %dma_start3A_164 = tpu.memref_slice %arg9[%mul3A_163] : memref<5120xi32, #tpu.memory_space<vmem>> -> memref<128xi32, #tpu.memory_space<vmem>>
        %dma_start3A_165 = arith.constant 0 : i32
        %dma_start3A_166 = arith.constant 0 : i32
        %dma_start3A_167 = tpu.memref_slice %arg7[%dma_start3A_165, %dma_start3A_166] : memref<10240x64xf32, #tpu.memory_space<vmem_shared>> -> memref<10240x64xf32, #tpu.memory_space<vmem_shared>>
        tpu.enqueue_indirect_dma source(%arg13 : memref<128x64xf32, #tpu.memory_space<vmem>>) target(%dma_start3A_167 : memref<10240x64xf32, #tpu.memory_space<vmem_shared>>) offsets(%dma_start3A_164 : memref<128xi32, #tpu.memory_space<vmem>>) semaphore(%arg21 : memref<!tpu.dma_semaphore, #tpu.memory_space<semaphore_mem>>) {add = true}
        %lt3A_168 = arith.constant 9 : i32
        %lt3A_169 = arith.cmpi slt, %scan3A_76, %lt3A_168 : i32
        %convert_element_type3A_170 = arith.extui %lt3A_169 : i1 to i32
        %cond3A_171 = arith.constant 0 : i32
        %cond3A_172 = arith.cmpi ne, %convert_element_type3A_170, %cond3A_171 : i32
        scf.if %cond3A_172 {
          %dma_wait3A_173 = arith.constant 0 : i32
          %dma_wait3A_174 = arith.constant 0 : i32
          %dma_wait3A_175 = tpu.memref_slice %arg7[%dma_wait3A_173, %dma_wait3A_174] : memref<10240x64xf32, #tpu.memory_space<vmem_shared>> -> memref<128x64xf32, #tpu.memory_space<vmem_shared>>
          %dma_wait3A_176 = arith.constant 0 : i32
          %dma_wait3A_177 = arith.constant 0 : i32
          %dma_wait3A_178 = tpu.memref_slice %arg7[%dma_wait3A_176, %dma_wait3A_177] : memref<10240x64xf32, #tpu.memory_space<vmem_shared>> -> memref<128x64xf32, #tpu.memory_space<vmem_shared>>
          tpu.wait_dma2 semaphore(%arg19 : memref<!tpu.dma_semaphore, #tpu.memory_space<semaphore_mem>>) src(%arg11 : memref<128x64xf32, #tpu.memory_space<vmem>>) dst(%dma_wait3A_178 : memref<128x64xf32, #tpu.memory_space<vmem_shared>>)
          %add3A_179 = arith.constant 2 : i32
          %add3A_180 = arith.addi %add3A_155, %add3A_179 : i32
          %mul3A_181 = arith.constant 128 : i32
          %mul3A_182 = arith.muli %add3A_180, %mul3A_181 : i32
          %dma_start3A_183 = tpu.memref_slice %arg8[%mul3A_182] : memref<5120xi32, #tpu.memory_space<vmem>> -> memref<128xi32, #tpu.memory_space<vmem>>
          %dma_start3A_184 = arith.constant 0 : i32
          %dma_start3A_185 = arith.constant 0 : i32
          %dma_start3A_186 = tpu.memref_slice %arg6[%dma_start3A_184, %dma_start3A_185] : memref<10240x64xf32, #tpu.memory_space<vmem_shared>> -> memref<10240x64xf32, #tpu.memory_space<vmem_shared>>
          tpu.enqueue_indirect_dma source(%dma_start3A_186 : memref<10240x64xf32, #tpu.memory_space<vmem_shared>>) target(%arg11 : memref<128x64xf32, #tpu.memory_space<vmem>>) offsets(%dma_start3A_183 : memref<128xi32, #tpu.memory_space<vmem>>) semaphore(%arg15 : memref<!tpu.dma_semaphore, #tpu.memory_space<semaphore_mem>>)
        } else {
        }
      }
      %scan3A_52 = arith.constant 10 : i32
      %dma_wait3A = arith.constant 0 : i32
      %dma_wait3A_53 = arith.constant 0 : i32
      %dma_wait3A_54 = tpu.memref_slice %arg7[%dma_wait3A, %dma_wait3A_53] : memref<10240x64xf32, #tpu.memory_space<vmem_shared>> -> memref<128x64xf32, #tpu.memory_space<vmem_shared>>
      %dma_wait3A_55 = arith.constant 0 : i32
      %dma_wait3A_56 = arith.constant 0 : i32
      %dma_wait3A_57 = tpu.memref_slice %arg7[%dma_wait3A_55, %dma_wait3A_56] : memref<10240x64xf32, #tpu.memory_space<vmem_shared>> -> memref<128x64xf32, #tpu.memory_space<vmem_shared>>
      tpu.wait_dma2 semaphore(%arg18 : memref<!tpu.dma_semaphore, #tpu.memory_space<semaphore_mem>>) src(%arg10 : memref<128x64xf32, #tpu.memory_space<vmem>>) dst(%dma_wait3A_57 : memref<128x64xf32, #tpu.memory_space<vmem_shared>>)
      %dma_wait3A_58 = arith.constant 0 : i32
      %dma_wait3A_59 = arith.constant 0 : i32
      %dma_wait3A_60 = tpu.memref_slice %arg7[%dma_wait3A_58, %dma_wait3A_59] : memref<10240x64xf32, #tpu.memory_space<vmem_shared>> -> memref<128x64xf32, #tpu.memory_space<vmem_shared>>
      %dma_wait3A_61 = arith.constant 0 : i32
      %dma_wait3A_62 = arith.constant 0 : i32
      %dma_wait3A_63 = tpu.memref_slice %arg7[%dma_wait3A_61, %dma_wait3A_62] : memref<10240x64xf32, #tpu.memory_space<vmem_shared>> -> memref<128x64xf32, #tpu.memory_space<vmem_shared>>
      tpu.wait_dma2 semaphore(%arg19 : memref<!tpu.dma_semaphore, #tpu.memory_space<semaphore_mem>>) src(%arg11 : memref<128x64xf32, #tpu.memory_space<vmem>>) dst(%dma_wait3A_63 : memref<128x64xf32, #tpu.memory_space<vmem_shared>>)
      %dma_wait3A_64 = arith.constant 0 : i32
      %dma_wait3A_65 = arith.constant 0 : i32
      %dma_wait3A_66 = tpu.memref_slice %arg7[%dma_wait3A_64, %dma_wait3A_65] : memref<10240x64xf32, #tpu.memory_space<vmem_shared>> -> memref<128x64xf32, #tpu.memory_space<vmem_shared>>
      %dma_wait3A_67 = arith.constant 0 : i32
      %dma_wait3A_68 = arith.constant 0 : i32
      %dma_wait3A_69 = tpu.memref_slice %arg7[%dma_wait3A_67, %dma_wait3A_68] : memref<10240x64xf32, #tpu.memory_space<vmem_shared>> -> memref<128x64xf32, #tpu.memory_space<vmem_shared>>
      tpu.wait_dma2 semaphore(%arg20 : memref<!tpu.dma_semaphore, #tpu.memory_space<semaphore_mem>>) src(%arg12 : memref<128x64xf32, #tpu.memory_space<vmem>>) dst(%dma_wait3A_69 : memref<128x64xf32, #tpu.memory_space<vmem_shared>>)
      %dma_wait3A_70 = arith.constant 0 : i32
      %dma_wait3A_71 = arith.constant 0 : i32
      %dma_wait3A_72 = tpu.memref_slice %arg7[%dma_wait3A_70, %dma_wait3A_71] : memref<10240x64xf32, #tpu.memory_space<vmem_shared>> -> memref<128x64xf32, #tpu.memory_space<vmem_shared>>
      %dma_wait3A_73 = arith.constant 0 : i32
      %dma_wait3A_74 = arith.constant 0 : i32
      %dma_wait3A_75 = tpu.memref_slice %arg7[%dma_wait3A_73, %dma_wait3A_74] : memref<10240x64xf32, #tpu.memory_space<vmem_shared>> -> memref<128x64xf32, #tpu.memory_space<vmem_shared>>
      tpu.wait_dma2 semaphore(%arg21 : memref<!tpu.dma_semaphore, #tpu.memory_space<semaphore_mem>>) src(%arg13 : memref<128x64xf32, #tpu.memory_space<vmem>>) dst(%dma_wait3A_75 : memref<128x64xf32, #tpu.memory_space<vmem_shared>>)
    }
    %scan3A_28 = arith.constant 4 : i32
    %barrier3A_29 = arith.constant 0 : index
    tpu.barrier barrier_id(%barrier3A_29)
    %add3A_30 = arith.addi %mul3A_20, %mul3A_0 : i32
    "tpu.region"() ({
      %run_scoped3A = tpu.sem_alloc : memref<!tpu.dma_semaphore, #tpu.memory_space<semaphore_mem>>
      %dma_start3A = arith.constant 0 : i32
      %dma_start3A_32 = tpu.memref_slice %arg5[%add3A_30, %dma_start3A] : memref<40960x64xf32, #tpu.memory_space<hbm>> -> memref<640x64xf32, #tpu.memory_space<hbm>>
      %dma_start3A_33 = arith.constant 0 : i32
      %dma_start3A_34 = tpu.memref_slice %arg7[%mul3A_0, %dma_start3A_33] : memref<10240x64xf32, #tpu.memory_space<vmem_shared>> -> memref<640x64xf32, #tpu.memory_space<vmem_shared>>
      tpu.enqueue_dma source(%dma_start3A_34 : memref<640x64xf32, #tpu.memory_space<vmem_shared>>) target(%dma_start3A_32 : memref<640x64xf32, #tpu.memory_space<hbm>>) target_semaphore(%run_scoped3A : memref<!tpu.dma_semaphore, #tpu.memory_space<semaphore_mem>>)
      %dma_wait3A = arith.constant 0 : i32
      %dma_wait3A_35 = tpu.memref_slice %arg5[%add3A_30, %dma_wait3A] : memref<40960x64xf32, #tpu.memory_space<hbm>> -> memref<640x64xf32, #tpu.memory_space<hbm>>
      %dma_wait3A_36 = arith.constant 0 : i32
      %dma_wait3A_37 = tpu.memref_slice %arg7[%mul3A_0, %dma_wait3A_36] : memref<10240x64xf32, #tpu.memory_space<vmem_shared>> -> memref<640x64xf32, #tpu.memory_space<vmem_shared>>
      tpu.wait_dma2 semaphore(%run_scoped3A : memref<!tpu.dma_semaphore, #tpu.memory_space<semaphore_mem>>) src(%dma_wait3A_37 : memref<640x64xf32, #tpu.memory_space<vmem_shared>>) dst(%dma_wait3A_35 : memref<640x64xf32, #tpu.memory_space<hbm>>)
      tpu.yield
    }) : () -> ()
    %barrier3A_31 = arith.constant 0 : index
    tpu.barrier barrier_id(%barrier3A_31)
    return
  }
}

module attributes {stable_mosaic.version = 14 : i64} {
  func.func @_prep_body(%arg0: i32, %arg1: memref<2x128x16xf32, #tpu.memory_space<vmem>>, %arg2: memref<128x128xf32, #tpu.memory_space<vmem>>, %arg3: memref<128x1xf32, #tpu.memory_space<vmem>>, %arg4: memref<2x128x64xf32, #tpu.memory_space<vmem>>) attributes {dimension_semantics = [#tpu.dimension_semantics<arbitrary>], iteration_bounds = array<i64: 80>, scalar_prefetch = 0 : i64, scratch_operands = 0 : i64, tpu.core_type = #tpu.core_type<tc>, window_params = [{transform_indices = @transform_0, window_bounds = array<i64: 2, 128, 16>}, {transform_indices = @transform_1, window_bounds = array<i64: 128, 128>}, {transform_indices = @transform_2, window_bounds = array<i64: 128, 1>}, {transform_indices = @transform_3, window_bounds = array<i64: 2, 128, 64>}]} {
    %get3A = arith.constant 0 : index
    %get3A_0 = arith.constant 0 : index
    %get3A_1 = arith.constant 0 : index
    %get3A_2 = vector.load %arg1[%get3A, %get3A_0, %get3A_1] : memref<2x128x16xf32, #tpu.memory_space<vmem>>, vector<1x128x1xf32>
    %get3A_3 = vector.shape_cast %get3A_2 : vector<1x128x1xf32> to vector<128x1xf32>
    %get3A_4 = arith.constant 1 : index
    %get3A_5 = arith.constant 0 : index
    %get3A_6 = arith.constant 0 : index
    %get3A_7 = vector.load %arg1[%get3A_4, %get3A_5, %get3A_6] : memref<2x128x16xf32, #tpu.memory_space<vmem>>, vector<1x128x1xf32>
    %get3A_8 = vector.shape_cast %get3A_7 : vector<1x128x1xf32> to vector<128x1xf32>
    %add3A = arith.addf %get3A_3, %get3A_8 : vector<128x1xf32>
    %add3A_9 = arith.constant 1.000000e+00 : f32
    %add3A_10 = vector.broadcast %add3A_9 : f32 to vector<128x1xf32>
    %add3A_11 = arith.addf %add3A, %add3A_10 : vector<128x1xf32>
    %rsqrt3A = math.rsqrt %add3A_11 : vector<128x1xf32>
    %swap3A = arith.constant 0 : index
    %swap3A_12 = arith.constant 0 : index
    %swap3A_13 = vector.load %arg3[%swap3A, %swap3A_12] : memref<128x1xf32, #tpu.memory_space<vmem>>, vector<128x1xf32>
    tpu.vector_store %arg3[%swap3A, %swap3A_12], %rsqrt3A {strides = array<i32>} : memref<128x1xf32, #tpu.memory_space<vmem>>, vector<128x1xf32>,
    %get3A_14 = arith.constant 0 : index
    %get3A_15 = arith.constant 0 : index
    %get3A_16 = vector.load %arg2[%get3A_14, %get3A_15] : memref<128x128xf32, #tpu.memory_space<vmem>>, vector<128x128xf32>
    %mul3A = vector.broadcast %rsqrt3A : vector<128x1xf32> to vector<128x128xf32>
    %mul3A_17 = arith.mulf %get3A_16, %mul3A : vector<128x128xf32>
    %slice3A = vector.extract_strided_slice %mul3A_17 {offsets = [0, 0], sizes = [128, 64], strides = [1, 1]} : vector<128x128xf32> to vector<128x64xf32>
    %swap3A_18 = arith.constant 0 : index
    %swap3A_19 = arith.constant 0 : index
    %swap3A_20 = arith.constant 0 : index
    %swap3A_21 = vector.load %arg4[%swap3A_18, %swap3A_19, %swap3A_20] : memref<2x128x64xf32, #tpu.memory_space<vmem>>, vector<1x128x64xf32>
    %swap3A_22 = vector.shape_cast %swap3A_21 : vector<1x128x64xf32> to vector<128x64xf32>
    %swap3A_23 = vector.shape_cast %slice3A : vector<128x64xf32> to vector<1x128x64xf32>
    tpu.vector_store %arg4[%swap3A_18, %swap3A_19, %swap3A_20], %swap3A_23 {strides = array<i32>} : memref<2x128x64xf32, #tpu.memory_space<vmem>>, vector<1x128x64xf32>,
    %slice3A_24 = vector.extract_strided_slice %mul3A_17 {offsets = [0, 64], sizes = [128, 64], strides = [1, 1]} : vector<128x128xf32> to vector<128x64xf32>
    %swap3A_25 = arith.constant 1 : index
    %swap3A_26 = arith.constant 0 : index
    %swap3A_27 = arith.constant 0 : index
    %swap3A_28 = vector.load %arg4[%swap3A_25, %swap3A_26, %swap3A_27] : memref<2x128x64xf32, #tpu.memory_space<vmem>>, vector<1x128x64xf32>
    %swap3A_29 = vector.shape_cast %swap3A_28 : vector<1x128x64xf32> to vector<128x64xf32>
    %swap3A_30 = vector.shape_cast %slice3A_24 : vector<128x64xf32> to vector<1x128x64xf32>
    tpu.vector_store %arg4[%swap3A_25, %swap3A_26, %swap3A_27], %swap3A_30 {strides = array<i32>} : memref<2x128x64xf32, #tpu.memory_space<vmem>>, vector<1x128x64xf32>,
    return
  }
  func.func @transform_0(%arg0: i32) -> (i32, i32, i32) {
    %c0_i32 = arith.constant 0 : i32
    %c0_i32_0 = arith.constant 0 : i32
    %c0_i32_1 = arith.constant 0 : i32
    return %c0_i32, %arg0, %c0_i32_0 : i32, i32, i32
  }
  func.func @transform_1(%arg0: i32) -> (i32, i32) {
    %c0_i32 = arith.constant 0 : i32
    %c0_i32_0 = arith.constant 0 : i32
    return %arg0, %c0_i32 : i32, i32
  }
  func.func @transform_2(%arg0: i32) -> (i32, i32) {
    %c0_i32 = arith.constant 0 : i32
    %c0_i32_0 = arith.constant 0 : i32
    return %arg0, %c0_i32 : i32, i32
  }
  func.func @transform_3(%arg0: i32) -> (i32, i32, i32) {
    %c0_i32 = arith.constant 0 : i32
    %c0_i32_0 = arith.constant 0 : i32
    %c0_i32_1 = arith.constant 0 : i32
    return %c0_i32, %arg0, %c0_i32_0 : i32, i32, i32
  }
}

module attributes {stable_mosaic.version = 14 : i64} {
  func.func @body(%arg0: i32, %arg1: memref<2x128x64xf32, #tpu.memory_space<vmem>>, %arg2: memref<128x1xf32, #tpu.memory_space<vmem>>, %arg3: memref<128x128xf32, #tpu.memory_space<vmem>>, %arg4: memref<1x128xf32, #tpu.memory_space<vmem>>, %arg5: memref<2x128x64xf32, #tpu.memory_space<vmem>>) attributes {dimension_semantics = [#tpu.dimension_semantics<arbitrary>], iteration_bounds = array<i64: 80>, scalar_prefetch = 0 : i64, scratch_operands = 0 : i64, tpu.core_type = #tpu.core_type<tc>, window_params = [{transform_indices = @transform_0, window_bounds = array<i64: 2, 128, 64>}, {transform_indices = @transform_1, window_bounds = array<i64: 128, 1>}, {pipeline_mode = #tpu.pipeline_mode<synchronous>, transform_indices = @transform_2, window_bounds = array<i64: 128, 128>}, {pipeline_mode = #tpu.pipeline_mode<synchronous>, transform_indices = @transform_3, window_bounds = array<i64: 1, 128>}, {transform_indices = @transform_4, window_bounds = array<i64: 2, 128, 64>}]} {
    %get3A = arith.constant 0 : index
    %get3A_0 = arith.constant 0 : index
    %get3A_1 = arith.constant 0 : index
    %get3A_2 = vector.load %arg1[%get3A, %get3A_0, %get3A_1] : memref<2x128x64xf32, #tpu.memory_space<vmem>>, vector<1x128x64xf32>
    %get3A_3 = vector.shape_cast %get3A_2 : vector<1x128x64xf32> to vector<128x64xf32>
    %get3A_4 = arith.constant 0 : index
    %get3A_5 = arith.constant 0 : index
    %get3A_6 = vector.load %arg3[%get3A_4, %get3A_5] : memref<128x128xf32, #tpu.memory_space<vmem>>, vector<64x128xf32>
    %dot_general3A = arith.constant dense<0.000000e+00> : vector<128x128xf32>
    %dot_general3A_7 = tpu.matmul %get3A_3, %get3A_6, %dot_general3A {dimension_numbers = #tpu.dot_dimension_numbers<[1], [0], [0], [1], [0, 0, 1, 1], [], []>, transpose_lhs_hint = false} : vector<128x64xf32>, vector<64x128xf32>, vector<128x128xf32> -> vector<128x128xf32>
    %get3A_8 = arith.constant 1 : index
    %get3A_9 = arith.constant 0 : index
    %get3A_10 = arith.constant 0 : index
    %get3A_11 = vector.load %arg1[%get3A_8, %get3A_9, %get3A_10] : memref<2x128x64xf32, #tpu.memory_space<vmem>>, vector<1x128x64xf32>
    %get3A_12 = vector.shape_cast %get3A_11 : vector<1x128x64xf32> to vector<128x64xf32>
    %get3A_13 = arith.constant 64 : index
    %get3A_14 = arith.constant 0 : index
    %get3A_15 = vector.load %arg3[%get3A_13, %get3A_14] : memref<128x128xf32, #tpu.memory_space<vmem>>, vector<64x128xf32>
    %dot_general3A_16 = arith.constant dense<0.000000e+00> : vector<128x128xf32>
    %dot_general3A_17 = tpu.matmul %get3A_12, %get3A_15, %dot_general3A_16 {dimension_numbers = #tpu.dot_dimension_numbers<[1], [0], [0], [1], [0, 0, 1, 1], [], []>, transpose_lhs_hint = false} : vector<128x64xf32>, vector<64x128xf32>, vector<128x128xf32> -> vector<128x128xf32>
    %add3A = arith.addf %dot_general3A_7, %dot_general3A_17 : vector<128x128xf32>
    %get3A_18 = arith.constant 0 : index
    %get3A_19 = arith.constant 0 : index
    %get3A_20 = vector.load %arg2[%get3A_18, %get3A_19] : memref<128x1xf32, #tpu.memory_space<vmem>>, vector<128x1xf32>
    %mul3A = vector.broadcast %get3A_20 : vector<128x1xf32> to vector<128x128xf32>
    %mul3A_21 = arith.mulf %mul3A, %add3A : vector<128x128xf32>
    %get3A_22 = arith.constant 0 : index
    %get3A_23 = arith.constant 0 : index
    %get3A_24 = vector.load %arg4[%get3A_22, %get3A_23] : memref<1x128xf32, #tpu.memory_space<vmem>>, vector<1x128xf32>
    %add3A_25 = vector.broadcast %get3A_24 : vector<1x128xf32> to vector<128x128xf32>
    %add3A_26 = arith.addf %mul3A_21, %add3A_25 : vector<128x128xf32>
    %max3A = arith.constant 0.000000e+00 : f32
    %max3A_27 = vector.broadcast %max3A : f32 to vector<128x128xf32>
    %max3A_28 = arith.maximumf %add3A_26, %max3A_27 : vector<128x128xf32>
    %get3A_29 = arith.constant 0 : index
    %get3A_30 = arith.constant 0 : index
    %get3A_31 = vector.load %arg2[%get3A_29, %get3A_30] : memref<128x1xf32, #tpu.memory_space<vmem>>, vector<128x1xf32>
    %mul3A_32 = vector.broadcast %get3A_31 : vector<128x1xf32> to vector<128x128xf32>
    %mul3A_33 = arith.mulf %max3A_28, %mul3A_32 : vector<128x128xf32>
    %iota3A = tpu.iota {dimensions = array<i32: 0>} : vector<128x1xi32>
    %mul3A_34 = arith.constant 128 : i32
    %mul3A_35 = arith.muli %arg0, %mul3A_34 : i32
    %add3A_36 = vector.broadcast %mul3A_35 : i32 to vector<128x1xi32>
    %add3A_37 = arith.addi %iota3A, %add3A_36 : vector<128x1xi32>
    %lt3A = arith.constant 10000 : i32
    %lt3A_38 = vector.broadcast %lt3A : i32 to vector<128x1xi32>
    %lt3A_39 = arith.cmpi slt, %add3A_37, %lt3A_38 : vector<128x1xi32>
    %jit3A = arith.constant 0.000000e+00 : f32
    %broadcast_in_dim3A = vector.shape_cast %lt3A_39 : vector<128x1xi1> to vector<128x1xi1>
    %broadcast_in_dim3A_40 = vector.broadcast %broadcast_in_dim3A : vector<128x1xi1> to vector<128x128xi1>
    %broadcast_in_dim3A_41 = vector.broadcast %jit3A : f32 to vector<128x128xf32>
    %select_n3A = arith.select %broadcast_in_dim3A_40, %mul3A_33, %broadcast_in_dim3A_41 : vector<128x128xi1>, vector<128x128xf32>
    %slice3A = vector.extract_strided_slice %select_n3A {offsets = [0, 0], sizes = [128, 64], strides = [1, 1]} : vector<128x128xf32> to vector<128x64xf32>
    %swap3A = arith.constant 0 : index
    %swap3A_42 = arith.constant 0 : index
    %swap3A_43 = arith.constant 0 : index
    %swap3A_44 = vector.load %arg5[%swap3A, %swap3A_42, %swap3A_43] : memref<2x128x64xf32, #tpu.memory_space<vmem>>, vector<1x128x64xf32>
    %swap3A_45 = vector.shape_cast %swap3A_44 : vector<1x128x64xf32> to vector<128x64xf32>
    %swap3A_46 = vector.shape_cast %slice3A : vector<128x64xf32> to vector<1x128x64xf32>
    tpu.vector_store %arg5[%swap3A, %swap3A_42, %swap3A_43], %swap3A_46 {strides = array<i32>} : memref<2x128x64xf32, #tpu.memory_space<vmem>>, vector<1x128x64xf32>,
    %slice3A_47 = vector.extract_strided_slice %select_n3A {offsets = [0, 64], sizes = [128, 64], strides = [1, 1]} : vector<128x128xf32> to vector<128x64xf32>
    %swap3A_48 = arith.constant 1 : index
    %swap3A_49 = arith.constant 0 : index
    %swap3A_50 = arith.constant 0 : index
    %swap3A_51 = vector.load %arg5[%swap3A_48, %swap3A_49, %swap3A_50] : memref<2x128x64xf32, #tpu.memory_space<vmem>>, vector<1x128x64xf32>
    %swap3A_52 = vector.shape_cast %swap3A_51 : vector<1x128x64xf32> to vector<128x64xf32>
    %swap3A_53 = vector.shape_cast %slice3A_47 : vector<128x64xf32> to vector<1x128x64xf32>
    tpu.vector_store %arg5[%swap3A_48, %swap3A_49, %swap3A_50], %swap3A_53 {strides = array<i32>} : memref<2x128x64xf32, #tpu.memory_space<vmem>>, vector<1x128x64xf32>,
    return
  }
  func.func @transform_0(%arg0: i32) -> (i32, i32, i32) {
    %c0_i32 = arith.constant 0 : i32
    %c0_i32_0 = arith.constant 0 : i32
    %c0_i32_1 = arith.constant 0 : i32
    return %c0_i32, %arg0, %c0_i32_0 : i32, i32, i32
  }
  func.func @transform_1(%arg0: i32) -> (i32, i32) {
    %c0_i32 = arith.constant 0 : i32
    %c0_i32_0 = arith.constant 0 : i32
    return %arg0, %c0_i32 : i32, i32
  }
  func.func @transform_2(%arg0: i32) -> (i32, i32) {
    %c0_i32 = arith.constant 0 : i32
    %c0_i32_0 = arith.constant 0 : i32
    %c0_i32_1 = arith.constant 0 : i32
    return %c0_i32, %c0_i32_0 : i32, i32
  }
  func.func @transform_3(%arg0: i32) -> (i32, i32) {
    %c0_i32 = arith.constant 0 : i32
    %c0_i32_0 = arith.constant 0 : i32
    %c0_i32_1 = arith.constant 0 : i32
    return %c0_i32, %c0_i32_0 : i32, i32
  }
  func.func @transform_4(%arg0: i32) -> (i32, i32, i32) {
    %c0_i32 = arith.constant 0 : i32
    %c0_i32_0 = arith.constant 0 : i32
    %c0_i32_1 = arith.constant 0 : i32
    return %c0_i32, %arg0, %c0_i32_0 : i32, i32, i32
  }
}

module attributes {stable_mosaic.version = 14 : i64} {
  func.func @body(%arg0: i32, %arg1: memref<2x128x64xf32, #tpu.memory_space<vmem>>, %arg2: memref<128x1xf32, #tpu.memory_space<vmem>>, %arg3: memref<128x256xf32, #tpu.memory_space<vmem>>, %arg4: memref<1x256xf32, #tpu.memory_space<vmem>>, %arg5: memref<4x128x64xf32, #tpu.memory_space<vmem>>) attributes {dimension_semantics = [#tpu.dimension_semantics<arbitrary>], iteration_bounds = array<i64: 80>, scalar_prefetch = 0 : i64, scratch_operands = 0 : i64, tpu.core_type = #tpu.core_type<tc>, window_params = [{transform_indices = @transform_0, window_bounds = array<i64: 2, 128, 64>}, {transform_indices = @transform_1, window_bounds = array<i64: 128, 1>}, {pipeline_mode = #tpu.pipeline_mode<synchronous>, transform_indices = @transform_2, window_bounds = array<i64: 128, 256>}, {pipeline_mode = #tpu.pipeline_mode<synchronous>, transform_indices = @transform_3, window_bounds = array<i64: 1, 256>}, {transform_indices = @transform_4, window_bounds = array<i64: 4, 128, 64>}]} {
    %get3A = arith.constant 0 : index
    %get3A_0 = arith.constant 0 : index
    %get3A_1 = arith.constant 0 : index
    %get3A_2 = vector.load %arg1[%get3A, %get3A_0, %get3A_1] : memref<2x128x64xf32, #tpu.memory_space<vmem>>, vector<1x128x64xf32>
    %get3A_3 = vector.shape_cast %get3A_2 : vector<1x128x64xf32> to vector<128x64xf32>
    %get3A_4 = arith.constant 0 : index
    %get3A_5 = arith.constant 0 : index
    %get3A_6 = vector.load %arg3[%get3A_4, %get3A_5] : memref<128x256xf32, #tpu.memory_space<vmem>>, vector<64x256xf32>
    %dot_general3A = arith.constant dense<0.000000e+00> : vector<128x256xf32>
    %dot_general3A_7 = tpu.matmul %get3A_3, %get3A_6, %dot_general3A {dimension_numbers = #tpu.dot_dimension_numbers<[1], [0], [0], [1], [0, 0, 1, 1], [], []>, transpose_lhs_hint = false} : vector<128x64xf32>, vector<64x256xf32>, vector<128x256xf32> -> vector<128x256xf32>
    %get3A_8 = arith.constant 1 : index
    %get3A_9 = arith.constant 0 : index
    %get3A_10 = arith.constant 0 : index
    %get3A_11 = vector.load %arg1[%get3A_8, %get3A_9, %get3A_10] : memref<2x128x64xf32, #tpu.memory_space<vmem>>, vector<1x128x64xf32>
    %get3A_12 = vector.shape_cast %get3A_11 : vector<1x128x64xf32> to vector<128x64xf32>
    %get3A_13 = arith.constant 64 : index
    %get3A_14 = arith.constant 0 : index
    %get3A_15 = vector.load %arg3[%get3A_13, %get3A_14] : memref<128x256xf32, #tpu.memory_space<vmem>>, vector<64x256xf32>
    %dot_general3A_16 = arith.constant dense<0.000000e+00> : vector<128x256xf32>
    %dot_general3A_17 = tpu.matmul %get3A_12, %get3A_15, %dot_general3A_16 {dimension_numbers = #tpu.dot_dimension_numbers<[1], [0], [0], [1], [0, 0, 1, 1], [], []>, transpose_lhs_hint = false} : vector<128x64xf32>, vector<64x256xf32>, vector<128x256xf32> -> vector<128x256xf32>
    %add3A = arith.addf %dot_general3A_7, %dot_general3A_17 : vector<128x256xf32>
    %get3A_18 = arith.constant 0 : index
    %get3A_19 = arith.constant 0 : index
    %get3A_20 = vector.load %arg2[%get3A_18, %get3A_19] : memref<128x1xf32, #tpu.memory_space<vmem>>, vector<128x1xf32>
    %mul3A = vector.broadcast %get3A_20 : vector<128x1xf32> to vector<128x256xf32>
    %mul3A_21 = arith.mulf %mul3A, %add3A : vector<128x256xf32>
    %get3A_22 = arith.constant 0 : index
    %get3A_23 = arith.constant 0 : index
    %get3A_24 = vector.load %arg4[%get3A_22, %get3A_23] : memref<1x256xf32, #tpu.memory_space<vmem>>, vector<1x256xf32>
    %add3A_25 = vector.broadcast %get3A_24 : vector<1x256xf32> to vector<128x256xf32>
    %add3A_26 = arith.addf %mul3A_21, %add3A_25 : vector<128x256xf32>
    %max3A = arith.constant 0.000000e+00 : f32
    %max3A_27 = vector.broadcast %max3A : f32 to vector<128x256xf32>
    %max3A_28 = arith.maximumf %add3A_26, %max3A_27 : vector<128x256xf32>
    %get3A_29 = arith.constant 0 : index
    %get3A_30 = arith.constant 0 : index
    %get3A_31 = vector.load %arg2[%get3A_29, %get3A_30] : memref<128x1xf32, #tpu.memory_space<vmem>>, vector<128x1xf32>
    %mul3A_32 = vector.broadcast %get3A_31 : vector<128x1xf32> to vector<128x256xf32>
    %mul3A_33 = arith.mulf %max3A_28, %mul3A_32 : vector<128x256xf32>
    %iota3A = tpu.iota {dimensions = array<i32: 0>} : vector<128x1xi32>
    %mul3A_34 = arith.constant 128 : i32
    %mul3A_35 = arith.muli %arg0, %mul3A_34 : i32
    %add3A_36 = vector.broadcast %mul3A_35 : i32 to vector<128x1xi32>
    %add3A_37 = arith.addi %iota3A, %add3A_36 : vector<128x1xi32>
    %lt3A = arith.constant 10000 : i32
    %lt3A_38 = vector.broadcast %lt3A : i32 to vector<128x1xi32>
    %lt3A_39 = arith.cmpi slt, %add3A_37, %lt3A_38 : vector<128x1xi32>
    %jit3A = arith.constant 0.000000e+00 : f32
    %broadcast_in_dim3A = vector.shape_cast %lt3A_39 : vector<128x1xi1> to vector<128x1xi1>
    %broadcast_in_dim3A_40 = vector.broadcast %broadcast_in_dim3A : vector<128x1xi1> to vector<128x256xi1>
    %broadcast_in_dim3A_41 = vector.broadcast %jit3A : f32 to vector<128x256xf32>
    %select_n3A = arith.select %broadcast_in_dim3A_40, %mul3A_33, %broadcast_in_dim3A_41 : vector<128x256xi1>, vector<128x256xf32>
    %slice3A = vector.extract_strided_slice %select_n3A {offsets = [0, 0], sizes = [128, 64], strides = [1, 1]} : vector<128x256xf32> to vector<128x64xf32>
    %swap3A = arith.constant 0 : index
    %swap3A_42 = arith.constant 0 : index
    %swap3A_43 = arith.constant 0 : index
    %swap3A_44 = vector.load %arg5[%swap3A, %swap3A_42, %swap3A_43] : memref<4x128x64xf32, #tpu.memory_space<vmem>>, vector<1x128x64xf32>
    %swap3A_45 = vector.shape_cast %swap3A_44 : vector<1x128x64xf32> to vector<128x64xf32>
    %swap3A_46 = vector.shape_cast %slice3A : vector<128x64xf32> to vector<1x128x64xf32>
    tpu.vector_store %arg5[%swap3A, %swap3A_42, %swap3A_43], %swap3A_46 {strides = array<i32>} : memref<4x128x64xf32, #tpu.memory_space<vmem>>, vector<1x128x64xf32>,
    %slice3A_47 = vector.extract_strided_slice %select_n3A {offsets = [0, 64], sizes = [128, 64], strides = [1, 1]} : vector<128x256xf32> to vector<128x64xf32>
    %swap3A_48 = arith.constant 1 : index
    %swap3A_49 = arith.constant 0 : index
    %swap3A_50 = arith.constant 0 : index
    %swap3A_51 = vector.load %arg5[%swap3A_48, %swap3A_49, %swap3A_50] : memref<4x128x64xf32, #tpu.memory_space<vmem>>, vector<1x128x64xf32>
    %swap3A_52 = vector.shape_cast %swap3A_51 : vector<1x128x64xf32> to vector<128x64xf32>
    %swap3A_53 = vector.shape_cast %slice3A_47 : vector<128x64xf32> to vector<1x128x64xf32>
    tpu.vector_store %arg5[%swap3A_48, %swap3A_49, %swap3A_50], %swap3A_53 {strides = array<i32>} : memref<4x128x64xf32, #tpu.memory_space<vmem>>, vector<1x128x64xf32>,
    %slice3A_54 = vector.extract_strided_slice %select_n3A {offsets = [0, 128], sizes = [128, 64], strides = [1, 1]} : vector<128x256xf32> to vector<128x64xf32>
    %swap3A_55 = arith.constant 2 : index
    %swap3A_56 = arith.constant 0 : index
    %swap3A_57 = arith.constant 0 : index
    %swap3A_58 = vector.load %arg5[%swap3A_55, %swap3A_56, %swap3A_57] : memref<4x128x64xf32, #tpu.memory_space<vmem>>, vector<1x128x64xf32>
    %swap3A_59 = vector.shape_cast %swap3A_58 : vector<1x128x64xf32> to vector<128x64xf32>
    %swap3A_60 = vector.shape_cast %slice3A_54 : vector<128x64xf32> to vector<1x128x64xf32>
    tpu.vector_store %arg5[%swap3A_55, %swap3A_56, %swap3A_57], %swap3A_60 {strides = array<i32>} : memref<4x128x64xf32, #tpu.memory_space<vmem>>, vector<1x128x64xf32>,
    %slice3A_61 = vector.extract_strided_slice %select_n3A {offsets = [0, 192], sizes = [128, 64], strides = [1, 1]} : vector<128x256xf32> to vector<128x64xf32>
    %swap3A_62 = arith.constant 3 : index
    %swap3A_63 = arith.constant 0 : index
    %swap3A_64 = arith.constant 0 : index
    %swap3A_65 = vector.load %arg5[%swap3A_62, %swap3A_63, %swap3A_64] : memref<4x128x64xf32, #tpu.memory_space<vmem>>, vector<1x128x64xf32>
    %swap3A_66 = vector.shape_cast %swap3A_65 : vector<1x128x64xf32> to vector<128x64xf32>
    %swap3A_67 = vector.shape_cast %slice3A_61 : vector<128x64xf32> to vector<1x128x64xf32>
    tpu.vector_store %arg5[%swap3A_62, %swap3A_63, %swap3A_64], %swap3A_67 {strides = array<i32>} : memref<4x128x64xf32, #tpu.memory_space<vmem>>, vector<1x128x64xf32>,
    return
  }
  func.func @transform_0(%arg0: i32) -> (i32, i32, i32) {
    %c0_i32 = arith.constant 0 : i32
    %c0_i32_0 = arith.constant 0 : i32
    %c0_i32_1 = arith.constant 0 : i32
    return %c0_i32, %arg0, %c0_i32_0 : i32, i32, i32
  }
  func.func @transform_1(%arg0: i32) -> (i32, i32) {
    %c0_i32 = arith.constant 0 : i32
    %c0_i32_0 = arith.constant 0 : i32
    return %arg0, %c0_i32 : i32, i32
  }
  func.func @transform_2(%arg0: i32) -> (i32, i32) {
    %c0_i32 = arith.constant 0 : i32
    %c0_i32_0 = arith.constant 0 : i32
    %c0_i32_1 = arith.constant 0 : i32
    return %c0_i32, %c0_i32_0 : i32, i32
  }
  func.func @transform_3(%arg0: i32) -> (i32, i32) {
    %c0_i32 = arith.constant 0 : i32
    %c0_i32_0 = arith.constant 0 : i32
    %c0_i32_1 = arith.constant 0 : i32
    return %c0_i32, %c0_i32_0 : i32, i32
  }
  func.func @transform_4(%arg0: i32) -> (i32, i32, i32) {
    %c0_i32 = arith.constant 0 : i32
    %c0_i32_0 = arith.constant 0 : i32
    %c0_i32_1 = arith.constant 0 : i32
    return %c0_i32, %arg0, %c0_i32_0 : i32, i32, i32
  }
}

module attributes {stable_mosaic.version = 14 : i64} {
  func.func @_pool_body(%arg0: i32, %arg1: memref<4x128x64xf32, #tpu.memory_space<vmem>>, %arg2: memref<128x1xf32, #tpu.memory_space<vmem>>, %arg3: memref<128x1xi32, #tpu.memory_space<vmem>>, %arg4: memref<256x512xf32, #tpu.memory_space<vmem>>, %arg5: memref<1x512xf32, #tpu.memory_space<vmem>>, %arg6: memref<512x128xf32, #tpu.memory_space<vmem>>, %arg7: memref<1x128xf32, #tpu.memory_space<vmem>>, %arg8: memref<64x128xf32, #tpu.memory_space<vmem>>, %arg9: memref<64x512xf32, #tpu.memory_space<vmem>>) attributes {dimension_semantics = [#tpu.dimension_semantics<arbitrary>], iteration_bounds = array<i64: 80>, scalar_prefetch = 0 : i64, scratch_operands = 1 : i64, tpu.core_type = #tpu.core_type<tc>, window_params = [{transform_indices = @transform_0, window_bounds = array<i64: 4, 128, 64>}, {transform_indices = @transform_1, window_bounds = array<i64: 128, 1>}, {transform_indices = @transform_2, window_bounds = array<i64: 128, 1>}, {pipeline_mode = #tpu.pipeline_mode<synchronous>, transform_indices = @transform_3, window_bounds = array<i64: 256, 512>}, {pipeline_mode = #tpu.pipeline_mode<synchronous>, transform_indices = @transform_4, window_bounds = array<i64: 1, 512>}, {pipeline_mode = #tpu.pipeline_mode<synchronous>, transform_indices = @transform_5, window_bounds = array<i64: 512, 128>}, {pipeline_mode = #tpu.pipeline_mode<synchronous>, transform_indices = @transform_6, window_bounds = array<i64: 1, 128>}, {pipeline_mode = #tpu.pipeline_mode<synchronous>, transform_indices = @transform_7, window_bounds = array<i64: 64, 128>}]} {
    %eq3A = arith.constant 0 : i32
    %eq3A_0 = arith.cmpi eq, %arg0, %eq3A : i32
    %convert_element_type3A = arith.extui %eq3A_0 : i1 to i32
    %cond3A = arith.constant 0 : i32
    %cond3A_1 = arith.cmpi ne, %convert_element_type3A, %cond3A : i32
    scf.if %cond3A_1 {
      %broadcast_in_dim3A_91 = arith.constant 0xFF800000 : f32
      %broadcast_in_dim3A_92 = vector.broadcast %broadcast_in_dim3A_91 : f32 to vector<64x512xf32>
      %swap3A = arith.constant 0 : index
      %swap3A_93 = arith.constant 0 : index
      %swap3A_94 = vector.load %arg9[%swap3A, %swap3A_93] : memref<64x512xf32, #tpu.memory_space<vmem>>, vector<64x512xf32>
      tpu.vector_store %arg9[%swap3A, %swap3A_93], %broadcast_in_dim3A_92 {strides = array<i32>} : memref<64x512xf32, #tpu.memory_space<vmem>>, vector<64x512xf32>,
    } else {
    }
    %get3A = arith.constant 0 : index
    %get3A_2 = arith.constant 0 : index
    %get3A_3 = arith.constant 0 : index
    %get3A_4 = vector.load %arg1[%get3A, %get3A_2, %get3A_3] : memref<4x128x64xf32, #tpu.memory_space<vmem>>, vector<1x128x64xf32>
    %get3A_5 = vector.shape_cast %get3A_4 : vector<1x128x64xf32> to vector<128x64xf32>
    %get3A_6 = arith.constant 0 : index
    %get3A_7 = arith.constant 0 : index
    %get3A_8 = vector.load %arg4[%get3A_6, %get3A_7] : memref<256x512xf32, #tpu.memory_space<vmem>>, vector<64x512xf32>
    %dot_general3A = arith.constant dense<0.000000e+00> : vector<128x512xf32>
    %dot_general3A_9 = tpu.matmul %get3A_5, %get3A_8, %dot_general3A {dimension_numbers = #tpu.dot_dimension_numbers<[1], [0], [0], [1], [0, 0, 1, 1], [], []>, transpose_lhs_hint = false} : vector<128x64xf32>, vector<64x512xf32>, vector<128x512xf32> -> vector<128x512xf32>
    %get3A_10 = arith.constant 1 : index
    %get3A_11 = arith.constant 0 : index
    %get3A_12 = arith.constant 0 : index
    %get3A_13 = vector.load %arg1[%get3A_10, %get3A_11, %get3A_12] : memref<4x128x64xf32, #tpu.memory_space<vmem>>, vector<1x128x64xf32>
    %get3A_14 = vector.shape_cast %get3A_13 : vector<1x128x64xf32> to vector<128x64xf32>
    %get3A_15 = arith.constant 64 : index
    %get3A_16 = arith.constant 0 : index
    %get3A_17 = vector.load %arg4[%get3A_15, %get3A_16] : memref<256x512xf32, #tpu.memory_space<vmem>>, vector<64x512xf32>
    %dot_general3A_18 = arith.constant dense<0.000000e+00> : vector<128x512xf32>
    %dot_general3A_19 = tpu.matmul %get3A_14, %get3A_17, %dot_general3A_18 {dimension_numbers = #tpu.dot_dimension_numbers<[1], [0], [0], [1], [0, 0, 1, 1], [], []>, transpose_lhs_hint = false} : vector<128x64xf32>, vector<64x512xf32>, vector<128x512xf32> -> vector<128x512xf32>
    %add3A = arith.addf %dot_general3A_9, %dot_general3A_19 : vector<128x512xf32>
    %get3A_20 = arith.constant 2 : index
    %get3A_21 = arith.constant 0 : index
    %get3A_22 = arith.constant 0 : index
    %get3A_23 = vector.load %arg1[%get3A_20, %get3A_21, %get3A_22] : memref<4x128x64xf32, #tpu.memory_space<vmem>>, vector<1x128x64xf32>
    %get3A_24 = vector.shape_cast %get3A_23 : vector<1x128x64xf32> to vector<128x64xf32>
    %get3A_25 = arith.constant 128 : index
    %get3A_26 = arith.constant 0 : index
    %get3A_27 = vector.load %arg4[%get3A_25, %get3A_26] : memref<256x512xf32, #tpu.memory_space<vmem>>, vector<64x512xf32>
    %dot_general3A_28 = arith.constant dense<0.000000e+00> : vector<128x512xf32>
    %dot_general3A_29 = tpu.matmul %get3A_24, %get3A_27, %dot_general3A_28 {dimension_numbers = #tpu.dot_dimension_numbers<[1], [0], [0], [1], [0, 0, 1, 1], [], []>, transpose_lhs_hint = false} : vector<128x64xf32>, vector<64x512xf32>, vector<128x512xf32> -> vector<128x512xf32>
    %add3A_30 = arith.addf %add3A, %dot_general3A_29 : vector<128x512xf32>
    %get3A_31 = arith.constant 3 : index
    %get3A_32 = arith.constant 0 : index
    %get3A_33 = arith.constant 0 : index
    %get3A_34 = vector.load %arg1[%get3A_31, %get3A_32, %get3A_33] : memref<4x128x64xf32, #tpu.memory_space<vmem>>, vector<1x128x64xf32>
    %get3A_35 = vector.shape_cast %get3A_34 : vector<1x128x64xf32> to vector<128x64xf32>
    %get3A_36 = arith.constant 192 : index
    %get3A_37 = arith.constant 0 : index
    %get3A_38 = vector.load %arg4[%get3A_36, %get3A_37] : memref<256x512xf32, #tpu.memory_space<vmem>>, vector<64x512xf32>
    %dot_general3A_39 = arith.constant dense<0.000000e+00> : vector<128x512xf32>
    %dot_general3A_40 = tpu.matmul %get3A_35, %get3A_38, %dot_general3A_39 {dimension_numbers = #tpu.dot_dimension_numbers<[1], [0], [0], [1], [0, 0, 1, 1], [], []>, transpose_lhs_hint = false} : vector<128x64xf32>, vector<64x512xf32>, vector<128x512xf32> -> vector<128x512xf32>
    %add3A_41 = arith.addf %add3A_30, %dot_general3A_40 : vector<128x512xf32>
    %get3A_42 = arith.constant 0 : index
    %get3A_43 = arith.constant 0 : index
    %get3A_44 = vector.load %arg2[%get3A_42, %get3A_43] : memref<128x1xf32, #tpu.memory_space<vmem>>, vector<128x1xf32>
    %mul3A = vector.broadcast %get3A_44 : vector<128x1xf32> to vector<128x512xf32>
    %mul3A_45 = arith.mulf %mul3A, %add3A_41 : vector<128x512xf32>
    %get3A_46 = arith.constant 0 : index
    %get3A_47 = arith.constant 0 : index
    %get3A_48 = vector.load %arg5[%get3A_46, %get3A_47] : memref<1x512xf32, #tpu.memory_space<vmem>>, vector<1x512xf32>
    %add3A_49 = vector.broadcast %get3A_48 : vector<1x512xf32> to vector<128x512xf32>
    %add3A_50 = arith.addf %mul3A_45, %add3A_49 : vector<128x512xf32>
    %max3A = arith.constant 0.000000e+00 : f32
    %max3A_51 = vector.broadcast %max3A : f32 to vector<128x512xf32>
    %max3A_52 = arith.maximumf %add3A_50, %max3A_51 : vector<128x512xf32>
    %iota3A = tpu.iota {dimensions = array<i32: 0>} : vector<128x1xi32>
    %mul3A_53 = arith.constant 128 : i32
    %mul3A_54 = arith.muli %arg0, %mul3A_53 : i32
    %add3A_55 = vector.broadcast %mul3A_54 : i32 to vector<128x1xi32>
    %add3A_56 = arith.addi %iota3A, %add3A_55 : vector<128x1xi32>
    %lt3A = arith.constant 10000 : i32
    %lt3A_57 = vector.broadcast %lt3A : i32 to vector<128x1xi32>
    %lt3A_58 = arith.cmpi slt, %add3A_56, %lt3A_57 : vector<128x1xi32>
    %jit3A = arith.constant 0xFF800000 : f32
    %broadcast_in_dim3A = vector.shape_cast %lt3A_58 : vector<128x1xi1> to vector<128x1xi1>
    %broadcast_in_dim3A_59 = vector.broadcast %broadcast_in_dim3A : vector<128x1xi1> to vector<128x512xi1>
    %broadcast_in_dim3A_60 = vector.broadcast %jit3A : f32 to vector<128x512xf32>
    %select_n3A = arith.select %broadcast_in_dim3A_59, %max3A_52, %broadcast_in_dim3A_60 : vector<128x512xi1>, vector<128x512xf32>
    %get3A_61 = arith.constant 0 : index
    %get3A_62 = arith.constant 0 : index
    %get3A_63 = vector.load %arg3[%get3A_61, %get3A_62] : memref<128x1xi32, #tpu.memory_space<vmem>>, vector<1x1xi32>
    %get3A_64 = vector.extract %get3A_63[0, 0] : i32 from vector<1x1xi32>
    %jit3A_65 = arith.constant 0 : i32
    %jit3A_66 = arith.constant 63 : i32
    %max3A_67 = arith.maxsi %jit3A_65, %get3A_64 : i32
    %min3A = arith.minsi %jit3A_66, %max3A_67 : i32
    %get3A_68 = arith.constant 127 : index
    %get3A_69 = arith.constant 0 : index
    %get3A_70 = vector.load %arg3[%get3A_68, %get3A_69] : memref<128x1xi32, #tpu.memory_space<vmem>>, vector<1x1xi32>
    %get3A_71 = vector.extract %get3A_70[0, 0] : i32 from vector<1x1xi32>
    %jit3A_72 = arith.constant 63 : i32
    %max3A_73 = arith.maxsi %min3A, %get3A_71 : i32
    %min3A_74 = arith.minsi %jit3A_72, %max3A_73 : i32
    %iota3A_75 = tpu.iota {dimensions = array<i32: 0>} : vector<64x1xi32>
    %add3A_76 = arith.constant 1 : i32
    %add3A_77 = arith.addi %min3A_74, %add3A_76 : i32
    %while3A = arith.constant 0 : i32
    %while3A_78 = arith.subi %add3A_77, %min3A : i32
    %while3A_79 = arith.addi %min3A, %while3A_78 : i32
    %while3A_80 = arith.constant 1 : i32
    %while3A_81 = arith.divsi %while3A_78, %while3A_80 : i32
    %while3A_82 = arith.muli %while3A_81, %while3A_80 : i32
    %while3A_83 = arith.addi %min3A, %while3A_82 : i32
    %while3A_84 = arith.constant 1 : i32
    scf.for %while3A_91 = %min3A to %while3A_83 step %while3A_84  : i32 {
      %get3A_92 = arith.constant 0 : index
      %get3A_93 = arith.constant 0 : index
      %get3A_94 = vector.load %arg3[%get3A_92, %get3A_93] : memref<128x1xi32, #tpu.memory_space<vmem>>, vector<128x1xi32>
      %eq3A_95 = vector.broadcast %while3A_91 : i32 to vector<128x1xi32>
      %eq3A_96 = arith.cmpi eq, %get3A_94, %eq3A_95 : vector<128x1xi32>
      %jit3A_97 = arith.constant 0xFF800000 : f32
      %broadcast_in_dim3A_98 = vector.shape_cast %eq3A_96 : vector<128x1xi1> to vector<128x1xi1>
      %broadcast_in_dim3A_99 = vector.broadcast %broadcast_in_dim3A_98 : vector<128x1xi1> to vector<128x512xi1>
      %broadcast_in_dim3A_100 = vector.broadcast %jit3A_97 : f32 to vector<128x512xf32>
      %select_n3A_101 = arith.select %broadcast_in_dim3A_99, %select_n3A, %broadcast_in_dim3A_100 : vector<128x512xi1>, vector<128x512xf32>
      %reduce_max3A = arith.constant dense<0xFF800000> : vector<512xf32>
      %reduce_max3A_102 = vector.multi_reduction <maximumf>, %select_n3A_101, %reduce_max3A [0] : vector<128x512xf32> to vector<512xf32>
      %broadcast_in_dim3A_103 = vector.shape_cast %reduce_max3A_102 : vector<512xf32> to vector<1x512xf32>
      %eq3A_104 = vector.broadcast %while3A_91 : i32 to vector<64x1xi32>
      %eq3A_105 = arith.cmpi eq, %iota3A_75, %eq3A_104 : vector<64x1xi32>
      %get3A_106 = arith.constant 0 : index
      %get3A_107 = arith.constant 0 : index
      %get3A_108 = vector.load %arg9[%get3A_106, %get3A_107] : memref<64x512xf32, #tpu.memory_space<vmem>>, vector<64x512xf32>
      %max3A_109 = vector.broadcast %broadcast_in_dim3A_103 : vector<1x512xf32> to vector<64x512xf32>
      %max3A_110 = arith.maximumf %get3A_108, %max3A_109 : vector<64x512xf32>
      %get3A_111 = arith.constant 0 : index
      %get3A_112 = arith.constant 0 : index
      %get3A_113 = vector.load %arg9[%get3A_111, %get3A_112] : memref<64x512xf32, #tpu.memory_space<vmem>>, vector<64x512xf32>
      %broadcast_in_dim3A_114 = vector.shape_cast %eq3A_105 : vector<64x1xi1> to vector<64x1xi1>
      %broadcast_in_dim3A_115 = vector.broadcast %broadcast_in_dim3A_114 : vector<64x1xi1> to vector<64x512xi1>
      %select_n3A_116 = arith.select %broadcast_in_dim3A_115, %max3A_110, %get3A_113 : vector<64x512xi1>, vector<64x512xf32>
      %swap3A = arith.constant 0 : index
      %swap3A_117 = arith.constant 0 : index
      %swap3A_118 = vector.load %arg9[%swap3A, %swap3A_117] : memref<64x512xf32, #tpu.memory_space<vmem>>, vector<64x512xf32>
      tpu.vector_store %arg9[%swap3A, %swap3A_117], %select_n3A_116 {strides = array<i32>} : memref<64x512xf32, #tpu.memory_space<vmem>>, vector<64x512xf32>,
    }
    %while3A_85 = arith.constant 1 : i32
    scf.for %while3A_91 = %while3A_83 to %while3A_79 step %while3A_85  : i32 {
      %get3A_92 = arith.constant 0 : index
      %get3A_93 = arith.constant 0 : index
      %get3A_94 = vector.load %arg3[%get3A_92, %get3A_93] : memref<128x1xi32, #tpu.memory_space<vmem>>, vector<128x1xi32>
      %eq3A_95 = vector.broadcast %while3A_91 : i32 to vector<128x1xi32>
      %eq3A_96 = arith.cmpi eq, %get3A_94, %eq3A_95 : vector<128x1xi32>
      %jit3A_97 = arith.constant 0xFF800000 : f32
      %broadcast_in_dim3A_98 = vector.shape_cast %eq3A_96 : vector<128x1xi1> to vector<128x1xi1>
      %broadcast_in_dim3A_99 = vector.broadcast %broadcast_in_dim3A_98 : vector<128x1xi1> to vector<128x512xi1>
      %broadcast_in_dim3A_100 = vector.broadcast %jit3A_97 : f32 to vector<128x512xf32>
      %select_n3A_101 = arith.select %broadcast_in_dim3A_99, %select_n3A, %broadcast_in_dim3A_100 : vector<128x512xi1>, vector<128x512xf32>
      %reduce_max3A = arith.constant dense<0xFF800000> : vector<512xf32>
      %reduce_max3A_102 = vector.multi_reduction <maximumf>, %select_n3A_101, %reduce_max3A [0] : vector<128x512xf32> to vector<512xf32>
      %broadcast_in_dim3A_103 = vector.shape_cast %reduce_max3A_102 : vector<512xf32> to vector<1x512xf32>
      %eq3A_104 = vector.broadcast %while3A_91 : i32 to vector<64x1xi32>
      %eq3A_105 = arith.cmpi eq, %iota3A_75, %eq3A_104 : vector<64x1xi32>
      %get3A_106 = arith.constant 0 : index
      %get3A_107 = arith.constant 0 : index
      %get3A_108 = vector.load %arg9[%get3A_106, %get3A_107] : memref<64x512xf32, #tpu.memory_space<vmem>>, vector<64x512xf32>
      %max3A_109 = vector.broadcast %broadcast_in_dim3A_103 : vector<1x512xf32> to vector<64x512xf32>
      %max3A_110 = arith.maximumf %get3A_108, %max3A_109 : vector<64x512xf32>
      %get3A_111 = arith.constant 0 : index
      %get3A_112 = arith.constant 0 : index
      %get3A_113 = vector.load %arg9[%get3A_111, %get3A_112] : memref<64x512xf32, #tpu.memory_space<vmem>>, vector<64x512xf32>
      %broadcast_in_dim3A_114 = vector.shape_cast %eq3A_105 : vector<64x1xi1> to vector<64x1xi1>
      %broadcast_in_dim3A_115 = vector.broadcast %broadcast_in_dim3A_114 : vector<64x1xi1> to vector<64x512xi1>
      %select_n3A_116 = arith.select %broadcast_in_dim3A_115, %max3A_110, %get3A_113 : vector<64x512xi1>, vector<64x512xf32>
      %swap3A = arith.constant 0 : index
      %swap3A_117 = arith.constant 0 : index
      %swap3A_118 = vector.load %arg9[%swap3A, %swap3A_117] : memref<64x512xf32, #tpu.memory_space<vmem>>, vector<64x512xf32>
      tpu.vector_store %arg9[%swap3A, %swap3A_117], %select_n3A_116 {strides = array<i32>} : memref<64x512xf32, #tpu.memory_space<vmem>>, vector<64x512xf32>,
    }
    %eq3A_86 = arith.constant 79 : i32
    %eq3A_87 = arith.cmpi eq, %arg0, %eq3A_86 : i32
    %convert_element_type3A_88 = arith.extui %eq3A_87 : i1 to i32
    %cond3A_89 = arith.constant 0 : i32
    %cond3A_90 = arith.cmpi ne, %convert_element_type3A_88, %cond3A_89 : i32
    scf.if %cond3A_90 {
      %get3A_91 = arith.constant 0 : index
      %get3A_92 = arith.constant 0 : index
      %get3A_93 = vector.load %arg9[%get3A_91, %get3A_92] : memref<64x512xf32, #tpu.memory_space<vmem>>, vector<64x512xf32>
      %get3A_94 = arith.constant 0 : index
      %get3A_95 = arith.constant 0 : index
      %get3A_96 = vector.load %arg6[%get3A_94, %get3A_95] : memref<512x128xf32, #tpu.memory_space<vmem>>, vector<512x128xf32>
      %dot_general3A_97 = arith.constant dense<0.000000e+00> : vector<64x128xf32>
      %dot_general3A_98 = tpu.matmul %get3A_93, %get3A_96, %dot_general3A_97 {dimension_numbers = #tpu.dot_dimension_numbers<[1], [0], [0], [1], [0, 0, 1, 1], [], []>, transpose_lhs_hint = false} : vector<64x512xf32>, vector<512x128xf32>, vector<64x128xf32> -> vector<64x128xf32>
      %get3A_99 = arith.constant 0 : index
      %get3A_100 = arith.constant 0 : index
      %get3A_101 = vector.load %arg7[%get3A_99, %get3A_100] : memref<1x128xf32, #tpu.memory_space<vmem>>, vector<1x128xf32>
      %add3A_102 = vector.broadcast %get3A_101 : vector<1x128xf32> to vector<64x128xf32>
      %add3A_103 = arith.addf %dot_general3A_98, %add3A_102 : vector<64x128xf32>
      %swap3A = arith.constant 0 : index
      %swap3A_104 = arith.constant 0 : index
      %swap3A_105 = vector.load %arg8[%swap3A, %swap3A_104] : memref<64x128xf32, #tpu.memory_space<vmem>>, vector<64x128xf32>
      tpu.vector_store %arg8[%swap3A, %swap3A_104], %add3A_103 {strides = array<i32>} : memref<64x128xf32, #tpu.memory_space<vmem>>, vector<64x128xf32>,
    } else {
    }
    return
  }
  func.func @transform_0(%arg0: i32) -> (i32, i32, i32) {
    %c0_i32 = arith.constant 0 : i32
    %c0_i32_0 = arith.constant 0 : i32
    %c0_i32_1 = arith.constant 0 : i32
    return %c0_i32, %arg0, %c0_i32_0 : i32, i32, i32
  }
  func.func @transform_1(%arg0: i32) -> (i32, i32) {
    %c0_i32 = arith.constant 0 : i32
    %c0_i32_0 = arith.constant 0 : i32
    return %arg0, %c0_i32 : i32, i32
  }
  func.func @transform_2(%arg0: i32) -> (i32, i32) {
    %c0_i32 = arith.constant 0 : i32
    %c0_i32_0 = arith.constant 0 : i32
    return %arg0, %c0_i32 : i32, i32
  }
  func.func @transform_3(%arg0: i32) -> (i32, i32) {
    %c0_i32 = arith.constant 0 : i32
    %c0_i32_0 = arith.constant 0 : i32
    %c0_i32_1 = arith.constant 0 : i32
    return %c0_i32, %c0_i32_0 : i32, i32
  }
  func.func @transform_4(%arg0: i32) -> (i32, i32) {
    %c0_i32 = arith.constant 0 : i32
    %c0_i32_0 = arith.constant 0 : i32
    %c0_i32_1 = arith.constant 0 : i32
    return %c0_i32, %c0_i32_0 : i32, i32
  }
  func.func @transform_5(%arg0: i32) -> (i32, i32) {
    %c0_i32 = arith.constant 0 : i32
    %c0_i32_0 = arith.constant 0 : i32
    %c0_i32_1 = arith.constant 0 : i32
    return %c0_i32, %c0_i32_0 : i32, i32
  }
  func.func @transform_6(%arg0: i32) -> (i32, i32) {
    %c0_i32 = arith.constant 0 : i32
    %c0_i32_0 = arith.constant 0 : i32
    %c0_i32_1 = arith.constant 0 : i32
    return %c0_i32, %c0_i32_0 : i32, i32
  }
  func.func @transform_7(%arg0: i32) -> (i32, i32) {
    %c0_i32 = arith.constant 0 : i32
    %c0_i32_0 = arith.constant 0 : i32
    %c0_i32_1 = arith.constant 0 : i32
    return %c0_i32, %c0_i32_0 : i32, i32
  }
}

</mosaic_0001>

<sc_bundles>
// kernel: kernel.10.cloned.1.call-start
scs
__scs_entry_jumppad:
0x0: {  	(pc) =	sbr.rel $0x88, $3  }
0x1: {  	(tag) =	ssettag $0x0;
	lr =	simm.s32 $0x1  }
0x2: {  	[smem:$0x3F96] =	sst lr;
	_ =	strace $0xD0000000  }
0x3: {  	_ = 	snop  }
0x4: {  	_ = 	snop  }
0x5: {  	_ = 	snop  }
0x6: {  	_ = 	snop  }
0x7: {  	_ = 	snop  }
__scs_overlays_trampoline_lowered:
0x8: {  	[smem:$0x3FA5] =	sst s0  }
0x9: {  	[smem:$0x3FA6] =	sst s1  }
0xa: {  	[smem:$0x3FA7] =	sst s2  }
0xb: {  	[smem:$0x3FA8] =	sst s3  }
0xc: {  	[smem:$0x3FA9] =	sst s4  }
0xd: {  	[smem:$0x3FAA] =	sst s5  }
0xe: {  	[smem:$0x3FAB] =	sst s6  }
0xf: {  	[smem:$0x3FAC] =	sst s7  }
0x10: {  	[smem:$0x3FAD] =	sst s8  }
0x11: {  	[smem:$0x3FAE] =	sst s9;
	s0 =	simm.s32 @!p0 $0x0  }
0x12: {  	s1 =	sld [smem:$0x3F94];
	s0 =	simm.s32 @p0 $0x1  }
0x13: {  	[smem:$0x3FAF] =	sst s0;
	s0 =	simm.s32 @!p1 $0x0  }
0x14: {  	s2 =	sld [smem:$0x3F93];
	s0 =	simm.s32 @p1 $0x1  }
0x15: {  	[smem:$0x3FB0] =	sst s0;
	s0 =	simm.s32 @!p2 $0x0  }
0x16: {  	s3 =	sld [smem:$0x3FDB];
	s0 =	simm.s32 @p2 $0x1  }
0x17: {  	s4 =	simm.s32 $0x1BF5;
	[smem:$0x3FB2] =	sst s0  }
0x18: {  	s0 =	sld [smem:$0x3F95];
	_ =	swait.ge [sflag:s4], $0x0  }
0x19: {  	s7 =	sld [smem:$0x3F96]  }
0x1a: {  	s8 =	sadd.s32 $0xFFFFE003, lr  }
0x1b: {  	s9 =	sadd.s32 $0xFFFFFEF7, lr;
	s5 =	simm.s32 $0xFFFFFFFF;
	p2 =	slt.u32 s8, $0xFFFFF086  }
0x1c: {  	p1 =	slt.u32 s9, $0xF7A;
	s5 =	simm.s32 @!p2 $0x0  }
0x1d: {  	s5 =	simm.s32 @p1 $0x1;
	p0 =	seq.s32 s7, s2  }
0x1e: {  	s7 =	smul.u32 @!p0 $0xF7A, s2;
	p2 =	seq.s32 @!p0 s5, $0x0  }
0x1f: {  	s9 =	smul.u32 $0xF7A, s1;
	s8 =	simm.s32 @!p0 $0x1BF5;
	p2 =	por !p2, p0  }
0x20: {  	[sflag:s8] =	ssyncset.s32 @!p0 $0xFFFFF086;
	s6 =	sadd.s32 @!p0 s3, s7;
	s7 =	simm.s32 @!p0 $0x108  }
0x21: {  	s3 =	sadd.s32 s3, s9;
	s6 =	sadd.s32 @!p0 $0x88, s6;
	s7 =	simm.s32 @p2 $0x1082  }
0x22: {  	[simem:s7], [sflag:s8] =	dma.local @!p0 [hbm:s6], $0xF7A  }
0x23: {  	s9 =	sor.u32 $0xD0000000, s2;
	s6 =	simm.s32 $0x108;
	_ =	swait.ge @!p0 [sflag:s8], $0x0  }
0x24: {  	s3 =	sadd.s32 $0x88, s3;
	s6 =	simm.s32 @!p1 $0x1082;
	[sflag:s4] =	ssyncset.s32 $0xFFFFF086  }
0x25: {  	[simem:s6], [sflag:s4] =	dma.local [hbm:s3], $0xF7A  }
0x26: {  	[smem:$0x3F96] =	sst s1;
	(tag) =	ssettag s2;
	_ =	strace s9  }
0x27: {  	s1 =	sld [smem:$0x3FA6]  }
0x28: {  	s2 =	sld [smem:$0x3FA7]  }
0x29: {  	s4 =	sld [smem:$0x3FA9]  }
0x2a: {  	p0 =	seq.s32 s5, $0x0;
	s5 =	sld [smem:$0x3FAA]  }
0x2b: {  	s6 =	sld [smem:$0x3FAB]  }
0x2c: {  	s7 =	sld [smem:$0x3FAC]  }
0x2d: {  	s3 =	simm.s32 $0x108;
	s8 =	sld [smem:$0x3FAD]  }
0x2e: {  	s3 =	simm.s32 @!p0 $0x1082;
	s9 =	sld [smem:$0x3FAE]  }
0x2f: {  	lr =	sadd.s32 s0, s3;
	s0 =	sld [smem:$0x3FA5]  }
0x30: {  	s3 =	sld [smem:$0x3FA8]  }
0x31: {  	[smem:$0x3FB1] =	sst s10  }
0x32: {  	s10 =	sld [smem:$0x3FAF];
	_ =	sdelay $0x3  }
0x33: {  	p0 =	seq.s32 s10, $0x1;
	s10 =	sld [smem:$0x3FB1];
	_ =	sdelay $0x3  }
0x34: {  	[smem:$0x3FB1] =	sst s10  }
0x35: {  	s10 =	sld [smem:$0x3FB0];
	_ =	sdelay $0x3  }
0x36: {  	p1 =	seq.s32 s10, $0x1;
	s10 =	sld [smem:$0x3FB1];
	_ =	sdelay $0x3  }
0x37: {  	[smem:$0x3FB1] =	sst s10  }
0x38: {  	s10 =	sld [smem:$0x3FB2]  }
0x39: {  	_ = 	snop;
	(pc) =	sbr.ind lr, $3  }
0x3a: {  	_ = 	snop  }
0x3b: {  	_ = 	snop  }
0x3c: {  	p2 =	seq.s32 s10, $0x1;
	s10 =	sld [smem:$0x3FB1]  }
0x3d: {  	_ =	shalt  }
0x3e: {  	_ =	shalt  }
0x3f: {  	_ =	shalt  }
0x40: {  	_ =	shalt  }
0x41: {  	_ =	shalt  }
0x42: {  	_ =	shalt  }
0x43: {  	_ =	shalt  }
0x44: {  	_ =	shalt  }
0x45: {  	_ =	shalt  }
0x46: {  	_ =	shalt  }
0x47: {  	_ =	shalt  }
0x48: {  	_ =	shalt  }
0x49: {  	_ =	shalt  }
0x4a: {  	_ =	shalt  }
0x4b: {  	_ =	shalt  }
0x4c: {  	_ =	shalt  }
0x4d: {  	_ =	shalt  }
0x4e: {  	_ =	shalt  }
0x4f: {  	_ =	shalt  }
0x50: {  	_ =	shalt  }
0x51: {  	_ =	shalt  }
0x52: {  	_ =	shalt  }
0x53: {  	_ =	shalt  }
0x54: {  	_ =	shalt  }
0x55: {  	_ =	shalt  }
0x56: {  	_ =	shalt  }
0x57: {  	_ =	shalt  }
0x58: {  	_ =	shalt  }
0x59: {  	_ =	shalt  }
0x5a: {  	_ =	shalt  }
0x5b: {  	_ =	shalt  }
0x5c: {  	_ =	shalt  }
0x5d: {  	_ =	shalt  }
0x5e: {  	_ =	shalt  }
0x5f: {  	_ =	shalt  }
0x60: {  	_ =	shalt  }
0x61: {  	_ =	shalt  }
0x62: {  	_ =	shalt  }
0x63: {  	_ =	shalt  }
0x64: {  	_ =	shalt  }
0x65: {  	_ =	shalt  }
0x66: {  	_ =	shalt  }
0x67: {  	_ =	shalt  }
0x68: {  	_ =	shalt  }
0x69: {  	_ =	shalt  }
0x6a: {  	_ =	shalt  }
0x6b: {  	_ =	shalt  }
0x6c: {  	_ =	shalt  }
0x6d: {  	_ =	shalt  }
0x6e: {  	_ =	shalt  }
0x6f: {  	_ =	shalt  }
0x70: {  	_ =	shalt  }
0x71: {  	_ =	shalt  }
0x72: {  	_ =	shalt  }
0x73: {  	_ =	shalt  }
0x74: {  	_ =	shalt  }
0x75: {  	_ =	shalt  }
0x76: {  	_ =	shalt  }
0x77: {  	_ =	shalt  }
0x78: {  	_ =	shalt  }
0x79: {  	_ =	shalt  }
0x7a: {  	_ =	shalt  }
0x7b: {  	_ =	shalt  }
0x7c: {  	_ =	shalt  }
0x7d: {  	_ =	shalt  }
0x7e: {  	_ =	shalt  }
0x7f: {  	_ =	shalt  }
0x80: {  	_ =	shalt  }
0x81: {  	_ =	shalt  }
0x82: {  	_ =	shalt  }
0x83: {  	_ =	shalt  }
0x84: {  	_ =	shalt  }
0x85: {  	_ =	shalt  }
0x86: {  	_ =	shalt  }
0x87: {  	_ =	shalt  }
.Lfunc_end0:
.L_simem_size_0:
called_computation_lowered:
.L_overlay_start_0:
0x88: {  	s2 =	sld [smem:$0x3FD9]  }
0x89: {  	s3 =	sld [smem:$0x3FFE];
	_ =	sdelay $0x1  }
0x8a: {  	s1 =	srdreg.scid  }
0x8b: {  	s0 =	sand.u32 $0x1, s1  }
0x8c: {  	s17 =	sshll.u32 s0, $0xA;
	s2 =	sadd.s32 s3, s2  }
0x8d: {  	s2 =	sadd.s32 s2, s17  }
0x8e: {  	[smem:$0x3FBD] =	sst s2  }
0x8f: {  	_ = 	snop  }
0x90: {  	s2 =	sld [smem:$0x3FD0];
	(tm) =	ssettm $0x1  }
0x91: {  	s18 =	sld [smem:$0x3FFB];
	_ =	sdelay $0x3  }
0x92: {  	_ =	strace s18  }
0x93: {  	s3 =	sld [smem:$0x3FFC];
	_ =	sdelay $0x3  }
0x94: {  	_ =	strace s3  }
0x95: {  	s3 =	sld [smem:$0x3FFD];
	_ =	sdelay $0x3  }
0x96: {  	_ =	strace s3  }
0x97: {  	_ =	strace $0x8FFFFFFF  }
0x98: {  	s19 =	sld [smem:$0x3FDB];
	_ =	sdelay $0x1  }
0x99: {  	s4 =	simm.s32 $_scs_section_size  }
0x9a: {  	s5 =	simm.s32 $_size__tile_overlayer_lowered;
	s6 =	simm.s32 $_tile_overlayer_lowered  }
0x9b: {  	s22 =	simm.s32 $0x1BFF;
	s21 =	sshll.u32 s6, $0x1;
	s3 =	sadd.s32 s4, s19  }
0x9c: {  	s7 =	simm.s32 $0x0;
	s20 =	sshll.u32 s5, $0x1;
	s5 =	sadd.s32 s21, s3  }
0x9d: {  	[timem:s7], [sflag:s22] =	dma.local [hbm:s5], s20  }
0x9e: {  	_ =	swait.ge [sflag:s22], s20  }
0x9f: {  	s4 =	ssub.s32 $0x0, s20;
	[sflag:s22] =	ssyncset.done $0x0  }
0xa0: {  	[sflag:s22] =	ssyncadd.s32 s4;
	_ =	sdelay $0x1  }
0xa1: {  	s23 =	simm.s32 $0x1B8B  }
0xa2: {  	_ =	swait.ge [sflag:s23], $0x1  }
0xa3: {  	[sflag:s23] =	ssyncset.done $0x0  }
0xa4: {  	s25 =	simm.s32 $0x1B8E;
	s24 =	sld [smem:$0x3FFE];
	[sflag:s23] =	ssyncadd.s32 $0xFFFFFFFF  }
0xa5: {  	s26 =	simm.s32 $execute0_lowered;
	[smem:$0x3FD2] =	sst s25  }
0xa6: {  	s5 =	sshll.u32 s26, $0x1;
	_ =	strace $0x80000046;
	[dreg:$0x1] =	wrdreg $0xFFFFFFFF  }
0xa7: {  	s28 =	simm.s32 $_size_execute0_lowered;
	s3 =	sadd.s32 s3, s5;
	[dreg:$0x0] =	wrdreg $0x0  }
0xa8: {  	s5 =	sshll.u32 s28, $0x1;
	[dreg:$0x2] =	wrdreg s3  }
0xa9: {  	[dreg:$0x3] =	wrdreg s5  }
0xaa: {  	[dreg:$0x4] =	wrdreg $0xC0  }
0xab: {  	_ =	task [dreg:s7], $0x5FFFF  }
0xac: {  	[dreg:$0x1] =	wrdreg $0xFFFFFFFF  }
0xad: {  	[dreg:$0x0] =	wrdreg $0x60  }
0xae: {  	[dreg:$0x2] =	wrdreg s24  }
0xaf: {  	[dreg:$0x3] =	wrdreg s2  }
0xb0: {  	[dreg:$0x4] =	wrdreg $0x0  }
0xb1: {  	[dreg:$0x5] =	wrdreg $0x9  }
0xb2: {  	_ =	task.clear_ibuf [dreg:s7], $0x6FFFF;
	_ =	strace $0x90000046  }
0xb3: {  	s29 =	simm.s32 $0x9;
	_ =	strace $0x80000048  }
0xb4: {  	_ =	swait.ge [sflag:s29], $0x1  }
0xb5: {  	[sflag:s29] =	ssyncadd.s32 $0xFFFFFFFF  }
0xb6: {  	_ =	strace $0x90000048  }
0xb7: {  	_ =	sfence  }
0xb8: {  	s30 =	sld [smem:$0x0];
	_ =	sdelay $0x2  }
0xb9: {  	s31 =	sshll.u32 s1, $0xD;
	s1 =	sshrl.u32 s1, $0x2  }
0xba: {  	s3 =	sand.u32 $0x4000, s31;
	s1 =	sadd.s32 s1, s30  }
0xbb: {  	s0 =	sor.u32 s3, s0;
	s1 =	sshll.u32 s1, $0x11  }
0xbc: {  	s0 =	sor.u32 s1, s0  }
0xbd: {  	s0 =	sadd.s32 $0x8F2B, s0  }
0xbe: {  	[sflag:s0] =	ssyncadd.remote.s32 $0x1  }
0xbf: {  	_ =	sfence.sel $0xFFFF  }
0xc0: {  	[dreg:$0x0] =	wrdreg $0xFFFFFFFF;
	(pc) =	sbr.abs _section_cstart, $3  }
0xc1: {  	[dreg:$0x1] =	wrdreg $0xFFFFFFFF  }
0xc2: {  	_ =	task.clear_ibuf [dreg:s7], $0x2FFFF;
	_ =	strace $0x9FFFFFFF  }
0xc3: {  	(tm) =	ssettm $0x7FFFFFFF  }
tec
execute0_lowered:
.L_overlay_start_1:
0x0: {  	(tag) =	ssettag $0x1  }
0x1: {  	s5 =	rddreg [dreg:$0x0]  }
0x2: {  	s1 =	rddreg [dreg:$0x1]  }
0x3: {  	s3 =	rddreg [dreg:$0x2]  }
0x4: {  	s0 =	rddreg [dreg:$0x3];
	s4 =	simm.s32 $0x0  }
0x5: {  	s2 =	stileid.u32;
	s7 =	srdreg.scid;
	s15 =	simm.s32 $0x3000  }
0x6: {  	s16 =	simm.s32 $0x80;
	s17 =	simm.s32 $0x3180;
	s18 =	simm.s32 $0x10  }
0x7: {  	s19 =	simm.s32 $0x0;
	[smem:$0x7FF] =	sst s4;
	s6 =	smul.u32 $0x2800, s2  }
0x8: {  	s7 =	sand.u32 $0x1, s7;
	s11 =	sadd.s32 $0x2600, s5;
	s28 =	smul.u32 $0x2710, s2  }
0x9: {  	s30 =	sshll.u32 s2, $0x6;
	_ =	strace $0x80000047;
	s9 =	smul.u32 $0x28000, s7  }
0xa: {  	s10 =	sshll.u32 s7, $0x4;
	s12 =	ssub.s32 $0x2, s7;
	s7 =	smul.u32 $0x27100, s7  }
0xb: {  	s8 =	sshrl.u32 s6, $0x3;
	s10 =	sor.u32 s2, s10;
	s13 =	sshrl.u32 s12, $0x1  }
0xc: {  	s14 =	sadd.s32 s6, s3;
	s8 =	sadd.s32 s8, s5;
	s9 =	sadd.s32 s6, s9  }
0xd: {  	s10 =	smul.u32 $0x2710, s10;
	s12 =	ssub.s32 s12, s13;
	s13 =	sadd.s32 s28, s7  }
0xe: {  	s6 =	sor.u32 $0x1C01, s30;
	s9 =	sshrl.u32 s9, $0x3;
	s31 =	sshrl.u32 s13, $0x3  }
0xf: {  	s13 =	simm.s32 $0x2800;
	s9 =	sadd.s32 s9, s5;
	s29 =	sshrl.u32 s10, $0x3  }
0x10: {  	s5 =	sadd.s32 $0xC400, s8;
	s10 =	sadd.s32 s11, s29;
	s8 =	sadd.s32 $0x11400, s9  }
0x11: {  	s9 =	smax.u32 s12, $0x1;
	s12 =	simm.s32 $0x1;
	s7 =	sadd.s32 $0x4E0, s10  }
0x12: {  	s10 =	sadd.s32 s31, s11;
	s11 =	sshrl.u32 s14, $0x3;
	s14 =	simm.s32 $0x3080  }
.LBB2_1:
0x13: {  	[spmem:s11], [sflag:s6] =	dma.local [hbm:s5], $0x500  }
0x14: {  	_ =	swait.ge [sflag:s12], $0x500  }
0x15: {  	[sflag:s12] =	ssyncset.done $0x0  }
0x16: {  	[sflag:s12] =	ssyncadd.s32 $0xFFFFFB00  }
0x17: {  	[tilespmem:s13], [sflag:$0x1] =	stream.linear.gather [hbm4b:s1+s4], $0x800, $0x38;
	[tilespmem:$0x3190] =	vst v63  }
0x18: {  	_ =	swait.ge [sflag:s12], $0x800  }
0x19: {  	[sflag:s12] =	ssyncset.done $0x0  }
0x1a: {  	[sflag:s12] =	ssyncadd.s32 $0xFFFFF800  }
0x1b: {  	[tilespmem:s14], [sflag:$0x1] =	stream.linear.gather [hbm4b:s1+s4], $0x100, $0x38;
	[tilespmem:$0x3190] =	vst v63  }
0x1c: {  	_ =	swait.ge [sflag:s12], $0x100  }
0x1d: {  	[sflag:s12] =	ssyncset.done $0x0  }
0x1e: {  	[sflag:s12] =	ssyncadd.s32 $0xFFFFFF00  }
0x1f: {  	s20 =	sadd.s32 $0x0, s10;
	[bflag:$0x0] =	sbarrier.arrive $0xFFFF  }
0x20: {  	[tilespmem:s15], [sflag:$0x1] =	stream.linear.gather [hbm4b:s20+s4], $0x80, $0x38;
	[tilespmem:$0x3190] =	vst v63  }
0x21: {  	_ =	swait.ge [sflag:s12], $0x80  }
0x22: {  	[sflag:s12] =	ssyncset.done $0x0  }
0x23: {  	[sflag:s12] =	ssyncadd.s32 $0xFFFFFF80  }
0x24: {  	[spmem:s3] =	stream.indirect.scatter.add.f32 [tilespmem:s13], [sflag:$0x1], $0x10, s15, s16, $0xb8;
	[tilespmem:$0x3190] =	vst v63  }
0x25: {  	_ =	swait.ge [sflag:s12], $0x800  }
0x26: {  	s21 =	simm.s32 $0x20;
	s20 =	simm.s32 $0x10;
	[sflag:s12] =	ssyncset.done $0x0  }
.LBB2_2:
0x27: {  	s22 =	sadd.s32 s20, s10  }
0x28: {  	[sflag:s12] =	ssyncadd.s32 $0xFFFFF800;
	s20 =	smov.u32 s21;
	s23 =	sadd.s32 $0x10, s21  }
0x29: {  	[tilespmem:s15], [sflag:$0x1] =	stream.linear.gather [hbm4b:s22+s4], $0x80, $0x38;
	[tilespmem:$0x3190] =	vst v63  }
0x2a: {  	p0 =	sne.s32 s21, $0x4D0;
	_ =	swait.ge [sflag:s12], $0x80  }
.Ltmp0:
0x2b: {  	[sflag:s12] =	ssyncset.done $0x0;
	(pc) =	sbr.rel @p0 .LBB2_2-.Ltmp0, $4  }
0x2c: {  	[sflag:s12] =	ssyncadd.s32 $0xFFFFFF80  }
0x2d: {  	[spmem:s3] =	stream.indirect.scatter.add.f32 [tilespmem:s13], [sflag:$0x1], $0x10, s15, s16, $0xb8;
	[tilespmem:$0x3190] =	vst v63  }
0x2e: {  	_ =	swait.ge [sflag:s12], $0x800  }
0x2f: {  	s21 =	smov.u32 s23;
	[sflag:s12] =	ssyncset.done $0x0  }
0x30: {  	s20 =	sadd.s32 s20, s10;
	[sflag:s12] =	ssyncadd.s32 $0xFFFFF800  }
0x31: {  	[tilespmem:s15], [sflag:$0x1] =	stream.linear.gather [hbm4b:s20+s4], $0x80, $0x38;
	[tilespmem:$0x3190] =	vst v63  }
0x32: {  	_ =	swait.ge [sflag:s12], $0x80  }
0x33: {  	[sflag:s12] =	ssyncset.done $0x0  }
0x34: {  	[sflag:s12] =	ssyncadd.s32 $0xFFFFFF80  }
0x35: {  	[spmem:s3] =	stream.indirect.scatter.add.f32 [tilespmem:s13], [sflag:$0x1], $0x10, s15, s16, $0xb8;
	[tilespmem:$0x3190] =	vst v63  }
0x36: {  	_ =	swait.ge [sflag:s12], $0x800  }
0x37: {  	[sflag:s12] =	ssyncset.done $0x0  }
0x38: {  	[sflag:s12] =	ssyncadd.s32 $0xFFFFF800  }
0x39: {  	[tilespmem:s17], [sflag:$0x1] =	stream.linear.gather [hbm4b:s7+s4], $0x10, $0x38;
	[tilespmem:$0x3190] =	vst v63  }
0x3a: {  	_ =	swait.ge [sflag:s12], $0x10  }
0x3b: {  	[sflag:s12] =	ssyncset.done $0x0  }
0x3c: {  	[sflag:s12] =	ssyncadd.s32 $0xFFFFFFF0  }
0x3d: {  	[spmem:s3] =	stream.indirect.scatter.add.f32 [tilespmem:s14], [sflag:$0x1], $0x10, s17, s18, $0xb8;
	[tilespmem:$0x3190] =	vst v63  }
0x3e: {  	_ =	swait.ge [sflag:s12], $0x100  }
0x3f: {  	s19 =	sadd.s32 $0x1, s19;
	[sflag:s12] =	ssyncset.done $0x0  }
0x40: {  	p0 =	sne.s32 s19, s9;
	[sflag:s12] =	ssyncadd.s32 $0xFFFFFF00  }
.Ltmp1:
0x41: {  	[bflag:$0x0] =	sbarrier.arrive $0xFFFF;
	(pc) =	sbr.rel @p0 .LBB2_1-.Ltmp1, $4  }
0x42: {  	[hbm:s8], [sflag:s6] =	dma.local [spmem:s11], $0x500  }
0x43: {  	_ =	swait.ge [sflag:s12], $0x500  }
0x44: {  	[sflag:s12] =	ssyncset.done $0x0  }
0x45: {  	[sflag:s12] =	ssyncadd.s32 $0xFFFFFB00  }
0x46: {  	_ =	sfence.sel $0x180000  }
0x47: {  	[bflag:$0x0] =	sbarrier.arrive $0xFFFF  }
0x48: {  	p0 =	sne.s32 s2, $0x0;
	_ =	strace $0x90000047  }
0x49: {  	s0 =	sadd.s32 @!p0 $0x100000, s0;
	[bflag:$0x2] =	sbarrier.arrive $0xFFFF  }
0x4a: {  	[sflag:s0] =	ssyncadd.tile.s32 @!p0 $0x1;
	_ =	shalt  }
.Lfunc_end2:
_tile_overlayer_lowered:
.L_overlay_start_2:
0x4b: {  	(tag) =	ssettag $0x2  }
0x4c: {  	s0 =	rddreg [dreg:$0x0];
	s2 =	stileid.u32  }
0x4d: {  	s1 =	rddreg [dreg:$0x1];
	p0 =	sne.s32 s2, $0x0  }
0x4e: {  	s3 =	rddreg [dreg:$0x2];
	[bflag:$0x3] =	sbarrier.arrive $0xFFFF;
	s2 =	simm.s32 @!p0 $0x1C01  }
0x4f: {  	[timem:s3], [sflag:s2] =	dma.local @!p0 [hbm:s0], s1  }
0x50: {  	s0 =	simm.s32 @!p0 $0x1  }
0x51: {  	_ =	swait.ge @!p0 [sflag:s0], s1  }
0x52: {  	s1 =	ssub.s32 @!p0 $0x0, s1;
	[sflag:s0] =	ssyncset.done @!p0 $0x0  }
0x53: {  	[sflag:s0] =	ssyncadd.s32 @!p0 s1  }
0x54: {  	[bflag:$0x3] =	sbarrier.arrive $0xFFFF  }
0x55: {  	_ =	shalt  }

// kernel: kernel.13.cloned.1.call-start
scs
__scs_entry_jumppad:
0x0: {  	(pc) =	sbr.rel $0x88, $3  }
0x1: {  	(tag) =	ssettag $0x0;
	lr =	simm.s32 $0x1  }
0x2: {  	[smem:$0x3F96] =	sst lr;
	_ =	strace $0xD0000000  }
0x3: {  	_ = 	snop  }
0x4: {  	_ = 	snop  }
0x5: {  	_ = 	snop  }
0x6: {  	_ = 	snop  }
0x7: {  	_ = 	snop  }
__scs_overlays_trampoline_lowered:
0x8: {  	[smem:$0x3FA5] =	sst s0  }
0x9: {  	[smem:$0x3FA6] =	sst s1  }
0xa: {  	[smem:$0x3FA7] =	sst s2  }
0xb: {  	[smem:$0x3FA8] =	sst s3  }
0xc: {  	[smem:$0x3FA9] =	sst s4  }
0xd: {  	[smem:$0x3FAA] =	sst s5  }
0xe: {  	[smem:$0x3FAB] =	sst s6  }
0xf: {  	[smem:$0x3FAC] =	sst s7  }
0x10: {  	[smem:$0x3FAD] =	sst s8  }
0x11: {  	[smem:$0x3FAE] =	sst s9;
	s0 =	simm.s32 @!p0 $0x0  }
0x12: {  	s1 =	sld [smem:$0x3F94];
	s0 =	simm.s32 @p0 $0x1  }
0x13: {  	[smem:$0x3FAF] =	sst s0;
	s0 =	simm.s32 @!p1 $0x0  }
0x14: {  	s2 =	sld [smem:$0x3F93];
	s0 =	simm.s32 @p1 $0x1  }
0x15: {  	[smem:$0x3FB0] =	sst s0;
	s0 =	simm.s32 @!p2 $0x0  }
0x16: {  	s3 =	sld [smem:$0x3FDB];
	s0 =	simm.s32 @p2 $0x1  }
0x17: {  	s4 =	simm.s32 $0x1BF5;
	[smem:$0x3FB2] =	sst s0  }
0x18: {  	s0 =	sld [smem:$0x3F95];
	_ =	swait.ge [sflag:s4], $0x0  }
0x19: {  	s7 =	sld [smem:$0x3F96]  }
0x1a: {  	s8 =	sadd.s32 $0xFFFFE003, lr  }
0x1b: {  	s9 =	sadd.s32 $0xFFFFFEF7, lr;
	s5 =	simm.s32 $0xFFFFFFFF;
	p2 =	slt.u32 s8, $0xFFFFF086  }
0x1c: {  	p1 =	slt.u32 s9, $0xF7A;
	s5 =	simm.s32 @!p2 $0x0  }
0x1d: {  	s5 =	simm.s32 @p1 $0x1;
	p0 =	seq.s32 s7, s2  }
0x1e: {  	s7 =	smul.u32 @!p0 $0xF7A, s2;
	p2 =	seq.s32 @!p0 s5, $0x0  }
0x1f: {  	s9 =	smul.u32 $0xF7A, s1;
	s8 =	simm.s32 @!p0 $0x1BF5;
	p2 =	por !p2, p0  }
0x20: {  	[sflag:s8] =	ssyncset.s32 @!p0 $0xFFFFF086;
	s6 =	sadd.s32 @!p0 s3, s7;
	s7 =	simm.s32 @!p0 $0x108  }
0x21: {  	s3 =	sadd.s32 s3, s9;
	s6 =	sadd.s32 @!p0 $0x88, s6;
	s7 =	simm.s32 @p2 $0x1082  }
0x22: {  	[simem:s7], [sflag:s8] =	dma.local @!p0 [hbm:s6], $0xF7A  }
0x23: {  	s9 =	sor.u32 $0xD0000000, s2;
	s6 =	simm.s32 $0x108;
	_ =	swait.ge @!p0 [sflag:s8], $0x0  }
0x24: {  	s3 =	sadd.s32 $0x88, s3;
	s6 =	simm.s32 @!p1 $0x1082;
	[sflag:s4] =	ssyncset.s32 $0xFFFFF086  }
0x25: {  	[simem:s6], [sflag:s4] =	dma.local [hbm:s3], $0xF7A  }
0x26: {  	[smem:$0x3F96] =	sst s1;
	(tag) =	ssettag s2;
	_ =	strace s9  }
0x27: {  	s1 =	sld [smem:$0x3FA6]  }
0x28: {  	s2 =	sld [smem:$0x3FA7]  }
0x29: {  	s4 =	sld [smem:$0x3FA9]  }
0x2a: {  	p0 =	seq.s32 s5, $0x0;
	s5 =	sld [smem:$0x3FAA]  }
0x2b: {  	s6 =	sld [smem:$0x3FAB]  }
0x2c: {  	s7 =	sld [smem:$0x3FAC]  }
0x2d: {  	s3 =	simm.s32 $0x108;
	s8 =	sld [smem:$0x3FAD]  }
0x2e: {  	s3 =	simm.s32 @!p0 $0x1082;
	s9 =	sld [smem:$0x3FAE]  }
0x2f: {  	lr =	sadd.s32 s0, s3;
	s0 =	sld [smem:$0x3FA5]  }
0x30: {  	s3 =	sld [smem:$0x3FA8]  }
0x31: {  	[smem:$0x3FB1] =	sst s10  }
0x32: {  	s10 =	sld [smem:$0x3FAF];
	_ =	sdelay $0x3  }
0x33: {  	p0 =	seq.s32 s10, $0x1;
	s10 =	sld [smem:$0x3FB1];
	_ =	sdelay $0x3  }
0x34: {  	[smem:$0x3FB1] =	sst s10  }
0x35: {  	s10 =	sld [smem:$0x3FB0];
	_ =	sdelay $0x3  }
0x36: {  	p1 =	seq.s32 s10, $0x1;
	s10 =	sld [smem:$0x3FB1];
	_ =	sdelay $0x3  }
0x37: {  	[smem:$0x3FB1] =	sst s10  }
0x38: {  	s10 =	sld [smem:$0x3FB2]  }
0x39: {  	_ = 	snop;
	(pc) =	sbr.ind lr, $3  }
0x3a: {  	_ = 	snop  }
0x3b: {  	_ = 	snop  }
0x3c: {  	p2 =	seq.s32 s10, $0x1;
	s10 =	sld [smem:$0x3FB1]  }
0x3d: {  	_ =	shalt  }
0x3e: {  	_ =	shalt  }
0x3f: {  	_ =	shalt  }
0x40: {  	_ =	shalt  }
0x41: {  	_ =	shalt  }
0x42: {  	_ =	shalt  }
0x43: {  	_ =	shalt  }
0x44: {  	_ =	shalt  }
0x45: {  	_ =	shalt  }
0x46: {  	_ =	shalt  }
0x47: {  	_ =	shalt  }
0x48: {  	_ =	shalt  }
0x49: {  	_ =	shalt  }
0x4a: {  	_ =	shalt  }
0x4b: {  	_ =	shalt  }
0x4c: {  	_ =	shalt  }
0x4d: {  	_ =	shalt  }
0x4e: {  	_ =	shalt  }
0x4f: {  	_ =	shalt  }
0x50: {  	_ =	shalt  }
0x51: {  	_ =	shalt  }
0x52: {  	_ =	shalt  }
0x53: {  	_ =	shalt  }
0x54: {  	_ =	shalt  }
0x55: {  	_ =	shalt  }
0x56: {  	_ =	shalt  }
0x57: {  	_ =	shalt  }
0x58: {  	_ =	shalt  }
0x59: {  	_ =	shalt  }
0x5a: {  	_ =	shalt  }
0x5b: {  	_ =	shalt  }
0x5c: {  	_ =	shalt  }
0x5d: {  	_ =	shalt  }
0x5e: {  	_ =	shalt  }
0x5f: {  	_ =	shalt  }
0x60: {  	_ =	shalt  }
0x61: {  	_ =	shalt  }
0x62: {  	_ =	shalt  }
0x63: {  	_ =	shalt  }
0x64: {  	_ =	shalt  }
0x65: {  	_ =	shalt  }
0x66: {  	_ =	shalt  }
0x67: {  	_ =	shalt  }
0x68: {  	_ =	shalt  }
0x69: {  	_ =	shalt  }
0x6a: {  	_ =	shalt  }
0x6b: {  	_ =	shalt  }
0x6c: {  	_ =	shalt  }
0x6d: {  	_ =	shalt  }
0x6e: {  	_ =	shalt  }
0x6f: {  	_ =	shalt  }
0x70: {  	_ =	shalt  }
0x71: {  	_ =	shalt  }
0x72: {  	_ =	shalt  }
0x73: {  	_ =	shalt  }
0x74: {  	_ =	shalt  }
0x75: {  	_ =	shalt  }
0x76: {  	_ =	shalt  }
0x77: {  	_ =	shalt  }
0x78: {  	_ =	shalt  }
0x79: {  	_ =	shalt  }
0x7a: {  	_ =	shalt  }
0x7b: {  	_ =	shalt  }
0x7c: {  	_ =	shalt  }
0x7d: {  	_ =	shalt  }
0x7e: {  	_ =	shalt  }
0x7f: {  	_ =	shalt  }
0x80: {  	_ =	shalt  }
0x81: {  	_ =	shalt  }
0x82: {  	_ =	shalt  }
0x83: {  	_ =	shalt  }
0x84: {  	_ =	shalt  }
0x85: {  	_ =	shalt  }
0x86: {  	_ =	shalt  }
0x87: {  	_ =	shalt  }
.Lfunc_end0:
.L_simem_size_0:
called_computation.1_lowered:
.L_overlay_start_0:
0x88: {  	s2 =	sld [smem:$0x3FD9]  }
0x89: {  	s3 =	sld [smem:$0x3FFE];
	_ =	sdelay $0x1  }
0x8a: {  	s1 =	srdreg.scid  }
0x8b: {  	s0 =	sand.u32 $0x1, s1  }
0x8c: {  	s16 =	sshll.u32 s0, $0xA;
	s2 =	sadd.s32 s3, s2  }
0x8d: {  	s2 =	sadd.s32 s2, s16  }
0x8e: {  	[smem:$0x3FBD] =	sst s2  }
0x8f: {  	_ = 	snop  }
0x90: {  	(tm) =	ssettm $0x1  }
0x91: {  	s17 =	sld [smem:$0x3FFB];
	_ =	sdelay $0x3  }
0x92: {  	_ =	strace s17  }
0x93: {  	s2 =	sld [smem:$0x3FFC];
	_ =	sdelay $0x3  }
0x94: {  	_ =	strace s2  }
0x95: {  	s2 =	sld [smem:$0x3FFD];
	_ =	sdelay $0x3  }
0x96: {  	_ =	strace s2  }
0x97: {  	_ =	strace $0x8FFFFFFF  }
0x98: {  	s18 =	sld [smem:$0x3FDB];
	_ =	sdelay $0x1  }
0x99: {  	s19 =	simm.s32 $_scs_section_size  }
0x9a: {  	s4 =	simm.s32 $_size__tile_overlayer_lowered;
	s5 =	simm.s32 $_tile_overlayer_lowered  }
0x9b: {  	s22 =	simm.s32 $0x1BFF;
	s21 =	sshll.u32 s5, $0x1;
	s2 =	sadd.s32 s19, s18  }
0x9c: {  	s6 =	simm.s32 $0x0;
	s20 =	sshll.u32 s4, $0x1;
	s4 =	sadd.s32 s21, s2  }
0x9d: {  	[timem:s6], [sflag:s22] =	dma.local [hbm:s4], s20  }
0x9e: {  	_ =	swait.ge [sflag:s22], s20  }
0x9f: {  	s3 =	ssub.s32 $0x0, s20;
	[sflag:s22] =	ssyncset.done $0x0  }
0xa0: {  	[sflag:s22] =	ssyncadd.s32 s3;
	_ =	sdelay $0x1  }
0xa1: {  	s23 =	simm.s32 $0x1B8B  }
0xa2: {  	_ =	swait.ge [sflag:s23], $0x1  }
0xa3: {  	[sflag:s23] =	ssyncset.done $0x0  }
0xa4: {  	s25 =	simm.s32 $0x1B8E;
	s24 =	sld [smem:$0x3FFE];
	[sflag:s23] =	ssyncadd.s32 $0xFFFFFFFF  }
0xa5: {  	s26 =	simm.s32 $execute0_lowered;
	[smem:$0x3FD2] =	sst s25  }
0xa6: {  	s4 =	sshll.u32 s26, $0x1;
	_ =	strace $0x80000049;
	[dreg:$0x1] =	wrdreg $0xFFFFFFFF  }
0xa7: {  	s28 =	simm.s32 $_size_execute0_lowered;
	s2 =	sadd.s32 s2, s4;
	[dreg:$0x0] =	wrdreg $0x0  }
0xa8: {  	s4 =	sshll.u32 s28, $0x1;
	[dreg:$0x2] =	wrdreg s2  }
0xa9: {  	[dreg:$0x3] =	wrdreg s4  }
0xaa: {  	[dreg:$0x4] =	wrdreg $0xC0  }
0xab: {  	_ =	task [dreg:s6], $0x5FFFF  }
0xac: {  	[dreg:$0x1] =	wrdreg $0xFFFFFFFF  }
0xad: {  	[dreg:$0x0] =	wrdreg $0x60  }
0xae: {  	[dreg:$0x2] =	wrdreg s24  }
0xaf: {  	[dreg:$0x3] =	wrdreg $0x0  }
0xb0: {  	[dreg:$0x4] =	wrdreg $0xA0000  }
0xb1: {  	[dreg:$0x5] =	wrdreg $0x9  }
0xb2: {  	_ =	task.clear_ibuf [dreg:s6], $0x6FFFF;
	_ =	strace $0x90000049  }
0xb3: {  	s29 =	simm.s32 $0x9;
	_ =	strace $0x8000004B  }
0xb4: {  	_ =	swait.ge [sflag:s29], $0x1  }
0xb5: {  	[sflag:s29] =	ssyncadd.s32 $0xFFFFFFFF  }
0xb6: {  	_ =	strace $0x9000004B  }
0xb7: {  	_ =	sfence  }
0xb8: {  	s30 =	sld [smem:$0x0];
	_ =	sdelay $0x2  }
0xb9: {  	s31 =	sshll.u32 s1, $0xD;
	s1 =	sshrl.u32 s1, $0x2  }
0xba: {  	s3 =	sand.u32 $0x4000, s31;
	s1 =	sadd.s32 s1, s30  }
0xbb: {  	s0 =	sor.u32 s3, s0;
	s1 =	sshll.u32 s1, $0x11  }
0xbc: {  	s0 =	sor.u32 s1, s0  }
0xbd: {  	s0 =	sadd.s32 $0x8F2B, s0  }
0xbe: {  	[sflag:s0] =	ssyncadd.remote.s32 $0x1  }
0xbf: {  	_ =	sfence.sel $0xFFFF  }
0xc0: {  	[dreg:$0x0] =	wrdreg $0xFFFFFFFF;
	(pc) =	sbr.abs _section_cstart, $3  }
0xc1: {  	[dreg:$0x1] =	wrdreg $0xFFFFFFFF  }
0xc2: {  	_ =	task.clear_ibuf [dreg:s6], $0x2FFFF;
	_ =	strace $0x9FFFFFFF  }
0xc3: {  	(tm) =	ssettm $0x7FFFFFFF  }
tec
execute0_lowered:
.L_overlay_start_1:
0x0: {  	(tag) =	ssettag $0x1  }
0x1: {  	s0 =	rddreg [dreg:$0x0]  }
0x2: {  	s1 =	rddreg [dreg:$0x1]  }
0x3: {  	s2 =	rddreg [dreg:$0x2];
	s3 =	srdreg.scid  }
0x4: {  	s19 =	simm.s32 $0x0;
	s9 =	stileid.u32;
	s13 =	simm.s32 $0x9  }
0x5: {  	s15 =	simm.s32 $0x14000;
	s16 =	simm.s32 $0x15400;
	s17 =	simm.s32 $0x80  }
0x6: {  	s18 =	simm.s32 $0x16800;
	s20 =	simm.s32 $0x18800;
	s28 =	simm.s32 $0x1C800  }
0x7: {  	s29 =	simm.s32 $0x3;
	s30 =	simm.s32 $0x15500;
	s31 =	simm.s32 $0x5  }
0x8: {  	s11 =	simm.s32 $0x14280;
	s12 =	simm.s32 $0x7;
	s7 =	smul.u32 $0x280, s9  }
0x9: {  	s14 =	simm.s32 $0x8;
	s3 =	sand.u32 $0x1, s3;
	s8 =	smul.u32 $0xA000, s9  }
0xa: {  	[smem:$0x7FF] =	sst s19;
	s22 =	sshll.u32 s9, $0x6;
	s9 =	smul.u32 $0x5000, s9  }
0xb: {  	s5 =	sadd.s32 $0x25400, s0;
	s6 =	sadd.s32 $0x1B400, s0;
	s4 =	smul.u32 $0x2800, s3  }
0xc: {  	_ =	strace $0x8000004A;
	s3 =	ssub.s32 $0x2, s3;
	s22 =	sor.u32 $0x1C09, s22  }
0xd: {  	s21 =	sshrl.u32 s3, $0x1;
	s23 =	sadd.s32 s8, s1;
	s24 =	sadd.s32 s8, s2  }
0xe: {  	[dreg:$0x6] =	wrdreg s22;
	s4 =	sadd.s32 s7, s4;
	s3 =	ssub.s32 s3, s21  }
0xf: {  	s26 =	sshrl.u32 s23, $0x3;
	s8 =	sshrl.u32 s24, $0x3;
	s21 =	simm.s32 $0x1  }
0x10: {  	s23 =	simm.s32 $0x1A800;
	s24 =	simm.s32 $0x2;
	s7 =	simm.s32 $0x15580  }
.Ltmp0:
0x11: {  	s4 =	sshll.u32 s4, $0x3;
	[dreg:$0x9] =	wrdreg s26;
	(pc) =	sbr.rel .LBB2_1-.Ltmp0, $4  }
0x12: {  	s25 =	smax.u32 s3, $0x1;
	[dreg:$0xa] =	wrdreg s8;
	s0 =	sadd.s32 s4, s0  }
0x13: {  	s26 =	simm.s32 $0x14180;
	[dreg:$0x8] =	wrdreg s25;
	s10 =	sadd.s32 $0x2F400, s0  }
0x14: {  	s3 =	simm.s32 $0x4;
	s0 =	sadd.s32 $0x57400, s0;
	[dreg:$0x5] =	wrdreg s10  }
0x15: {  	[dreg:$0x7] =	wrdreg s0;
	s0 =	simm.s32 $0x14200;
	s10 =	simm.s32 $0x6  }
.LBB2_6:
0x16: {  	[bflag:$0x0] =	sbarrier.arrive $0xFFFF  }
0x17: {  	s22 =	rddreg [dreg:$0x6]  }
0x18: {  	s4 =	rddreg [dreg:$0x7]  }
0x19: {  	s8 =	rddreg [dreg:$0xa]  }
0x1a: {  	[hbm:s4], [sflag:s22] =	dma.local [spmem:s8], $0x1400  }
0x1b: {  	_ =	swait.ge [sflag:s13], $0x1400  }
0x1c: {  	s19 =	rddreg [dreg:$0x4]  }
0x1d: {  	s25 =	rddreg [dreg:$0x8];
	s19 =	sadd.s32 $0x1, s19  }
0x1e: {  	p0 =	sne.s32 s19, s25  }
.Ltmp1:
0x1f: {  	_ = 	snop;
	(pc) =	sbr.rel @!p0 .LBB2_7-.Ltmp1, $3  }
0x20: {  	[sflag:s13] =	ssyncset.done $0x0  }
0x21: {  	[sflag:s13] =	ssyncadd.s32 $0xFFFFEC00  }
0x22: {  	[bflag:$0x0] =	sbarrier.arrive $0xFFFF;
	_ =	sdelay $0x1  }
.LBB2_1:
0x23: {  	[dreg:$0x4] =	wrdreg s19  }
0x24: {  	s4 =	rddreg [dreg:$0x5]  }
0x25: {  	s25 =	rddreg [dreg:$0x9]  }
0x26: {  	[spmem:s25], [sflag:s22] =	dma.local [hbm:s4], $0x1400  }
0x27: {  	_ =	swait.ge [sflag:s13], $0x1400  }
0x28: {  	[sflag:s13] =	ssyncset.done $0x0  }
0x29: {  	s8 =	smov.u32 s8;
	[sflag:s13] =	ssyncadd.s32 $0xFFFFEC00  }
0x2a: {  	[spmem:s8], [sflag:s22] =	dma.local [spmem:s25], $0x1400  }
.Ltmp2:
0x2b: {  	_ =	swait.ge [sflag:s13], $0x1400;
	(pc) =	sbr.rel .LBB2_2-.Ltmp2, $4  }
0x2c: {  	[sflag:s13] =	ssyncset.done $0x0  }
0x2d: {  	[sflag:s13] =	ssyncadd.s32 $0xFFFFEC00  }
0x2e: {  	[bflag:$0x0] =	sbarrier.arrive $0xFFFF  }
0x2f: {  	s8 =	simm.s32 $0x0  }
.LBB2_5:
0x30: {  	_ =	swait.ge [sflag:s3], $0x2000  }
0x31: {  	[sflag:s3] =	ssyncset.done $0x0  }
0x32: {  	[sflag:s3] =	ssyncadd.s32 $0xFFFFE000  }
0x33: {  	[spmem:s2] =	stream.indirect.scatter.add.f32 [tilespmem:s28], [sflag:$0x8], $0x40, s22, s17, $0xb8;
	[tilespmem:$0x1E800] =	vst v63  }
0x34: {  	_ =	swait.ge [sflag:s31], $0x2000  }
0x35: {  	[sflag:s31] =	ssyncset.done $0x0  }
0x36: {  	[sflag:s31] =	ssyncadd.s32 $0xFFFFE000  }
0x37: {  	_ =	swait.ge [sflag:s10], $0x2000  }
0x38: {  	[sflag:s10] =	ssyncset.done $0x0  }
0x39: {  	s8 =	sadd.s32 $0x1, s8;
	[sflag:s10] =	ssyncadd.s32 $0xFFFFE000  }
0x3a: {  	p0 =	sne.s32 s8, $0x4;
	_ =	swait.ge [sflag:s12], $0x2000  }
.Ltmp3:
0x3b: {  	[sflag:s12] =	ssyncset.done $0x0;
	(pc) =	sbr.rel @!p0 .LBB2_6-.Ltmp3, $4  }
0x3c: {  	[sflag:s12] =	ssyncadd.s32 $0xFFFFE000  }
0x3d: {  	_ =	swait.ge [sflag:s14], $0x2000  }
0x3e: {  	[sflag:s14] =	ssyncset.done $0x0  }
0x3f: {  	[sflag:s14] =	ssyncadd.s32 $0xFFFFE000  }
.LBB2_2:
0x40: {  	s4 =	smul.u32 $0x1400, s8;
	_ =	sdelay $0x1  }
0x41: {  	s4 =	sadd.s32 s9, s4  }
0x42: {  	s19 =	sshrl.u32 s4, $0x3  }
0x43: {  	s4 =	simm.s32 $0x0;
	s22 =	sadd.s32 s5, s19  }
0x44: {  	[tilespmem:s15], [sflag:$0x9] =	stream.linear.gather [hbm4b:s22+s4], $0x1400, $0x38;
	[tilespmem:$0x1E800] =	vst v63  }
0x45: {  	_ =	swait.ge [sflag:s13], $0x1400  }
0x46: {  	[sflag:s13] =	ssyncset.done $0x0  }
0x47: {  	s19 =	sadd.s32 s6, s19;
	[sflag:s13] =	ssyncadd.s32 $0xFFFFEC00  }
0x48: {  	[tilespmem:s16], [sflag:$0x9] =	stream.linear.gather [hbm4b:s19+s4], $0x1400, $0x38;
	[tilespmem:$0x1E800] =	vst v63  }
0x49: {  	_ =	swait.ge [sflag:s13], $0x1400  }
0x4a: {  	[sflag:s13] =	ssyncset.done $0x0  }
0x4b: {  	[sflag:s13] =	ssyncadd.s32 $0xFFFFEC00  }
0x4c: {  	[tilespmem:s18], [sflag:$0x1] =	stream.indirect.gather [spmem:s1], $0x40, s15, s17, $0xb8;
	[tilespmem:$0x1E800] =	vst v63  }
0x4d: {  	s25 =	simm.s32 $0x14080  }
0x4e: {  	[tilespmem:s20], [sflag:$0x2] =	stream.indirect.gather [spmem:s1], $0x40, s25, s17, $0xb8;
	[tilespmem:$0x1E800] =	vst v63  }
0x4f: {  	_ =	swait.ge [sflag:s21], $0x2000  }
0x50: {  	[sflag:s21] =	ssyncset.done $0x0  }
0x51: {  	[sflag:s21] =	ssyncadd.s32 $0xFFFFE000  }
0x52: {  	[spmem:s2] =	stream.indirect.scatter.add.f32 [tilespmem:s18], [sflag:$0x5], $0x40, s16, s17, $0xb8;
	[tilespmem:$0x1E800] =	vst v63  }
0x53: {  	s22 =	simm.s32 $0x14100  }
0x54: {  	[tilespmem:s23], [sflag:$0x3] =	stream.indirect.gather [spmem:s1], $0x40, s22, s17, $0xb8;
	[tilespmem:$0x1E800] =	vst v63  }
0x55: {  	_ =	swait.ge [sflag:s24], $0x2000  }
0x56: {  	[sflag:s24] =	ssyncset.done $0x0  }
0x57: {  	s25 =	simm.s32 $0x15480;
	[sflag:s24] =	ssyncadd.s32 $0xFFFFE000  }
0x58: {  	[spmem:s2] =	stream.indirect.scatter.add.f32 [tilespmem:s20], [sflag:$0x6], $0x40, s25, s17, $0xb8;
	[tilespmem:$0x1E800] =	vst v63  }
0x59: {  	_ = 	snop  }
0x5a: {  	[tilespmem:s28], [sflag:$0x4] =	stream.indirect.gather [spmem:s1], $0x40, s26, s17, $0xb8;
	[tilespmem:$0x1E800] =	vst v63  }
0x5b: {  	_ =	swait.ge [sflag:s29], $0x2000  }
0x5c: {  	[sflag:s29] =	ssyncset.done $0x0  }
0x5d: {  	[sflag:s29] =	ssyncadd.s32 $0xFFFFE000  }
0x5e: {  	[spmem:s2] =	stream.indirect.scatter.add.f32 [tilespmem:s23], [sflag:$0x7], $0x40, s30, s17, $0xb8;
	[tilespmem:$0x1E800] =	vst v63  }
0x5f: {  	_ =	swait.ge [sflag:s31], $0x2000  }
0x60: {  	[sflag:s31] =	ssyncset.done $0x0  }
0x61: {  	[sflag:s31] =	ssyncadd.s32 $0xFFFFE000  }
0x62: {  	[tilespmem:s18], [sflag:$0x1] =	stream.indirect.gather [spmem:s1], $0x40, s0, s17, $0xb8;
	[tilespmem:$0x1E800] =	vst v63  }
0x63: {  	_ =	swait.ge [sflag:s3], $0x2000  }
0x64: {  	[sflag:s3] =	ssyncset.done $0x0  }
0x65: {  	[sflag:s3] =	ssyncadd.s32 $0xFFFFE000  }
0x66: {  	[spmem:s2] =	stream.indirect.scatter.add.f32 [tilespmem:s28], [sflag:$0x8], $0x40, s7, s17, $0xb8;
	[tilespmem:$0x1E800] =	vst v63  }
0x67: {  	_ =	swait.ge [sflag:s10], $0x2000  }
0x68: {  	[sflag:s10] =	ssyncset.done $0x0  }
0x69: {  	[sflag:s10] =	ssyncadd.s32 $0xFFFFE000  }
0x6a: {  	[tilespmem:s20], [sflag:$0x2] =	stream.indirect.gather [spmem:s1], $0x40, s11, s17, $0xb8;
	[tilespmem:$0x1E800] =	vst v63  }
.LBB2_3:
0x6b: {  	_ =	swait.ge [sflag:s21], $0x2000  }
0x6c: {  	s19 =	sshra.s32 s4, $0x2;
	[sflag:s21] =	ssyncset.done $0x0  }
0x6d: {  	s22 =	sadd.s32 $0x15600, s19;
	[sflag:s21] =	ssyncadd.s32 $0xFFFFE000  }
0x6e: {  	[spmem:s2] =	stream.indirect.scatter.add.f32 [tilespmem:s18], [sflag:$0x5], $0x40, s22, s17, $0xb8;
	[tilespmem:$0x1E800] =	vst v63  }
0x6f: {  	_ =	swait.ge [sflag:s12], $0x2000  }
0x70: {  	[sflag:s12] =	ssyncset.done $0x0  }
0x71: {  	s25 =	sadd.s32 $0x14300, s19;
	[sflag:s12] =	ssyncadd.s32 $0xFFFFE000  }
0x72: {  	[tilespmem:s23], [sflag:$0x3] =	stream.indirect.gather [spmem:s1], $0x40, s25, s17, $0xb8;
	[tilespmem:$0x1E800] =	vst v63  }
0x73: {  	_ =	swait.ge [sflag:s24], $0x2000  }
0x74: {  	[sflag:s24] =	ssyncset.done $0x0  }
0x75: {  	s25 =	sadd.s32 $0x15680, s19;
	[sflag:s24] =	ssyncadd.s32 $0xFFFFE000  }
0x76: {  	[spmem:s2] =	stream.indirect.scatter.add.f32 [tilespmem:s20], [sflag:$0x6], $0x40, s25, s17, $0xb8;
	[tilespmem:$0x1E800] =	vst v63  }
0x77: {  	_ =	swait.ge [sflag:s14], $0x2000  }
0x78: {  	[sflag:s14] =	ssyncset.done $0x0  }
0x79: {  	p0 =	seq.s32 s4, $0x4000;
	s25 =	sadd.s32 $0x14380, s19;
	[sflag:s14] =	ssyncadd.s32 $0xFFFFE000  }
0x7a: {  	[tilespmem:s28], [sflag:$0x4] =	stream.indirect.gather [spmem:s1], $0x40, s25, s17, $0xb8;
	[tilespmem:$0x1E800] =	vst v63  }
.Ltmp4:
0x7b: {  	_ = 	snop;
	(pc) =	sbr.rel @p0 .LBB2_5-.Ltmp4, $4  }
0x7c: {  	_ =	swait.ge [sflag:s29], $0x2000  }
0x7d: {  	[sflag:s29] =	ssyncset.done $0x0  }
0x7e: {  	s22 =	sadd.s32 $0x15780, s19;
	s25 =	sadd.s32 $0x15700, s19;
	[sflag:s29] =	ssyncadd.s32 $0xFFFFE000  }
0x7f: {  	[spmem:s2] =	stream.indirect.scatter.add.f32 [tilespmem:s23], [sflag:$0x7], $0x40, s25, s17, $0xb8;
	[tilespmem:$0x1E800] =	vst v63  }
0x80: {  	_ =	swait.ge [sflag:s31], $0x2000  }
0x81: {  	[sflag:s31] =	ssyncset.done $0x0  }
0x82: {  	s25 =	sadd.s32 $0x14400, s19;
	[sflag:s31] =	ssyncadd.s32 $0xFFFFE000  }
0x83: {  	[tilespmem:s18], [sflag:$0x1] =	stream.indirect.gather [spmem:s1], $0x40, s25, s17, $0xb8;
	[tilespmem:$0x1E800] =	vst v63  }
0x84: {  	_ =	swait.ge [sflag:s3], $0x2000  }
0x85: {  	[sflag:s3] =	ssyncset.done $0x0  }
0x86: {  	[sflag:s3] =	ssyncadd.s32 $0xFFFFE000  }
0x87: {  	[spmem:s2] =	stream.indirect.scatter.add.f32 [tilespmem:s28], [sflag:$0x8], $0x40, s22, s17, $0xb8;
	[tilespmem:$0x1E800] =	vst v63  }
.Ltmp5:
0x88: {  	_ = 	snop;
	(pc) =	sbr.rel .LBB2_3-.Ltmp5, $4  }
0x89: {  	_ =	swait.ge [sflag:s10], $0x2000  }
0x8a: {  	[sflag:s10] =	ssyncset.done $0x0  }
0x8b: {  	s4 =	sadd.s32 $0x800, s4;
	s25 =	sadd.s32 $0x14480, s19;
	[sflag:s10] =	ssyncadd.s32 $0xFFFFE000  }
0x8c: {  	[tilespmem:s20], [sflag:$0x2] =	stream.indirect.gather [spmem:s1], $0x40, s25, s17, $0xb8;
	[tilespmem:$0x1E800] =	vst v63  }
.LBB2_7:
0x8d: {  	_ =	sfence.sel $0x180000  }
0x8e: {  	[bflag:$0x0] =	sbarrier.arrive $0xFFFF  }
0x8f: {  	_ =	strace $0x9000004A  }
0x90: {  	s0 =	stileid.u32;
	[bflag:$0x2] =	sbarrier.arrive $0xFFFF  }
0x91: {  	p0 =	sne.s32 s0, $0x0;
	s0 =	rddreg [dreg:$0x3]  }
0x92: {  	s0 =	sadd.s32 @!p0 $0x100000, s0  }
0x93: {  	[sflag:s0] =	ssyncadd.tile.s32 @!p0 $0x1;
	_ =	shalt  }
.Lfunc_end2:
_tile_overlayer_lowered:
.L_overlay_start_2:
0x94: {  	(tag) =	ssettag $0x2  }
0x95: {  	s0 =	rddreg [dreg:$0x0];
	s2 =	stileid.u32  }
0x96: {  	s1 =	rddreg [dreg:$0x1];
	p0 =	sne.s32 s2, $0x0  }
0x97: {  	s3 =	rddreg [dreg:$0x2];
	[bflag:$0x3] =	sbarrier.arrive $0xFFFF;
	s2 =	simm.s32 @!p0 $0x1C09  }
0x98: {  	[timem:s3], [sflag:s2] =	dma.local @!p0 [hbm:s0], s1  }
0x99: {  	s0 =	simm.s32 @!p0 $0x9  }
0x9a: {  	_ =	swait.ge @!p0 [sflag:s0], s1  }
0x9b: {  	s1 =	ssub.s32 @!p0 $0x0, s1;
	[sflag:s0] =	ssyncset.done @!p0 $0x0  }
0x9c: {  	[sflag:s0] =	ssyncadd.s32 @!p0 s1  }
0x9d: {  	[bflag:$0x3] =	sbarrier.arrive $0xFFFF  }
0x9e: {  	_ =	shalt  }

// kernel: kernel.16.cloned.1.call-start
scs
__scs_entry_jumppad:
0x0: {  	(pc) =	sbr.rel $0x88, $3  }
0x1: {  	(tag) =	ssettag $0x0;
	lr =	simm.s32 $0x1  }
0x2: {  	[smem:$0x3F96] =	sst lr;
	_ =	strace $0xD0000000  }
0x3: {  	_ = 	snop  }
0x4: {  	_ = 	snop  }
0x5: {  	_ = 	snop  }
0x6: {  	_ = 	snop  }
0x7: {  	_ = 	snop  }
__scs_overlays_trampoline_lowered:
0x8: {  	[smem:$0x3FA5] =	sst s0  }
0x9: {  	[smem:$0x3FA6] =	sst s1  }
0xa: {  	[smem:$0x3FA7] =	sst s2  }
0xb: {  	[smem:$0x3FA8] =	sst s3  }
0xc: {  	[smem:$0x3FA9] =	sst s4  }
0xd: {  	[smem:$0x3FAA] =	sst s5  }
0xe: {  	[smem:$0x3FAB] =	sst s6  }
0xf: {  	[smem:$0x3FAC] =	sst s7  }
0x10: {  	[smem:$0x3FAD] =	sst s8  }
0x11: {  	[smem:$0x3FAE] =	sst s9;
	s0 =	simm.s32 @!p0 $0x0  }
0x12: {  	s1 =	sld [smem:$0x3F94];
	s0 =	simm.s32 @p0 $0x1  }
0x13: {  	[smem:$0x3FAF] =	sst s0;
	s0 =	simm.s32 @!p1 $0x0  }
0x14: {  	s2 =	sld [smem:$0x3F93];
	s0 =	simm.s32 @p1 $0x1  }
0x15: {  	[smem:$0x3FB0] =	sst s0;
	s0 =	simm.s32 @!p2 $0x0  }
0x16: {  	s3 =	sld [smem:$0x3FDB];
	s0 =	simm.s32 @p2 $0x1  }
0x17: {  	s4 =	simm.s32 $0x1BF5;
	[smem:$0x3FB2] =	sst s0  }
0x18: {  	s0 =	sld [smem:$0x3F95];
	_ =	swait.ge [sflag:s4], $0x0  }
0x19: {  	s7 =	sld [smem:$0x3F96]  }
0x1a: {  	s8 =	sadd.s32 $0xFFFFE003, lr  }
0x1b: {  	s9 =	sadd.s32 $0xFFFFFEF7, lr;
	s5 =	simm.s32 $0xFFFFFFFF;
	p2 =	slt.u32 s8, $0xFFFFF086  }
0x1c: {  	p1 =	slt.u32 s9, $0xF7A;
	s5 =	simm.s32 @!p2 $0x0  }
0x1d: {  	s5 =	simm.s32 @p1 $0x1;
	p0 =	seq.s32 s7, s2  }
0x1e: {  	s7 =	smul.u32 @!p0 $0xF7A, s2;
	p2 =	seq.s32 @!p0 s5, $0x0  }
0x1f: {  	s9 =	smul.u32 $0xF7A, s1;
	s8 =	simm.s32 @!p0 $0x1BF5;
	p2 =	por !p2, p0  }
0x20: {  	[sflag:s8] =	ssyncset.s32 @!p0 $0xFFFFF086;
	s6 =	sadd.s32 @!p0 s3, s7;
	s7 =	simm.s32 @!p0 $0x108  }
0x21: {  	s3 =	sadd.s32 s3, s9;
	s6 =	sadd.s32 @!p0 $0x88, s6;
	s7 =	simm.s32 @p2 $0x1082  }
0x22: {  	[simem:s7], [sflag:s8] =	dma.local @!p0 [hbm:s6], $0xF7A  }
0x23: {  	s9 =	sor.u32 $0xD0000000, s2;
	s6 =	simm.s32 $0x108;
	_ =	swait.ge @!p0 [sflag:s8], $0x0  }
0x24: {  	s3 =	sadd.s32 $0x88, s3;
	s6 =	simm.s32 @!p1 $0x1082;
	[sflag:s4] =	ssyncset.s32 $0xFFFFF086  }
0x25: {  	[simem:s6], [sflag:s4] =	dma.local [hbm:s3], $0xF7A  }
0x26: {  	[smem:$0x3F96] =	sst s1;
	(tag) =	ssettag s2;
	_ =	strace s9  }
0x27: {  	s1 =	sld [smem:$0x3FA6]  }
0x28: {  	s2 =	sld [smem:$0x3FA7]  }
0x29: {  	s4 =	sld [smem:$0x3FA9]  }
0x2a: {  	p0 =	seq.s32 s5, $0x0;
	s5 =	sld [smem:$0x3FAA]  }
0x2b: {  	s6 =	sld [smem:$0x3FAB]  }
0x2c: {  	s7 =	sld [smem:$0x3FAC]  }
0x2d: {  	s3 =	simm.s32 $0x108;
	s8 =	sld [smem:$0x3FAD]  }
0x2e: {  	s3 =	simm.s32 @!p0 $0x1082;
	s9 =	sld [smem:$0x3FAE]  }
0x2f: {  	lr =	sadd.s32 s0, s3;
	s0 =	sld [smem:$0x3FA5]  }
0x30: {  	s3 =	sld [smem:$0x3FA8]  }
0x31: {  	[smem:$0x3FB1] =	sst s10  }
0x32: {  	s10 =	sld [smem:$0x3FAF];
	_ =	sdelay $0x3  }
0x33: {  	p0 =	seq.s32 s10, $0x1;
	s10 =	sld [smem:$0x3FB1];
	_ =	sdelay $0x3  }
0x34: {  	[smem:$0x3FB1] =	sst s10  }
0x35: {  	s10 =	sld [smem:$0x3FB0];
	_ =	sdelay $0x3  }
0x36: {  	p1 =	seq.s32 s10, $0x1;
	s10 =	sld [smem:$0x3FB1];
	_ =	sdelay $0x3  }
0x37: {  	[smem:$0x3FB1] =	sst s10  }
0x38: {  	s10 =	sld [smem:$0x3FB2]  }
0x39: {  	_ = 	snop;
	(pc) =	sbr.ind lr, $3  }
0x3a: {  	_ = 	snop  }
0x3b: {  	_ = 	snop  }
0x3c: {  	p2 =	seq.s32 s10, $0x1;
	s10 =	sld [smem:$0x3FB1]  }
0x3d: {  	_ =	shalt  }
0x3e: {  	_ =	shalt  }
0x3f: {  	_ =	shalt  }
0x40: {  	_ =	shalt  }
0x41: {  	_ =	shalt  }
0x42: {  	_ =	shalt  }
0x43: {  	_ =	shalt  }
0x44: {  	_ =	shalt  }
0x45: {  	_ =	shalt  }
0x46: {  	_ =	shalt  }
0x47: {  	_ =	shalt  }
0x48: {  	_ =	shalt  }
0x49: {  	_ =	shalt  }
0x4a: {  	_ =	shalt  }
0x4b: {  	_ =	shalt  }
0x4c: {  	_ =	shalt  }
0x4d: {  	_ =	shalt  }
0x4e: {  	_ =	shalt  }
0x4f: {  	_ =	shalt  }
0x50: {  	_ =	shalt  }
0x51: {  	_ =	shalt  }
0x52: {  	_ =	shalt  }
0x53: {  	_ =	shalt  }
0x54: {  	_ =	shalt  }
0x55: {  	_ =	shalt  }
0x56: {  	_ =	shalt  }
0x57: {  	_ =	shalt  }
0x58: {  	_ =	shalt  }
0x59: {  	_ =	shalt  }
0x5a: {  	_ =	shalt  }
0x5b: {  	_ =	shalt  }
0x5c: {  	_ =	shalt  }
0x5d: {  	_ =	shalt  }
0x5e: {  	_ =	shalt  }
0x5f: {  	_ =	shalt  }
0x60: {  	_ =	shalt  }
0x61: {  	_ =	shalt  }
0x62: {  	_ =	shalt  }
0x63: {  	_ =	shalt  }
0x64: {  	_ =	shalt  }
0x65: {  	_ =	shalt  }
0x66: {  	_ =	shalt  }
0x67: {  	_ =	shalt  }
0x68: {  	_ =	shalt  }
0x69: {  	_ =	shalt  }
0x6a: {  	_ =	shalt  }
0x6b: {  	_ =	shalt  }
0x6c: {  	_ =	shalt  }
0x6d: {  	_ =	shalt  }
0x6e: {  	_ =	shalt  }
0x6f: {  	_ =	shalt  }
0x70: {  	_ =	shalt  }
0x71: {  	_ =	shalt  }
0x72: {  	_ =	shalt  }
0x73: {  	_ =	shalt  }
0x74: {  	_ =	shalt  }
0x75: {  	_ =	shalt  }
0x76: {  	_ =	shalt  }
0x77: {  	_ =	shalt  }
0x78: {  	_ =	shalt  }
0x79: {  	_ =	shalt  }
0x7a: {  	_ =	shalt  }
0x7b: {  	_ =	shalt  }
0x7c: {  	_ =	shalt  }
0x7d: {  	_ =	shalt  }
0x7e: {  	_ =	shalt  }
0x7f: {  	_ =	shalt  }
0x80: {  	_ =	shalt  }
0x81: {  	_ =	shalt  }
0x82: {  	_ =	shalt  }
0x83: {  	_ =	shalt  }
0x84: {  	_ =	shalt  }
0x85: {  	_ =	shalt  }
0x86: {  	_ =	shalt  }
0x87: {  	_ =	shalt  }
.Lfunc_end0:
.L_simem_size_0:
called_computation.2_lowered:
.L_overlay_start_0:
0x88: {  	s2 =	sld [smem:$0x3FD9]  }
0x89: {  	s3 =	sld [smem:$0x3FFE];
	_ =	sdelay $0x1  }
0x8a: {  	s1 =	srdreg.scid  }
0x8b: {  	s0 =	sand.u32 $0x1, s1  }
0x8c: {  	s16 =	sshll.u32 s0, $0xA;
	s2 =	sadd.s32 s3, s2  }
0x8d: {  	s2 =	sadd.s32 s2, s16  }
0x8e: {  	[smem:$0x3FBD] =	sst s2  }
0x8f: {  	_ = 	snop  }
0x90: {  	(tm) =	ssettm $0x1  }
0x91: {  	s17 =	sld [smem:$0x3FFB];
	_ =	sdelay $0x3  }
0x92: {  	_ =	strace s17  }
0x93: {  	s2 =	sld [smem:$0x3FFC];
	_ =	sdelay $0x3  }
0x94: {  	_ =	strace s2  }
0x95: {  	s2 =	sld [smem:$0x3FFD];
	_ =	sdelay $0x3  }
0x96: {  	_ =	strace s2  }
0x97: {  	_ =	strace $0x8FFFFFFF  }
0x98: {  	s18 =	sld [smem:$0x3FDB];
	_ =	sdelay $0x1  }
0x99: {  	s19 =	simm.s32 $_scs_section_size  }
0x9a: {  	s4 =	simm.s32 $_size__tile_overlayer_lowered;
	s5 =	simm.s32 $_tile_overlayer_lowered  }
0x9b: {  	s22 =	simm.s32 $0x1BFF;
	s21 =	sshll.u32 s5, $0x1;
	s2 =	sadd.s32 s19, s18  }
0x9c: {  	s6 =	simm.s32 $0x0;
	s20 =	sshll.u32 s4, $0x1;
	s4 =	sadd.s32 s21, s2  }
0x9d: {  	[timem:s6], [sflag:s22] =	dma.local [hbm:s4], s20  }
0x9e: {  	_ =	swait.ge [sflag:s22], s20  }
0x9f: {  	s3 =	ssub.s32 $0x0, s20;
	[sflag:s22] =	ssyncset.done $0x0  }
0xa0: {  	[sflag:s22] =	ssyncadd.s32 s3;
	_ =	sdelay $0x1  }
0xa1: {  	s23 =	simm.s32 $0x1B8B  }
0xa2: {  	_ =	swait.ge [sflag:s23], $0x1  }
0xa3: {  	[sflag:s23] =	ssyncset.done $0x0  }
0xa4: {  	s25 =	simm.s32 $0x1B8E;
	s24 =	sld [smem:$0x3FFE];
	[sflag:s23] =	ssyncadd.s32 $0xFFFFFFFF  }
0xa5: {  	s26 =	simm.s32 $execute0_lowered;
	[smem:$0x3FD2] =	sst s25  }
0xa6: {  	s4 =	sshll.u32 s26, $0x1;
	_ =	strace $0x8000004C;
	[dreg:$0x1] =	wrdreg $0xFFFFFFFF  }
0xa7: {  	s28 =	simm.s32 $_size_execute0_lowered;
	s2 =	sadd.s32 s2, s4;
	[dreg:$0x0] =	wrdreg $0x0  }
0xa8: {  	s4 =	sshll.u32 s28, $0x1;
	[dreg:$0x2] =	wrdreg s2  }
0xa9: {  	[dreg:$0x3] =	wrdreg s4  }
0xaa: {  	[dreg:$0x4] =	wrdreg $0xC0  }
0xab: {  	_ =	task [dreg:s6], $0x5FFFF  }
0xac: {  	[dreg:$0x1] =	wrdreg $0xFFFFFFFF  }
0xad: {  	[dreg:$0x0] =	wrdreg $0x60  }
0xae: {  	[dreg:$0x2] =	wrdreg s24  }
0xaf: {  	[dreg:$0x3] =	wrdreg $0x0  }
0xb0: {  	[dreg:$0x4] =	wrdreg $0xA0000  }
0xb1: {  	[dreg:$0x5] =	wrdreg $0x9  }
0xb2: {  	_ =	task.clear_ibuf [dreg:s6], $0x6FFFF;
	_ =	strace $0x9000004C  }
0xb3: {  	s29 =	simm.s32 $0x9;
	_ =	strace $0x8000004E  }
0xb4: {  	_ =	swait.ge [sflag:s29], $0x1  }
0xb5: {  	[sflag:s29] =	ssyncadd.s32 $0xFFFFFFFF  }
0xb6: {  	_ =	strace $0x9000004E  }
0xb7: {  	_ =	sfence  }
0xb8: {  	s30 =	sld [smem:$0x0];
	_ =	sdelay $0x2  }
0xb9: {  	s31 =	sshll.u32 s1, $0xD;
	s1 =	sshrl.u32 s1, $0x2  }
0xba: {  	s3 =	sand.u32 $0x4000, s31;
	s1 =	sadd.s32 s1, s30  }
0xbb: {  	s0 =	sor.u32 s3, s0;
	s1 =	sshll.u32 s1, $0x11  }
0xbc: {  	s0 =	sor.u32 s1, s0  }
0xbd: {  	s0 =	sadd.s32 $0x8F2B, s0  }
0xbe: {  	[sflag:s0] =	ssyncadd.remote.s32 $0x1  }
0xbf: {  	_ =	sfence.sel $0xFFFF  }
0xc0: {  	[dreg:$0x0] =	wrdreg $0xFFFFFFFF;
	(pc) =	sbr.abs _section_cstart, $3  }
0xc1: {  	[dreg:$0x1] =	wrdreg $0xFFFFFFFF  }
0xc2: {  	_ =	task.clear_ibuf [dreg:s6], $0x2FFFF;
	_ =	strace $0x9FFFFFFF  }
0xc3: {  	(tm) =	ssettm $0x7FFFFFFF  }
tec
execute0_lowered:
.L_overlay_start_1:
0x0: {  	(tag) =	ssettag $0x1  }
0x1: {  	s0 =	rddreg [dreg:$0x0]  }
0x2: {  	s1 =	rddreg [dreg:$0x1]  }
0x3: {  	s2 =	rddreg [dreg:$0x2];
	s3 =	srdreg.scid  }
0x4: {  	s19 =	simm.s32 $0x0;
	s9 =	stileid.u32;
	s13 =	simm.s32 $0x9  }
0x5: {  	s15 =	simm.s32 $0x14000;
	s16 =	simm.s32 $0x15400;
	s17 =	simm.s32 $0x80  }
0x6: {  	s18 =	simm.s32 $0x16800;
	s20 =	simm.s32 $0x18800;
	s28 =	simm.s32 $0x1C800  }
0x7: {  	s29 =	simm.s32 $0x3;
	s30 =	simm.s32 $0x15500;
	s31 =	simm.s32 $0x5  }
0x8: {  	s11 =	simm.s32 $0x14280;
	s12 =	simm.s32 $0x7;
	s7 =	smul.u32 $0x280, s9  }
0x9: {  	s14 =	simm.s32 $0x8;
	s3 =	sand.u32 $0x1, s3;
	s8 =	smul.u32 $0xA000, s9  }
0xa: {  	[smem:$0x7FF] =	sst s19;
	s22 =	sshll.u32 s9, $0x6;
	s9 =	smul.u32 $0x5000, s9  }
0xb: {  	s5 =	sadd.s32 $0x25400, s0;
	s6 =	sadd.s32 $0x1B400, s0;
	s4 =	smul.u32 $0x2800, s3  }
0xc: {  	_ =	strace $0x8000004D;
	s3 =	ssub.s32 $0x2, s3;
	s22 =	sor.u32 $0x1C09, s22  }
0xd: {  	s21 =	sshrl.u32 s3, $0x1;
	s23 =	sadd.s32 s8, s1;
	s24 =	sadd.s32 s8, s2  }
0xe: {  	[dreg:$0x6] =	wrdreg s22;
	s4 =	sadd.s32 s7, s4;
	s3 =	ssub.s32 s3, s21  }
0xf: {  	s26 =	sshrl.u32 s23, $0x3;
	s8 =	sshrl.u32 s24, $0x3;
	s21 =	simm.s32 $0x1  }
0x10: {  	s23 =	simm.s32 $0x1A800;
	s24 =	simm.s32 $0x2;
	s7 =	simm.s32 $0x15580  }
.Ltmp0:
0x11: {  	s4 =	sshll.u32 s4, $0x3;
	[dreg:$0x9] =	wrdreg s26;
	(pc) =	sbr.rel .LBB2_1-.Ltmp0, $4  }
0x12: {  	s25 =	smax.u32 s3, $0x1;
	[dreg:$0xa] =	wrdreg s8;
	s0 =	sadd.s32 s4, s0  }
0x13: {  	s26 =	simm.s32 $0x14180;
	[dreg:$0x8] =	wrdreg s25;
	s10 =	sadd.s32 $0x2F400, s0  }
0x14: {  	s3 =	simm.s32 $0x4;
	s0 =	sadd.s32 $0x57400, s0;
	[dreg:$0x5] =	wrdreg s10  }
0x15: {  	[dreg:$0x7] =	wrdreg s0;
	s0 =	simm.s32 $0x14200;
	s10 =	simm.s32 $0x6  }
.LBB2_6:
0x16: {  	[bflag:$0x0] =	sbarrier.arrive $0xFFFF  }
0x17: {  	s22 =	rddreg [dreg:$0x6]  }
0x18: {  	s4 =	rddreg [dreg:$0x7]  }
0x19: {  	s8 =	rddreg [dreg:$0xa]  }
0x1a: {  	[hbm:s4], [sflag:s22] =	dma.local [spmem:s8], $0x1400  }
0x1b: {  	_ =	swait.ge [sflag:s13], $0x1400  }
0x1c: {  	s19 =	rddreg [dreg:$0x4]  }
0x1d: {  	s25 =	rddreg [dreg:$0x8];
	s19 =	sadd.s32 $0x1, s19  }
0x1e: {  	p0 =	sne.s32 s19, s25  }
.Ltmp1:
0x1f: {  	_ = 	snop;
	(pc) =	sbr.rel @!p0 .LBB2_7-.Ltmp1, $3  }
0x20: {  	[sflag:s13] =	ssyncset.done $0x0  }
0x21: {  	[sflag:s13] =	ssyncadd.s32 $0xFFFFEC00  }
0x22: {  	[bflag:$0x0] =	sbarrier.arrive $0xFFFF;
	_ =	sdelay $0x1  }
.LBB2_1:
0x23: {  	[dreg:$0x4] =	wrdreg s19  }
0x24: {  	s4 =	rddreg [dreg:$0x5]  }
0x25: {  	s25 =	rddreg [dreg:$0x9]  }
0x26: {  	[spmem:s25], [sflag:s22] =	dma.local [hbm:s4], $0x1400  }
0x27: {  	_ =	swait.ge [sflag:s13], $0x1400  }
0x28: {  	[sflag:s13] =	ssyncset.done $0x0  }
0x29: {  	s8 =	smov.u32 s8;
	[sflag:s13] =	ssyncadd.s32 $0xFFFFEC00  }
0x2a: {  	[spmem:s8], [sflag:s22] =	dma.local [spmem:s25], $0x1400  }
.Ltmp2:
0x2b: {  	_ =	swait.ge [sflag:s13], $0x1400;
	(pc) =	sbr.rel .LBB2_2-.Ltmp2, $4  }
0x2c: {  	[sflag:s13] =	ssyncset.done $0x0  }
0x2d: {  	[sflag:s13] =	ssyncadd.s32 $0xFFFFEC00  }
0x2e: {  	[bflag:$0x0] =	sbarrier.arrive $0xFFFF  }
0x2f: {  	s8 =	simm.s32 $0x0  }
.LBB2_5:
0x30: {  	_ =	swait.ge [sflag:s3], $0x2000  }
0x31: {  	[sflag:s3] =	ssyncset.done $0x0  }
0x32: {  	[sflag:s3] =	ssyncadd.s32 $0xFFFFE000  }
0x33: {  	[spmem:s2] =	stream.indirect.scatter.add.f32 [tilespmem:s28], [sflag:$0x8], $0x40, s22, s17, $0xb8;
	[tilespmem:$0x1E800] =	vst v63  }
0x34: {  	_ =	swait.ge [sflag:s31], $0x2000  }
0x35: {  	[sflag:s31] =	ssyncset.done $0x0  }
0x36: {  	[sflag:s31] =	ssyncadd.s32 $0xFFFFE000  }
0x37: {  	_ =	swait.ge [sflag:s10], $0x2000  }
0x38: {  	[sflag:s10] =	ssyncset.done $0x0  }
0x39: {  	s8 =	sadd.s32 $0x1, s8;
	[sflag:s10] =	ssyncadd.s32 $0xFFFFE000  }
0x3a: {  	p0 =	sne.s32 s8, $0x4;
	_ =	swait.ge [sflag:s12], $0x2000  }
.Ltmp3:
0x3b: {  	[sflag:s12] =	ssyncset.done $0x0;
	(pc) =	sbr.rel @!p0 .LBB2_6-.Ltmp3, $4  }
0x3c: {  	[sflag:s12] =	ssyncadd.s32 $0xFFFFE000  }
0x3d: {  	_ =	swait.ge [sflag:s14], $0x2000  }
0x3e: {  	[sflag:s14] =	ssyncset.done $0x0  }
0x3f: {  	[sflag:s14] =	ssyncadd.s32 $0xFFFFE000  }
.LBB2_2:
0x40: {  	s4 =	smul.u32 $0x1400, s8;
	_ =	sdelay $0x1  }
0x41: {  	s4 =	sadd.s32 s9, s4  }
0x42: {  	s19 =	sshrl.u32 s4, $0x3  }
0x43: {  	s4 =	simm.s32 $0x0;
	s22 =	sadd.s32 s5, s19  }
0x44: {  	[tilespmem:s15], [sflag:$0x9] =	stream.linear.gather [hbm4b:s22+s4], $0x1400, $0x38;
	[tilespmem:$0x1E800] =	vst v63  }
0x45: {  	_ =	swait.ge [sflag:s13], $0x1400  }
0x46: {  	[sflag:s13] =	ssyncset.done $0x0  }
0x47: {  	s19 =	sadd.s32 s6, s19;
	[sflag:s13] =	ssyncadd.s32 $0xFFFFEC00  }
0x48: {  	[tilespmem:s16], [sflag:$0x9] =	stream.linear.gather [hbm4b:s19+s4], $0x1400, $0x38;
	[tilespmem:$0x1E800] =	vst v63  }
0x49: {  	_ =	swait.ge [sflag:s13], $0x1400  }
0x4a: {  	[sflag:s13] =	ssyncset.done $0x0  }
0x4b: {  	[sflag:s13] =	ssyncadd.s32 $0xFFFFEC00  }
0x4c: {  	[tilespmem:s18], [sflag:$0x1] =	stream.indirect.gather [spmem:s1], $0x40, s15, s17, $0xb8;
	[tilespmem:$0x1E800] =	vst v63  }
0x4d: {  	s25 =	simm.s32 $0x14080  }
0x4e: {  	[tilespmem:s20], [sflag:$0x2] =	stream.indirect.gather [spmem:s1], $0x40, s25, s17, $0xb8;
	[tilespmem:$0x1E800] =	vst v63  }
0x4f: {  	_ =	swait.ge [sflag:s21], $0x2000  }
0x50: {  	[sflag:s21] =	ssyncset.done $0x0  }
0x51: {  	[sflag:s21] =	ssyncadd.s32 $0xFFFFE000  }
0x52: {  	[spmem:s2] =	stream.indirect.scatter.add.f32 [tilespmem:s18], [sflag:$0x5], $0x40, s16, s17, $0xb8;
	[tilespmem:$0x1E800] =	vst v63  }
0x53: {  	s22 =	simm.s32 $0x14100  }
0x54: {  	[tilespmem:s23], [sflag:$0x3] =	stream.indirect.gather [spmem:s1], $0x40, s22, s17, $0xb8;
	[tilespmem:$0x1E800] =	vst v63  }
0x55: {  	_ =	swait.ge [sflag:s24], $0x2000  }
0x56: {  	[sflag:s24] =	ssyncset.done $0x0  }
0x57: {  	s25 =	simm.s32 $0x15480;
	[sflag:s24] =	ssyncadd.s32 $0xFFFFE000  }
0x58: {  	[spmem:s2] =	stream.indirect.scatter.add.f32 [tilespmem:s20], [sflag:$0x6], $0x40, s25, s17, $0xb8;
	[tilespmem:$0x1E800] =	vst v63  }
0x59: {  	_ = 	snop  }
0x5a: {  	[tilespmem:s28], [sflag:$0x4] =	stream.indirect.gather [spmem:s1], $0x40, s26, s17, $0xb8;
	[tilespmem:$0x1E800] =	vst v63  }
0x5b: {  	_ =	swait.ge [sflag:s29], $0x2000  }
0x5c: {  	[sflag:s29] =	ssyncset.done $0x0  }
0x5d: {  	[sflag:s29] =	ssyncadd.s32 $0xFFFFE000  }
0x5e: {  	[spmem:s2] =	stream.indirect.scatter.add.f32 [tilespmem:s23], [sflag:$0x7], $0x40, s30, s17, $0xb8;
	[tilespmem:$0x1E800] =	vst v63  }
0x5f: {  	_ =	swait.ge [sflag:s31], $0x2000  }
0x60: {  	[sflag:s31] =	ssyncset.done $0x0  }
0x61: {  	[sflag:s31] =	ssyncadd.s32 $0xFFFFE000  }
0x62: {  	[tilespmem:s18], [sflag:$0x1] =	stream.indirect.gather [spmem:s1], $0x40, s0, s17, $0xb8;
	[tilespmem:$0x1E800] =	vst v63  }
0x63: {  	_ =	swait.ge [sflag:s3], $0x2000  }
0x64: {  	[sflag:s3] =	ssyncset.done $0x0  }
0x65: {  	[sflag:s3] =	ssyncadd.s32 $0xFFFFE000  }
0x66: {  	[spmem:s2] =	stream.indirect.scatter.add.f32 [tilespmem:s28], [sflag:$0x8], $0x40, s7, s17, $0xb8;
	[tilespmem:$0x1E800] =	vst v63  }
0x67: {  	_ =	swait.ge [sflag:s10], $0x2000  }
0x68: {  	[sflag:s10] =	ssyncset.done $0x0  }
0x69: {  	[sflag:s10] =	ssyncadd.s32 $0xFFFFE000  }
0x6a: {  	[tilespmem:s20], [sflag:$0x2] =	stream.indirect.gather [spmem:s1], $0x40, s11, s17, $0xb8;
	[tilespmem:$0x1E800] =	vst v63  }
.LBB2_3:
0x6b: {  	_ =	swait.ge [sflag:s21], $0x2000  }
0x6c: {  	s19 =	sshra.s32 s4, $0x2;
	[sflag:s21] =	ssyncset.done $0x0  }
0x6d: {  	s22 =	sadd.s32 $0x15600, s19;
	[sflag:s21] =	ssyncadd.s32 $0xFFFFE000  }
0x6e: {  	[spmem:s2] =	stream.indirect.scatter.add.f32 [tilespmem:s18], [sflag:$0x5], $0x40, s22, s17, $0xb8;
	[tilespmem:$0x1E800] =	vst v63  }
0x6f: {  	_ =	swait.ge [sflag:s12], $0x2000  }
0x70: {  	[sflag:s12] =	ssyncset.done $0x0  }
0x71: {  	s25 =	sadd.s32 $0x14300, s19;
	[sflag:s12] =	ssyncadd.s32 $0xFFFFE000  }
0x72: {  	[tilespmem:s23], [sflag:$0x3] =	stream.indirect.gather [spmem:s1], $0x40, s25, s17, $0xb8;
	[tilespmem:$0x1E800] =	vst v63  }
0x73: {  	_ =	swait.ge [sflag:s24], $0x2000  }
0x74: {  	[sflag:s24] =	ssyncset.done $0x0  }
0x75: {  	s25 =	sadd.s32 $0x15680, s19;
	[sflag:s24] =	ssyncadd.s32 $0xFFFFE000  }
0x76: {  	[spmem:s2] =	stream.indirect.scatter.add.f32 [tilespmem:s20], [sflag:$0x6], $0x40, s25, s17, $0xb8;
	[tilespmem:$0x1E800] =	vst v63  }
0x77: {  	_ =	swait.ge [sflag:s14], $0x2000  }
0x78: {  	[sflag:s14] =	ssyncset.done $0x0  }
0x79: {  	p0 =	seq.s32 s4, $0x4000;
	s25 =	sadd.s32 $0x14380, s19;
	[sflag:s14] =	ssyncadd.s32 $0xFFFFE000  }
0x7a: {  	[tilespmem:s28], [sflag:$0x4] =	stream.indirect.gather [spmem:s1], $0x40, s25, s17, $0xb8;
	[tilespmem:$0x1E800] =	vst v63  }
.Ltmp4:
0x7b: {  	_ = 	snop;
	(pc) =	sbr.rel @p0 .LBB2_5-.Ltmp4, $4  }
0x7c: {  	_ =	swait.ge [sflag:s29], $0x2000  }
0x7d: {  	[sflag:s29] =	ssyncset.done $0x0  }
0x7e: {  	s22 =	sadd.s32 $0x15780, s19;
	s25 =	sadd.s32 $0x15700, s19;
	[sflag:s29] =	ssyncadd.s32 $0xFFFFE000  }
0x7f: {  	[spmem:s2] =	stream.indirect.scatter.add.f32 [tilespmem:s23], [sflag:$0x7], $0x40, s25, s17, $0xb8;
	[tilespmem:$0x1E800] =	vst v63  }
0x80: {  	_ =	swait.ge [sflag:s31], $0x2000  }
0x81: {  	[sflag:s31] =	ssyncset.done $0x0  }
0x82: {  	s25 =	sadd.s32 $0x14400, s19;
	[sflag:s31] =	ssyncadd.s32 $0xFFFFE000  }
0x83: {  	[tilespmem:s18], [sflag:$0x1] =	stream.indirect.gather [spmem:s1], $0x40, s25, s17, $0xb8;
	[tilespmem:$0x1E800] =	vst v63  }
0x84: {  	_ =	swait.ge [sflag:s3], $0x2000  }
0x85: {  	[sflag:s3] =	ssyncset.done $0x0  }
0x86: {  	[sflag:s3] =	ssyncadd.s32 $0xFFFFE000  }
0x87: {  	[spmem:s2] =	stream.indirect.scatter.add.f32 [tilespmem:s28], [sflag:$0x8], $0x40, s22, s17, $0xb8;
	[tilespmem:$0x1E800] =	vst v63  }
.Ltmp5:
0x88: {  	_ = 	snop;
	(pc) =	sbr.rel .LBB2_3-.Ltmp5, $4  }
0x89: {  	_ =	swait.ge [sflag:s10], $0x2000  }
0x8a: {  	[sflag:s10] =	ssyncset.done $0x0  }
0x8b: {  	s4 =	sadd.s32 $0x800, s4;
	s25 =	sadd.s32 $0x14480, s19;
	[sflag:s10] =	ssyncadd.s32 $0xFFFFE000  }
0x8c: {  	[tilespmem:s20], [sflag:$0x2] =	stream.indirect.gather [spmem:s1], $0x40, s25, s17, $0xb8;
	[tilespmem:$0x1E800] =	vst v63  }
.LBB2_7:
0x8d: {  	_ =	sfence.sel $0x180000  }
0x8e: {  	[bflag:$0x0] =	sbarrier.arrive $0xFFFF  }
0x8f: {  	_ =	strace $0x9000004D  }
0x90: {  	s0 =	stileid.u32;
	[bflag:$0x2] =	sbarrier.arrive $0xFFFF  }
0x91: {  	p0 =	sne.s32 s0, $0x0;
	s0 =	rddreg [dreg:$0x3]  }
0x92: {  	s0 =	sadd.s32 @!p0 $0x100000, s0  }
0x93: {  	[sflag:s0] =	ssyncadd.tile.s32 @!p0 $0x1;
	_ =	shalt  }
.Lfunc_end2:
_tile_overlayer_lowered:
.L_overlay_start_2:
0x94: {  	(tag) =	ssettag $0x2  }
0x95: {  	s0 =	rddreg [dreg:$0x0];
	s2 =	stileid.u32  }
0x96: {  	s1 =	rddreg [dreg:$0x1];
	p0 =	sne.s32 s2, $0x0  }
0x97: {  	s3 =	rddreg [dreg:$0x2];
	[bflag:$0x3] =	sbarrier.arrive $0xFFFF;
	s2 =	simm.s32 @!p0 $0x1C09  }
0x98: {  	[timem:s3], [sflag:s2] =	dma.local @!p0 [hbm:s0], s1  }
0x99: {  	s0 =	simm.s32 @!p0 $0x9  }
0x9a: {  	_ =	swait.ge @!p0 [sflag:s0], s1  }
0x9b: {  	s1 =	ssub.s32 @!p0 $0x0, s1;
	[sflag:s0] =	ssyncset.done @!p0 $0x0  }
0x9c: {  	[sflag:s0] =	ssyncadd.s32 @!p0 s1  }
0x9d: {  	[bflag:$0x3] =	sbarrier.arrive $0xFFFF  }
0x9e: {  	_ =	shalt  }

// kernel: kernel.19.cloned.1.call-start
scs
__scs_entry_jumppad:
0x0: {  	(pc) =	sbr.rel $0x88, $3  }
0x1: {  	(tag) =	ssettag $0x0;
	lr =	simm.s32 $0x1  }
0x2: {  	[smem:$0x3F96] =	sst lr;
	_ =	strace $0xD0000000  }
0x3: {  	_ = 	snop  }
0x4: {  	_ = 	snop  }
0x5: {  	_ = 	snop  }
0x6: {  	_ = 	snop  }
0x7: {  	_ = 	snop  }
__scs_overlays_trampoline_lowered:
0x8: {  	[smem:$0x3FA5] =	sst s0  }
0x9: {  	[smem:$0x3FA6] =	sst s1  }
0xa: {  	[smem:$0x3FA7] =	sst s2  }
0xb: {  	[smem:$0x3FA8] =	sst s3  }
0xc: {  	[smem:$0x3FA9] =	sst s4  }
0xd: {  	[smem:$0x3FAA] =	sst s5  }
0xe: {  	[smem:$0x3FAB] =	sst s6  }
0xf: {  	[smem:$0x3FAC] =	sst s7  }
0x10: {  	[smem:$0x3FAD] =	sst s8  }
0x11: {  	[smem:$0x3FAE] =	sst s9;
	s0 =	simm.s32 @!p0 $0x0  }
0x12: {  	s1 =	sld [smem:$0x3F94];
	s0 =	simm.s32 @p0 $0x1  }
0x13: {  	[smem:$0x3FAF] =	sst s0;
	s0 =	simm.s32 @!p1 $0x0  }
0x14: {  	s2 =	sld [smem:$0x3F93];
	s0 =	simm.s32 @p1 $0x1  }
0x15: {  	[smem:$0x3FB0] =	sst s0;
	s0 =	simm.s32 @!p2 $0x0  }
0x16: {  	s3 =	sld [smem:$0x3FDB];
	s0 =	simm.s32 @p2 $0x1  }
0x17: {  	s4 =	simm.s32 $0x1BF5;
	[smem:$0x3FB2] =	sst s0  }
0x18: {  	s0 =	sld [smem:$0x3F95];
	_ =	swait.ge [sflag:s4], $0x0  }
0x19: {  	s7 =	sld [smem:$0x3F96]  }
0x1a: {  	s8 =	sadd.s32 $0xFFFFE003, lr  }
0x1b: {  	s9 =	sadd.s32 $0xFFFFFEF7, lr;
	s5 =	simm.s32 $0xFFFFFFFF;
	p2 =	slt.u32 s8, $0xFFFFF086  }
0x1c: {  	p1 =	slt.u32 s9, $0xF7A;
	s5 =	simm.s32 @!p2 $0x0  }
0x1d: {  	s5 =	simm.s32 @p1 $0x1;
	p0 =	seq.s32 s7, s2  }
0x1e: {  	s7 =	smul.u32 @!p0 $0xF7A, s2;
	p2 =	seq.s32 @!p0 s5, $0x0  }
0x1f: {  	s9 =	smul.u32 $0xF7A, s1;
	s8 =	simm.s32 @!p0 $0x1BF5;
	p2 =	por !p2, p0  }
0x20: {  	[sflag:s8] =	ssyncset.s32 @!p0 $0xFFFFF086;
	s6 =	sadd.s32 @!p0 s3, s7;
	s7 =	simm.s32 @!p0 $0x108  }
0x21: {  	s3 =	sadd.s32 s3, s9;
	s6 =	sadd.s32 @!p0 $0x88, s6;
	s7 =	simm.s32 @p2 $0x1082  }
0x22: {  	[simem:s7], [sflag:s8] =	dma.local @!p0 [hbm:s6], $0xF7A  }
0x23: {  	s9 =	sor.u32 $0xD0000000, s2;
	s6 =	simm.s32 $0x108;
	_ =	swait.ge @!p0 [sflag:s8], $0x0  }
0x24: {  	s3 =	sadd.s32 $0x88, s3;
	s6 =	simm.s32 @!p1 $0x1082;
	[sflag:s4] =	ssyncset.s32 $0xFFFFF086  }
0x25: {  	[simem:s6], [sflag:s4] =	dma.local [hbm:s3], $0xF7A  }
0x26: {  	[smem:$0x3F96] =	sst s1;
	(tag) =	ssettag s2;
	_ =	strace s9  }
0x27: {  	s1 =	sld [smem:$0x3FA6]  }
0x28: {  	s2 =	sld [smem:$0x3FA7]  }
0x29: {  	s4 =	sld [smem:$0x3FA9]  }
0x2a: {  	p0 =	seq.s32 s5, $0x0;
	s5 =	sld [smem:$0x3FAA]  }
0x2b: {  	s6 =	sld [smem:$0x3FAB]  }
0x2c: {  	s7 =	sld [smem:$0x3FAC]  }
0x2d: {  	s3 =	simm.s32 $0x108;
	s8 =	sld [smem:$0x3FAD]  }
0x2e: {  	s3 =	simm.s32 @!p0 $0x1082;
	s9 =	sld [smem:$0x3FAE]  }
0x2f: {  	lr =	sadd.s32 s0, s3;
	s0 =	sld [smem:$0x3FA5]  }
0x30: {  	s3 =	sld [smem:$0x3FA8]  }
0x31: {  	[smem:$0x3FB1] =	sst s10  }
0x32: {  	s10 =	sld [smem:$0x3FAF];
	_ =	sdelay $0x3  }
0x33: {  	p0 =	seq.s32 s10, $0x1;
	s10 =	sld [smem:$0x3FB1];
	_ =	sdelay $0x3  }
0x34: {  	[smem:$0x3FB1] =	sst s10  }
0x35: {  	s10 =	sld [smem:$0x3FB0];
	_ =	sdelay $0x3  }
0x36: {  	p1 =	seq.s32 s10, $0x1;
	s10 =	sld [smem:$0x3FB1];
	_ =	sdelay $0x3  }
0x37: {  	[smem:$0x3FB1] =	sst s10  }
0x38: {  	s10 =	sld [smem:$0x3FB2]  }
0x39: {  	_ = 	snop;
	(pc) =	sbr.ind lr, $3  }
0x3a: {  	_ = 	snop  }
0x3b: {  	_ = 	snop  }
0x3c: {  	p2 =	seq.s32 s10, $0x1;
	s10 =	sld [smem:$0x3FB1]  }
0x3d: {  	_ =	shalt  }
0x3e: {  	_ =	shalt  }
0x3f: {  	_ =	shalt  }
0x40: {  	_ =	shalt  }
0x41: {  	_ =	shalt  }
0x42: {  	_ =	shalt  }
0x43: {  	_ =	shalt  }
0x44: {  	_ =	shalt  }
0x45: {  	_ =	shalt  }
0x46: {  	_ =	shalt  }
0x47: {  	_ =	shalt  }
0x48: {  	_ =	shalt  }
0x49: {  	_ =	shalt  }
0x4a: {  	_ =	shalt  }
0x4b: {  	_ =	shalt  }
0x4c: {  	_ =	shalt  }
0x4d: {  	_ =	shalt  }
0x4e: {  	_ =	shalt  }
0x4f: {  	_ =	shalt  }
0x50: {  	_ =	shalt  }
0x51: {  	_ =	shalt  }
0x52: {  	_ =	shalt  }
0x53: {  	_ =	shalt  }
0x54: {  	_ =	shalt  }
0x55: {  	_ =	shalt  }
0x56: {  	_ =	shalt  }
0x57: {  	_ =	shalt  }
0x58: {  	_ =	shalt  }
0x59: {  	_ =	shalt  }
0x5a: {  	_ =	shalt  }
0x5b: {  	_ =	shalt  }
0x5c: {  	_ =	shalt  }
0x5d: {  	_ =	shalt  }
0x5e: {  	_ =	shalt  }
0x5f: {  	_ =	shalt  }
0x60: {  	_ =	shalt  }
0x61: {  	_ =	shalt  }
0x62: {  	_ =	shalt  }
0x63: {  	_ =	shalt  }
0x64: {  	_ =	shalt  }
0x65: {  	_ =	shalt  }
0x66: {  	_ =	shalt  }
0x67: {  	_ =	shalt  }
0x68: {  	_ =	shalt  }
0x69: {  	_ =	shalt  }
0x6a: {  	_ =	shalt  }
0x6b: {  	_ =	shalt  }
0x6c: {  	_ =	shalt  }
0x6d: {  	_ =	shalt  }
0x6e: {  	_ =	shalt  }
0x6f: {  	_ =	shalt  }
0x70: {  	_ =	shalt  }
0x71: {  	_ =	shalt  }
0x72: {  	_ =	shalt  }
0x73: {  	_ =	shalt  }
0x74: {  	_ =	shalt  }
0x75: {  	_ =	shalt  }
0x76: {  	_ =	shalt  }
0x77: {  	_ =	shalt  }
0x78: {  	_ =	shalt  }
0x79: {  	_ =	shalt  }
0x7a: {  	_ =	shalt  }
0x7b: {  	_ =	shalt  }
0x7c: {  	_ =	shalt  }
0x7d: {  	_ =	shalt  }
0x7e: {  	_ =	shalt  }
0x7f: {  	_ =	shalt  }
0x80: {  	_ =	shalt  }
0x81: {  	_ =	shalt  }
0x82: {  	_ =	shalt  }
0x83: {  	_ =	shalt  }
0x84: {  	_ =	shalt  }
0x85: {  	_ =	shalt  }
0x86: {  	_ =	shalt  }
0x87: {  	_ =	shalt  }
.Lfunc_end0:
.L_simem_size_0:
called_computation.3_lowered:
.L_overlay_start_0:
0x88: {  	s2 =	sld [smem:$0x3FD9]  }
0x89: {  	s3 =	sld [smem:$0x3FFE];
	_ =	sdelay $0x1  }
0x8a: {  	s1 =	srdreg.scid  }
0x8b: {  	s0 =	sand.u32 $0x1, s1  }
0x8c: {  	s16 =	sshll.u32 s0, $0xA;
	s2 =	sadd.s32 s3, s2  }
0x8d: {  	s2 =	sadd.s32 s2, s16  }
0x8e: {  	[smem:$0x3FBD] =	sst s2  }
0x8f: {  	_ = 	snop  }
0x90: {  	(tm) =	ssettm $0x1  }
0x91: {  	s17 =	sld [smem:$0x3FFB];
	_ =	sdelay $0x3  }
0x92: {  	_ =	strace s17  }
0x93: {  	s2 =	sld [smem:$0x3FFC];
	_ =	sdelay $0x3  }
0x94: {  	_ =	strace s2  }
0x95: {  	s2 =	sld [smem:$0x3FFD];
	_ =	sdelay $0x3  }
0x96: {  	_ =	strace s2  }
0x97: {  	_ =	strace $0x8FFFFFFF  }
0x98: {  	s18 =	sld [smem:$0x3FDB];
	_ =	sdelay $0x1  }
0x99: {  	s19 =	simm.s32 $_scs_section_size  }
0x9a: {  	s4 =	simm.s32 $_size__tile_overlayer_lowered;
	s5 =	simm.s32 $_tile_overlayer_lowered  }
0x9b: {  	s22 =	simm.s32 $0x1BFF;
	s21 =	sshll.u32 s5, $0x1;
	s2 =	sadd.s32 s19, s18  }
0x9c: {  	s6 =	simm.s32 $0x0;
	s20 =	sshll.u32 s4, $0x1;
	s4 =	sadd.s32 s21, s2  }
0x9d: {  	[timem:s6], [sflag:s22] =	dma.local [hbm:s4], s20  }
0x9e: {  	_ =	swait.ge [sflag:s22], s20  }
0x9f: {  	s3 =	ssub.s32 $0x0, s20;
	[sflag:s22] =	ssyncset.done $0x0  }
0xa0: {  	[sflag:s22] =	ssyncadd.s32 s3;
	_ =	sdelay $0x1  }
0xa1: {  	s23 =	simm.s32 $0x1B8B  }
0xa2: {  	_ =	swait.ge [sflag:s23], $0x1  }
0xa3: {  	[sflag:s23] =	ssyncset.done $0x0  }
0xa4: {  	s25 =	simm.s32 $0x1B8E;
	s24 =	sld [smem:$0x3FFE];
	[sflag:s23] =	ssyncadd.s32 $0xFFFFFFFF  }
0xa5: {  	s26 =	simm.s32 $execute0_lowered;
	[smem:$0x3FD2] =	sst s25  }
0xa6: {  	s4 =	sshll.u32 s26, $0x1;
	_ =	strace $0x8000004F;
	[dreg:$0x1] =	wrdreg $0xFFFFFFFF  }
0xa7: {  	s28 =	simm.s32 $_size_execute0_lowered;
	s2 =	sadd.s32 s2, s4;
	[dreg:$0x0] =	wrdreg $0x0  }
0xa8: {  	s4 =	sshll.u32 s28, $0x1;
	[dreg:$0x2] =	wrdreg s2  }
0xa9: {  	[dreg:$0x3] =	wrdreg s4  }
0xaa: {  	[dreg:$0x4] =	wrdreg $0xC0  }
0xab: {  	_ =	task [dreg:s6], $0x5FFFF  }
0xac: {  	[dreg:$0x1] =	wrdreg $0xFFFFFFFF  }
0xad: {  	[dreg:$0x0] =	wrdreg $0x60  }
0xae: {  	[dreg:$0x2] =	wrdreg s24  }
0xaf: {  	[dreg:$0x3] =	wrdreg $0x0  }
0xb0: {  	[dreg:$0x4] =	wrdreg $0xA0000  }
0xb1: {  	[dreg:$0x5] =	wrdreg $0x9  }
0xb2: {  	_ =	task.clear_ibuf [dreg:s6], $0x6FFFF;
	_ =	strace $0x9000004F  }
0xb3: {  	s29 =	simm.s32 $0x9;
	_ =	strace $0x80000051  }
0xb4: {  	_ =	swait.ge [sflag:s29], $0x1  }
0xb5: {  	[sflag:s29] =	ssyncadd.s32 $0xFFFFFFFF  }
0xb6: {  	_ =	strace $0x90000051  }
0xb7: {  	_ =	sfence  }
0xb8: {  	s30 =	sld [smem:$0x0];
	_ =	sdelay $0x2  }
0xb9: {  	s31 =	sshll.u32 s1, $0xD;
	s1 =	sshrl.u32 s1, $0x2  }
0xba: {  	s3 =	sand.u32 $0x4000, s31;
	s1 =	sadd.s32 s1, s30  }
0xbb: {  	s0 =	sor.u32 s3, s0;
	s1 =	sshll.u32 s1, $0x11  }
0xbc: {  	s0 =	sor.u32 s1, s0  }
0xbd: {  	s0 =	sadd.s32 $0x8F2B, s0  }
0xbe: {  	[sflag:s0] =	ssyncadd.remote.s32 $0x1  }
0xbf: {  	_ =	sfence.sel $0xFFFF  }
0xc0: {  	[dreg:$0x0] =	wrdreg $0xFFFFFFFF;
	(pc) =	sbr.abs _section_cstart, $3  }
0xc1: {  	[dreg:$0x1] =	wrdreg $0xFFFFFFFF  }
0xc2: {  	_ =	task.clear_ibuf [dreg:s6], $0x2FFFF;
	_ =	strace $0x9FFFFFFF  }
0xc3: {  	(tm) =	ssettm $0x7FFFFFFF  }
tec
execute0_lowered:
.L_overlay_start_1:
0x0: {  	(tag) =	ssettag $0x1  }
0x1: {  	s0 =	rddreg [dreg:$0x0]  }
0x2: {  	s1 =	rddreg [dreg:$0x1]  }
0x3: {  	s2 =	rddreg [dreg:$0x2]  }
0x4: {  	s21 =	simm.s32 $0x0;
	s3 =	srdreg.scid;
	s12 =	stileid.u32  }
0x5: {  	s15 =	simm.s32 $0x9;
	s17 =	simm.s32 $0x14000;
	s18 =	simm.s32 $0x15400  }
0x6: {  	s19 =	simm.s32 $0x80;
	s30 =	simm.s32 $0x1C800;
	s31 =	simm.s32 $0x3  }
0x7: {  	s13 =	simm.s32 $0x14280;
	s14 =	simm.s32 $0x7;
	s16 =	simm.s32 $0x8  }
0x8: {  	[smem:$0x7FF] =	sst s21;
	s3 =	sand.u32 $0x1, s3;
	s4 =	smul.u32 $0x280, s12  }
0x9: {  	s7 =	sadd.s32 $0xCF400, s0;
	s5 =	sadd.s32 $0x25400, s0;
	s6 =	sadd.s32 $0x1B400, s0  }
0xa: {  	s0 =	sadd.s32 $0x2F400, s0;
	s10 =	smul.u32 $0xA000, s12;
	s20 =	sshll.u32 s12, $0x6  }
0xb: {  	_ =	strace $0x80000050;
	s8 =	smul.u32 $0x5000, s3;
	s3 =	ssub.s32 $0x2, s3  }
0xc: {  	s24 =	sor.u32 $0x1C09, s20;
	s20 =	simm.s32 $0x16800;
	s9 =	sshrl.u32 s3, $0x1  }
0xd: {  	s11 =	sadd.s32 s10, s1;
	s23 =	sadd.s32 s10, s2;
	s10 =	simm.s32 $0x4  }
0xe: {  	[dreg:$0x6] =	wrdreg s24;
	s4 =	sadd.s32 s4, s8;
	s3 =	ssub.s32 s3, s9  }
0xf: {  	s9 =	smul.u32 $0x5000, s12;
	s29 =	sshrl.u32 s11, $0x3;
	s8 =	sshrl.u32 s23, $0x3  }
0x10: {  	s23 =	simm.s32 $0x1;
	s11 =	simm.s32 $0x15580;
	[dreg:$0xb] =	wrdreg s29  }
0x11: {  	s4 =	sshll.u32 s4, $0x3;
	s28 =	smax.u32 s3, $0x1;
	[dreg:$0xc] =	wrdreg s8  }
0x12: {  	s22 =	sadd.s32 s7, s4;
	s25 =	sadd.s32 $0x14000, s4;
	[dreg:$0xa] =	wrdreg s28  }
.Ltmp0:
0x13: {  	s4 =	sadd.s32 s0, s4;
	[dreg:$0x5] =	wrdreg s22;
	(pc) =	sbr.rel .LBB2_1-.Ltmp0, $4  }
0x14: {  	s12 =	simm.s32 $0x6;
	s3 =	simm.s32 $0x5;
	[dreg:$0x7] =	wrdreg s4  }
0x15: {  	s26 =	sadd.s32 s7, s25;
	s0 =	sadd.s32 s0, s25;
	s22 =	simm.s32 $0x18800  }
0x16: {  	s25 =	simm.s32 $0x1A800;
	s7 =	simm.s32 $0x14200;
	[dreg:$0x8] =	wrdreg s26  }
0x17: {  	[dreg:$0x9] =	wrdreg s0;
	s26 =	simm.s32 $0x2;
	s0 =	simm.s32 $0x15500  }
.LBB2_11:
0x18: {  	[bflag:$0x0] =	sbarrier.arrive $0xFFFF  }
0x19: {  	s24 =	rddreg [dreg:$0x6]  }
0x1a: {  	s4 =	rddreg [dreg:$0x9]  }
0x1b: {  	s8 =	rddreg [dreg:$0xc]  }
0x1c: {  	[hbm:s4], [sflag:s24] =	dma.local [spmem:s8], $0x1400  }
0x1d: {  	_ =	swait.ge [sflag:s15], $0x1400  }
0x1e: {  	s21 =	rddreg [dreg:$0x4]  }
0x1f: {  	s29 =	rddreg [dreg:$0xa];
	s21 =	sadd.s32 $0x1, s21  }
0x20: {  	p0 =	sne.s32 s21, s29  }
.Ltmp1:
0x21: {  	_ = 	snop;
	(pc) =	sbr.rel @!p0 .LBB2_12-.Ltmp1, $3  }
0x22: {  	[sflag:s15] =	ssyncset.done $0x0  }
0x23: {  	[sflag:s15] =	ssyncadd.s32 $0xFFFFEC00  }
0x24: {  	[bflag:$0x0] =	sbarrier.arrive $0xFFFF;
	_ =	sdelay $0x1  }
.LBB2_1:
0x25: {  	[dreg:$0x4] =	wrdreg s21  }
0x26: {  	s4 =	rddreg [dreg:$0x5]  }
0x27: {  	s29 =	rddreg [dreg:$0xb]  }
0x28: {  	[spmem:s29], [sflag:s24] =	dma.local [hbm:s4], $0x1400  }
0x29: {  	_ =	swait.ge [sflag:s15], $0x1400  }
0x2a: {  	[sflag:s15] =	ssyncset.done $0x0  }
0x2b: {  	s28 =	smov.u32 s8;
	[sflag:s15] =	ssyncadd.s32 $0xFFFFEC00  }
0x2c: {  	[spmem:s28], [sflag:s24] =	dma.local [spmem:s29], $0x1400  }
.Ltmp2:
0x2d: {  	_ =	swait.ge [sflag:s15], $0x1400;
	(pc) =	sbr.rel .LBB2_2-.Ltmp2, $4  }
0x2e: {  	[sflag:s15] =	ssyncset.done $0x0  }
0x2f: {  	[sflag:s15] =	ssyncadd.s32 $0xFFFFEC00  }
0x30: {  	[bflag:$0x0] =	sbarrier.arrive $0xFFFF  }
0x31: {  	s8 =	simm.s32 $0x0  }
.LBB2_5:
0x32: {  	_ =	swait.ge [sflag:s10], $0x2000  }
0x33: {  	[sflag:s10] =	ssyncset.done $0x0  }
0x34: {  	[sflag:s10] =	ssyncadd.s32 $0xFFFFE000  }
0x35: {  	[spmem:s2] =	stream.indirect.scatter.add.f32 [tilespmem:s30], [sflag:$0x8], $0x40, s24, s19, $0xb8;
	[tilespmem:$0x1E800] =	vst v63  }
0x36: {  	_ =	swait.ge [sflag:s3], $0x2000  }
0x37: {  	[sflag:s3] =	ssyncset.done $0x0  }
0x38: {  	[sflag:s3] =	ssyncadd.s32 $0xFFFFE000  }
0x39: {  	_ =	swait.ge [sflag:s12], $0x2000  }
0x3a: {  	[sflag:s12] =	ssyncset.done $0x0  }
0x3b: {  	s8 =	sadd.s32 $0x1, s8;
	[sflag:s12] =	ssyncadd.s32 $0xFFFFE000  }
0x3c: {  	p0 =	sne.s32 s8, $0x4;
	_ =	swait.ge [sflag:s14], $0x2000  }
.Ltmp3:
0x3d: {  	[sflag:s14] =	ssyncset.done $0x0;
	(pc) =	sbr.rel @!p0 .LBB2_6-.Ltmp3, $4  }
0x3e: {  	[sflag:s14] =	ssyncadd.s32 $0xFFFFE000  }
0x3f: {  	_ =	swait.ge [sflag:s16], $0x2000  }
0x40: {  	[sflag:s16] =	ssyncset.done $0x0  }
0x41: {  	[sflag:s16] =	ssyncadd.s32 $0xFFFFE000  }
.LBB2_2:
0x42: {  	s4 =	smul.u32 $0x1400, s8;
	_ =	sdelay $0x1  }
0x43: {  	s4 =	sadd.s32 s9, s4  }
0x44: {  	s21 =	sshrl.u32 s4, $0x3  }
0x45: {  	s4 =	simm.s32 $0x0;
	s24 =	sadd.s32 s5, s21  }
0x46: {  	[tilespmem:s17], [sflag:$0x9] =	stream.linear.gather [hbm4b:s24+s4], $0x1400, $0x38;
	[tilespmem:$0x1E800] =	vst v63  }
0x47: {  	_ =	swait.ge [sflag:s15], $0x1400  }
0x48: {  	[sflag:s15] =	ssyncset.done $0x0  }
0x49: {  	s21 =	sadd.s32 s6, s21;
	[sflag:s15] =	ssyncadd.s32 $0xFFFFEC00  }
0x4a: {  	[tilespmem:s18], [sflag:$0x9] =	stream.linear.gather [hbm4b:s21+s4], $0x1400, $0x38;
	[tilespmem:$0x1E800] =	vst v63  }
0x4b: {  	_ =	swait.ge [sflag:s15], $0x1400  }
0x4c: {  	[sflag:s15] =	ssyncset.done $0x0  }
0x4d: {  	[sflag:s15] =	ssyncadd.s32 $0xFFFFEC00  }
0x4e: {  	[tilespmem:s20], [sflag:$0x1] =	stream.indirect.gather [spmem:s1], $0x40, s17, s19, $0xb8;
	[tilespmem:$0x1E800] =	vst v63  }
0x4f: {  	s29 =	simm.s32 $0x14080  }
0x50: {  	[tilespmem:s22], [sflag:$0x2] =	stream.indirect.gather [spmem:s1], $0x40, s29, s19, $0xb8;
	[tilespmem:$0x1E800] =	vst v63  }
0x51: {  	_ =	swait.ge [sflag:s23], $0x2000  }
0x52: {  	[sflag:s23] =	ssyncset.done $0x0  }
0x53: {  	[sflag:s23] =	ssyncadd.s32 $0xFFFFE000  }
0x54: {  	[spmem:s2] =	stream.indirect.scatter.add.f32 [tilespmem:s20], [sflag:$0x5], $0x40, s18, s19, $0xb8;
	[tilespmem:$0x1E800] =	vst v63  }
0x55: {  	s24 =	simm.s32 $0x14100  }
0x56: {  	[tilespmem:s25], [sflag:$0x3] =	stream.indirect.gather [spmem:s1], $0x40, s24, s19, $0xb8;
	[tilespmem:$0x1E800] =	vst v63  }
0x57: {  	_ =	swait.ge [sflag:s26], $0x2000  }
0x58: {  	[sflag:s26] =	ssyncset.done $0x0  }
0x59: {  	s28 =	simm.s32 $0x15480;
	[sflag:s26] =	ssyncadd.s32 $0xFFFFE000  }
0x5a: {  	[spmem:s2] =	stream.indirect.scatter.add.f32 [tilespmem:s22], [sflag:$0x6], $0x40, s28, s19, $0xb8;
	[tilespmem:$0x1E800] =	vst v63  }
0x5b: {  	s29 =	simm.s32 $0x14180  }
0x5c: {  	[tilespmem:s30], [sflag:$0x4] =	stream.indirect.gather [spmem:s1], $0x40, s29, s19, $0xb8;
	[tilespmem:$0x1E800] =	vst v63  }
0x5d: {  	_ =	swait.ge [sflag:s31], $0x2000  }
0x5e: {  	[sflag:s31] =	ssyncset.done $0x0  }
0x5f: {  	[sflag:s31] =	ssyncadd.s32 $0xFFFFE000  }
0x60: {  	[spmem:s2] =	stream.indirect.scatter.add.f32 [tilespmem:s25], [sflag:$0x7], $0x40, s0, s19, $0xb8;
	[tilespmem:$0x1E800] =	vst v63  }
0x61: {  	_ =	swait.ge [sflag:s3], $0x2000  }
0x62: {  	[sflag:s3] =	ssyncset.done $0x0  }
0x63: {  	[sflag:s3] =	ssyncadd.s32 $0xFFFFE000  }
0x64: {  	[tilespmem:s20], [sflag:$0x1] =	stream.indirect.gather [spmem:s1], $0x40, s7, s19, $0xb8;
	[tilespmem:$0x1E800] =	vst v63  }
0x65: {  	_ =	swait.ge [sflag:s10], $0x2000  }
0x66: {  	[sflag:s10] =	ssyncset.done $0x0  }
0x67: {  	[sflag:s10] =	ssyncadd.s32 $0xFFFFE000  }
0x68: {  	[spmem:s2] =	stream.indirect.scatter.add.f32 [tilespmem:s30], [sflag:$0x8], $0x40, s11, s19, $0xb8;
	[tilespmem:$0x1E800] =	vst v63  }
0x69: {  	_ =	swait.ge [sflag:s12], $0x2000  }
0x6a: {  	[sflag:s12] =	ssyncset.done $0x0  }
0x6b: {  	[sflag:s12] =	ssyncadd.s32 $0xFFFFE000  }
0x6c: {  	[tilespmem:s22], [sflag:$0x2] =	stream.indirect.gather [spmem:s1], $0x40, s13, s19, $0xb8;
	[tilespmem:$0x1E800] =	vst v63  }
.LBB2_3:
0x6d: {  	_ =	swait.ge [sflag:s23], $0x2000  }
0x6e: {  	s21 =	sshra.s32 s4, $0x2;
	[sflag:s23] =	ssyncset.done $0x0  }
0x6f: {  	s24 =	sadd.s32 $0x15600, s21;
	[sflag:s23] =	ssyncadd.s32 $0xFFFFE000  }
0x70: {  	[spmem:s2] =	stream.indirect.scatter.add.f32 [tilespmem:s20], [sflag:$0x5], $0x40, s24, s19, $0xb8;
	[tilespmem:$0x1E800] =	vst v63  }
0x71: {  	_ =	swait.ge [sflag:s14], $0x2000  }
0x72: {  	[sflag:s14] =	ssyncset.done $0x0  }
0x73: {  	s28 =	sadd.s32 $0x14300, s21;
	[sflag:s14] =	ssyncadd.s32 $0xFFFFE000  }
0x74: {  	[tilespmem:s25], [sflag:$0x3] =	stream.indirect.gather [spmem:s1], $0x40, s28, s19, $0xb8;
	[tilespmem:$0x1E800] =	vst v63  }
0x75: {  	_ =	swait.ge [sflag:s26], $0x2000  }
0x76: {  	[sflag:s26] =	ssyncset.done $0x0  }
0x77: {  	s29 =	sadd.s32 $0x15680, s21;
	[sflag:s26] =	ssyncadd.s32 $0xFFFFE000  }
0x78: {  	[spmem:s2] =	stream.indirect.scatter.add.f32 [tilespmem:s22], [sflag:$0x6], $0x40, s29, s19, $0xb8;
	[tilespmem:$0x1E800] =	vst v63  }
0x79: {  	_ =	swait.ge [sflag:s16], $0x2000  }
0x7a: {  	[sflag:s16] =	ssyncset.done $0x0  }
0x7b: {  	p0 =	seq.s32 s4, $0x4000;
	s28 =	sadd.s32 $0x14380, s21;
	[sflag:s16] =	ssyncadd.s32 $0xFFFFE000  }
0x7c: {  	[tilespmem:s30], [sflag:$0x4] =	stream.indirect.gather [spmem:s1], $0x40, s28, s19, $0xb8;
	[tilespmem:$0x1E800] =	vst v63  }
.Ltmp4:
0x7d: {  	_ = 	snop;
	(pc) =	sbr.rel @p0 .LBB2_5-.Ltmp4, $4  }
0x7e: {  	_ =	swait.ge [sflag:s31], $0x2000  }
0x7f: {  	[sflag:s31] =	ssyncset.done $0x0  }
0x80: {  	s24 =	sadd.s32 $0x15780, s21;
	s29 =	sadd.s32 $0x15700, s21;
	[sflag:s31] =	ssyncadd.s32 $0xFFFFE000  }
0x81: {  	[spmem:s2] =	stream.indirect.scatter.add.f32 [tilespmem:s25], [sflag:$0x7], $0x40, s29, s19, $0xb8;
	[tilespmem:$0x1E800] =	vst v63  }
0x82: {  	_ =	swait.ge [sflag:s3], $0x2000  }
0x83: {  	[sflag:s3] =	ssyncset.done $0x0  }
0x84: {  	s28 =	sadd.s32 $0x14400, s21;
	[sflag:s3] =	ssyncadd.s32 $0xFFFFE000  }
0x85: {  	[tilespmem:s20], [sflag:$0x1] =	stream.indirect.gather [spmem:s1], $0x40, s28, s19, $0xb8;
	[tilespmem:$0x1E800] =	vst v63  }
0x86: {  	_ =	swait.ge [sflag:s10], $0x2000  }
0x87: {  	[sflag:s10] =	ssyncset.done $0x0  }
0x88: {  	[sflag:s10] =	ssyncadd.s32 $0xFFFFE000  }
0x89: {  	[spmem:s2] =	stream.indirect.scatter.add.f32 [tilespmem:s30], [sflag:$0x8], $0x40, s24, s19, $0xb8;
	[tilespmem:$0x1E800] =	vst v63  }
.Ltmp5:
0x8a: {  	_ = 	snop;
	(pc) =	sbr.rel .LBB2_3-.Ltmp5, $4  }
0x8b: {  	_ =	swait.ge [sflag:s12], $0x2000  }
0x8c: {  	[sflag:s12] =	ssyncset.done $0x0  }
0x8d: {  	s29 =	sadd.s32 $0x14480, s21;
	s4 =	sadd.s32 $0x800, s4;
	[sflag:s12] =	ssyncadd.s32 $0xFFFFE000  }
0x8e: {  	[tilespmem:s22], [sflag:$0x2] =	stream.indirect.gather [spmem:s1], $0x40, s29, s19, $0xb8;
	[tilespmem:$0x1E800] =	vst v63  }
.LBB2_6:
0x8f: {  	[bflag:$0x0] =	sbarrier.arrive $0xFFFF  }
0x90: {  	s4 =	rddreg [dreg:$0x6]  }
0x91: {  	s8 =	rddreg [dreg:$0x7]  }
0x92: {  	s24 =	rddreg [dreg:$0xc]  }
0x93: {  	[hbm:s8], [sflag:s4] =	dma.local [spmem:s24], $0x1400  }
0x94: {  	_ =	swait.ge [sflag:s15], $0x1400  }
0x95: {  	[sflag:s15] =	ssyncset.done $0x0  }
0x96: {  	[sflag:s15] =	ssyncadd.s32 $0xFFFFEC00  }
0x97: {  	[bflag:$0x0] =	sbarrier.arrive $0xFFFF  }
0x98: {  	s29 =	rddreg [dreg:$0x8]  }
0x99: {  	s21 =	rddreg [dreg:$0xb]  }
0x9a: {  	[spmem:s21], [sflag:s4] =	dma.local [hbm:s29], $0x1400  }
0x9b: {  	_ =	swait.ge [sflag:s15], $0x1400  }
0x9c: {  	[sflag:s15] =	ssyncset.done $0x0  }
0x9d: {  	[sflag:s15] =	ssyncadd.s32 $0xFFFFEC00  }
0x9e: {  	[spmem:s24], [sflag:s4] =	dma.local [spmem:s21], $0x1400  }
.Ltmp6:
0x9f: {  	_ =	swait.ge [sflag:s15], $0x1400;
	(pc) =	sbr.rel .LBB2_7-.Ltmp6, $4  }
0xa0: {  	[sflag:s15] =	ssyncset.done $0x0  }
0xa1: {  	[sflag:s15] =	ssyncadd.s32 $0xFFFFEC00  }
0xa2: {  	[bflag:$0x0] =	sbarrier.arrive $0xFFFF  }
0xa3: {  	s8 =	simm.s32 $0x0;
	s4 =	simm.s32 $0x0  }
.LBB2_10:
0xa4: {  	_ =	swait.ge [sflag:s10], $0x2000  }
0xa5: {  	[sflag:s10] =	ssyncset.done $0x0  }
0xa6: {  	[sflag:s10] =	ssyncadd.s32 $0xFFFFE000  }
0xa7: {  	[spmem:s2] =	stream.indirect.scatter.add.f32 [tilespmem:s30], [sflag:$0x8], $0x40, s28, s19, $0xb8;
	[tilespmem:$0x1E800] =	vst v63  }
0xa8: {  	_ =	swait.ge [sflag:s3], $0x2000  }
0xa9: {  	[sflag:s3] =	ssyncset.done $0x0  }
0xaa: {  	[sflag:s3] =	ssyncadd.s32 $0xFFFFE000  }
0xab: {  	_ =	swait.ge [sflag:s12], $0x2000  }
0xac: {  	[sflag:s12] =	ssyncset.done $0x0  }
0xad: {  	s4 =	sadd.s32 $0x1, s4;
	[sflag:s12] =	ssyncadd.s32 $0xFFFFE000  }
0xae: {  	p0 =	sne.s32 s4, $0x4;
	_ =	swait.ge [sflag:s14], $0x2000  }
.Ltmp7:
0xaf: {  	[sflag:s14] =	ssyncset.done $0x0;
	(pc) =	sbr.rel @!p0 .LBB2_11-.Ltmp7, $4  }
0xb0: {  	[sflag:s14] =	ssyncadd.s32 $0xFFFFE000  }
0xb1: {  	_ =	swait.ge [sflag:s16], $0x2000  }
0xb2: {  	[sflag:s16] =	ssyncset.done $0x0  }
0xb3: {  	[sflag:s16] =	ssyncadd.s32 $0xFFFFE000  }
.LBB2_7:
0xb4: {  	s21 =	smul.u32 $0x1400, s4;
	_ =	sdelay $0x1  }
0xb5: {  	s21 =	sadd.s32 s9, s21  }
0xb6: {  	s21 =	sshrl.u32 s21, $0x3  }
0xb7: {  	s24 =	sadd.s32 s5, s21  }
0xb8: {  	[tilespmem:s17], [sflag:$0x9] =	stream.linear.gather [hbm4b:s24+s8], $0x1400, $0x38;
	[tilespmem:$0x1E800] =	vst v63  }
0xb9: {  	_ =	swait.ge [sflag:s15], $0x1400  }
0xba: {  	[sflag:s15] =	ssyncset.done $0x0  }
0xbb: {  	s21 =	sadd.s32 s6, s21;
	[sflag:s15] =	ssyncadd.s32 $0xFFFFEC00  }
0xbc: {  	[tilespmem:s18], [sflag:$0x9] =	stream.linear.gather [hbm4b:s21+s8], $0x1400, $0x38;
	[tilespmem:$0x1E800] =	vst v63  }
0xbd: {  	_ =	swait.ge [sflag:s15], $0x1400  }
0xbe: {  	[sflag:s15] =	ssyncset.done $0x0  }
0xbf: {  	[sflag:s15] =	ssyncadd.s32 $0xFFFFEC00  }
0xc0: {  	[tilespmem:s20], [sflag:$0x1] =	stream.indirect.gather [spmem:s1], $0x40, s17, s19, $0xb8;
	[tilespmem:$0x1E800] =	vst v63  }
0xc1: {  	s29 =	simm.s32 $0x14080  }
0xc2: {  	[tilespmem:s22], [sflag:$0x2] =	stream.indirect.gather [spmem:s1], $0x40, s29, s19, $0xb8;
	[tilespmem:$0x1E800] =	vst v63  }
0xc3: {  	_ =	swait.ge [sflag:s23], $0x2000  }
0xc4: {  	[sflag:s23] =	ssyncset.done $0x0  }
0xc5: {  	[sflag:s23] =	ssyncadd.s32 $0xFFFFE000  }
0xc6: {  	[spmem:s2] =	stream.indirect.scatter.add.f32 [tilespmem:s20], [sflag:$0x5], $0x40, s18, s19, $0xb8;
	[tilespmem:$0x1E800] =	vst v63  }
0xc7: {  	s24 =	simm.s32 $0x14100  }
0xc8: {  	[tilespmem:s25], [sflag:$0x3] =	stream.indirect.gather [spmem:s1], $0x40, s24, s19, $0xb8;
	[tilespmem:$0x1E800] =	vst v63  }
0xc9: {  	_ =	swait.ge [sflag:s26], $0x2000  }
0xca: {  	[sflag:s26] =	ssyncset.done $0x0  }
0xcb: {  	s28 =	simm.s32 $0x15480;
	[sflag:s26] =	ssyncadd.s32 $0xFFFFE000  }
0xcc: {  	[spmem:s2] =	stream.indirect.scatter.add.f32 [tilespmem:s22], [sflag:$0x6], $0x40, s28, s19, $0xb8;
	[tilespmem:$0x1E800] =	vst v63  }
0xcd: {  	s29 =	simm.s32 $0x14180  }
0xce: {  	[tilespmem:s30], [sflag:$0x4] =	stream.indirect.gather [spmem:s1], $0x40, s29, s19, $0xb8;
	[tilespmem:$0x1E800] =	vst v63  }
0xcf: {  	_ =	swait.ge [sflag:s31], $0x2000  }
0xd0: {  	[sflag:s31] =	ssyncset.done $0x0  }
0xd1: {  	[sflag:s31] =	ssyncadd.s32 $0xFFFFE000  }
0xd2: {  	[spmem:s2] =	stream.indirect.scatter.add.f32 [tilespmem:s25], [sflag:$0x7], $0x40, s0, s19, $0xb8;
	[tilespmem:$0x1E800] =	vst v63  }
0xd3: {  	_ =	swait.ge [sflag:s3], $0x2000  }
0xd4: {  	[sflag:s3] =	ssyncset.done $0x0  }
0xd5: {  	[sflag:s3] =	ssyncadd.s32 $0xFFFFE000  }
0xd6: {  	[tilespmem:s20], [sflag:$0x1] =	stream.indirect.gather [spmem:s1], $0x40, s7, s19, $0xb8;
	[tilespmem:$0x1E800] =	vst v63  }
0xd7: {  	_ =	swait.ge [sflag:s10], $0x2000  }
0xd8: {  	[sflag:s10] =	ssyncset.done $0x0  }
0xd9: {  	[sflag:s10] =	ssyncadd.s32 $0xFFFFE000  }
0xda: {  	[spmem:s2] =	stream.indirect.scatter.add.f32 [tilespmem:s30], [sflag:$0x8], $0x40, s11, s19, $0xb8;
	[tilespmem:$0x1E800] =	vst v63  }
0xdb: {  	_ =	swait.ge [sflag:s12], $0x2000  }
0xdc: {  	[sflag:s12] =	ssyncset.done $0x0  }
0xdd: {  	s21 =	simm.s32 $0x0;
	[sflag:s12] =	ssyncadd.s32 $0xFFFFE000  }
0xde: {  	[tilespmem:s22], [sflag:$0x2] =	stream.indirect.gather [spmem:s1], $0x40, s13, s19, $0xb8;
	[tilespmem:$0x1E800] =	vst v63  }
.LBB2_8:
0xdf: {  	_ =	swait.ge [sflag:s23], $0x2000  }
0xe0: {  	s24 =	sshra.s32 s21, $0x2;
	[sflag:s23] =	ssyncset.done $0x0  }
0xe1: {  	s28 =	sadd.s32 $0x15600, s24;
	[sflag:s23] =	ssyncadd.s32 $0xFFFFE000  }
0xe2: {  	[spmem:s2] =	stream.indirect.scatter.add.f32 [tilespmem:s20], [sflag:$0x5], $0x40, s28, s19, $0xb8;
	[tilespmem:$0x1E800] =	vst v63  }
0xe3: {  	_ =	swait.ge [sflag:s14], $0x2000  }
0xe4: {  	[sflag:s14] =	ssyncset.done $0x0  }
0xe5: {  	s28 =	sadd.s32 $0x14300, s24;
	[sflag:s14] =	ssyncadd.s32 $0xFFFFE000  }
0xe6: {  	[tilespmem:s25], [sflag:$0x3] =	stream.indirect.gather [spmem:s1], $0x40, s28, s19, $0xb8;
	[tilespmem:$0x1E800] =	vst v63  }
0xe7: {  	_ =	swait.ge [sflag:s26], $0x2000  }
0xe8: {  	[sflag:s26] =	ssyncset.done $0x0  }
0xe9: {  	s28 =	sadd.s32 $0x15680, s24;
	[sflag:s26] =	ssyncadd.s32 $0xFFFFE000  }
0xea: {  	[spmem:s2] =	stream.indirect.scatter.add.f32 [tilespmem:s22], [sflag:$0x6], $0x40, s28, s19, $0xb8;
	[tilespmem:$0x1E800] =	vst v63  }
0xeb: {  	_ =	swait.ge [sflag:s16], $0x2000  }
0xec: {  	[sflag:s16] =	ssyncset.done $0x0  }
0xed: {  	p0 =	seq.s32 s21, $0x4000;
	s28 =	sadd.s32 $0x14380, s24;
	[sflag:s16] =	ssyncadd.s32 $0xFFFFE000  }
0xee: {  	[tilespmem:s30], [sflag:$0x4] =	stream.indirect.gather [spmem:s1], $0x40, s28, s19, $0xb8;
	[tilespmem:$0x1E800] =	vst v63  }
.Ltmp8:
0xef: {  	_ =	swait.ge [sflag:s31], $0x2000;
	(pc) =	sbr.rel @p0 .LBB2_10-.Ltmp8, $4  }
0xf0: {  	[sflag:s31] =	ssyncset.done $0x0  }
0xf1: {  	s28 =	sadd.s32 $0x15700, s24;
	[sflag:s31] =	ssyncadd.s32 $0xFFFFE000  }
0xf2: {  	[spmem:s2] =	stream.indirect.scatter.add.f32 [tilespmem:s25], [sflag:$0x7], $0x40, s28, s19, $0xb8;
	[tilespmem:$0x1E800] =	vst v63  }
0xf3: {  	s28 =	sadd.s32 $0x15780, s24  }
0xf4: {  	_ =	swait.ge [sflag:s3], $0x2000  }
0xf5: {  	[sflag:s3] =	ssyncset.done $0x0  }
0xf6: {  	s29 =	sadd.s32 $0x14400, s24;
	[sflag:s3] =	ssyncadd.s32 $0xFFFFE000  }
0xf7: {  	[tilespmem:s20], [sflag:$0x1] =	stream.indirect.gather [spmem:s1], $0x40, s29, s19, $0xb8;
	[tilespmem:$0x1E800] =	vst v63  }
0xf8: {  	_ =	swait.ge [sflag:s10], $0x2000  }
0xf9: {  	[sflag:s10] =	ssyncset.done $0x0  }
0xfa: {  	[sflag:s10] =	ssyncadd.s32 $0xFFFFE000  }
0xfb: {  	[spmem:s2] =	stream.indirect.scatter.add.f32 [tilespmem:s30], [sflag:$0x8], $0x40, s28, s19, $0xb8;
	[tilespmem:$0x1E800] =	vst v63  }
.Ltmp9:
0xfc: {  	_ = 	snop;
	(pc) =	sbr.rel .LBB2_8-.Ltmp9, $4  }
0xfd: {  	_ =	swait.ge [sflag:s12], $0x2000  }
0xfe: {  	[sflag:s12] =	ssyncset.done $0x0  }
0xff: {  	s21 =	sadd.s32 $0x800, s21;
	s29 =	sadd.s32 $0x14480, s24;
	[sflag:s12] =	ssyncadd.s32 $0xFFFFE000  }
0x100: {  	[tilespmem:s22], [sflag:$0x2] =	stream.indirect.gather [spmem:s1], $0x40, s29, s19, $0xb8;
	[tilespmem:$0x1E800] =	vst v63  }
.LBB2_12:
0x101: {  	_ =	sfence.sel $0x180000  }
0x102: {  	[bflag:$0x0] =	sbarrier.arrive $0xFFFF  }
0x103: {  	_ =	strace $0x90000050  }
0x104: {  	s0 =	stileid.u32;
	[bflag:$0x2] =	sbarrier.arrive $0xFFFF  }
0x105: {  	p0 =	sne.s32 s0, $0x0;
	s0 =	rddreg [dreg:$0x3]  }
0x106: {  	s0 =	sadd.s32 @!p0 $0x100000, s0  }
0x107: {  	[sflag:s0] =	ssyncadd.tile.s32 @!p0 $0x1;
	_ =	shalt  }
.Lfunc_end2:
_tile_overlayer_lowered:
.L_overlay_start_2:
0x108: {  	(tag) =	ssettag $0x2  }
0x109: {  	s0 =	rddreg [dreg:$0x0];
	s2 =	stileid.u32  }
0x10a: {  	s1 =	rddreg [dreg:$0x1];
	p0 =	sne.s32 s2, $0x0  }
0x10b: {  	s3 =	rddreg [dreg:$0x2];
	[bflag:$0x3] =	sbarrier.arrive $0xFFFF;
	s2 =	simm.s32 @!p0 $0x1C09  }
0x10c: {  	[timem:s3], [sflag:s2] =	dma.local @!p0 [hbm:s0], s1  }
0x10d: {  	s0 =	simm.s32 @!p0 $0x9  }
0x10e: {  	_ =	swait.ge @!p0 [sflag:s0], s1  }
0x10f: {  	s1 =	ssub.s32 @!p0 $0x0, s1;
	[sflag:s0] =	ssyncset.done @!p0 $0x0  }
0x110: {  	[sflag:s0] =	ssyncadd.s32 @!p0 s1  }
0x111: {  	[bflag:$0x3] =	sbarrier.arrive $0xFFFF  }
0x112: {  	_ =	shalt  }

</sc_bundles>
